<compile_context>
chip_gen: v7x
topology: tpu7x:2x2x1
jax: 0.10.2.dev20260603
libtpu: 0.0.44.dev20260713+nightly
codegen_flags: <defaults>
</compile_context>

<pallas_src>
import functools

import jax
import jax.numpy as jnp
from jax import lax
from jax.experimental import pallas as pl
from jax.experimental.pallas import tpu as pltpu
from jax.experimental.pallas import tpu_sc as plsc

NC = 2
NS = 16
CH = 128
D = 128


def _make_sc_aggregate(n_pad, e_pad):
    nchunk = e_pad // (NC * NS * CH)
    rows_per_sub = n_pad // NS
    mesh = plsc.VectorSubcoreMesh(core_axis_name="c", subcore_axis_name="s")

    out_type = (jax.ShapeDtypeStruct((NC, n_pad, D), jnp.float32),
                jax.ShapeDtypeStruct((NC, n_pad, D), jnp.float32))
    scratch = [
        pltpu.VMEM((CH,), jnp.int32),
        pltpu.VMEM((1, CH), jnp.int32),
        pltpu.VMEM((1, CH), jnp.int32),
        pltpu.VMEM((CH, D), jnp.float32),
        pltpu.VMEM_SHARED((n_pad, D), jnp.float32),
        pltpu.SemaphoreType.DMA,
    ]

    @functools.partial(pl.kernel, out_type=out_type, mesh=mesh,
                       scratch_types=scratch)
    def body(src_hbm, dst_hbm, tab_hbm, zrow_hbm, iota_hbm,
             sum_out, base_out, sidx, didx, iidx, rows, acc, sem):
        c = lax.axis_index("c")
        s = lax.axis_index("s")
        rbase = s * rows_per_sub

        def gather(src, dst):
            pltpu.async_copy(src, dst, sem).wait()

        def scatter(src, dst, add=False):
            pltpu.async_copy(src, dst, sem, add=add).wait()

        pltpu.sync_copy(zrow_hbm, rows)

        @pl.loop(0, rows_per_sub, step=CH)
        def _(r):
            pltpu.sync_copy(iota_hbm.at[pl.ds(rbase + r, CH)], iidx.at[0])
            scatter(rows, acc.at[iidx.at[0]])

        @pl.loop(0, rows_per_sub, step=CH)
        def _(r):
            pltpu.sync_copy(iota_hbm.at[pl.ds(rbase + r, CH)], iidx.at[0])
            gather(acc.at[iidx.at[0]], rows)
            pltpu.sync_copy(rows, base_out.at[c].at[pl.ds(rbase + r, CH)])

        plsc.subcore_barrier()

        wid = c * NS + s
        ebase = wid * (nchunk * CH)

        @pl.loop(0, nchunk)
        def _(i):
            off = ebase + i * CH
            pltpu.sync_copy(src_hbm.at[pl.ds(off, CH)], sidx)
            pltpu.sync_copy(dst_hbm.at[pl.ds(off, CH)], didx.at[0])
            gather(tab_hbm.at[sidx], rows)
            scatter(rows, acc.at[didx.at[0]], add=True)

        plsc.subcore_barrier()

        @pl.loop(0, rows_per_sub, step=CH)
        def _(r):
            pltpu.sync_copy(iota_hbm.at[pl.ds(rbase + r, CH)], iidx.at[0])
            gather(acc.at[iidx.at[0]], rows)
            pltpu.sync_copy(rows, sum_out.at[c].at[pl.ds(rbase + r, CH)])

    return body


def _make_tc_layer(n_pad, final):
    blk = 1024
    grid = (n_pad // blk,)
    hi = jax.lax.Precision.HIGHEST

    in_specs = [
        pl.BlockSpec((NC, blk, D), lambda i: (0, i, 0)),
        pl.BlockSpec((NC, blk, D), lambda i: (0, i, 0)),
        pl.BlockSpec((NC, blk, D), lambda i: (0, i, 0)),
        pl.BlockSpec((NC, blk, D), lambda i: (0, i, 0)),
        pl.BlockSpec((blk, D), lambda i: (i, 0)),
        pl.BlockSpec((D, D), lambda i: (0, 0)),
        pl.BlockSpec((D, D), lambda i: (0, 0)),
        pl.BlockSpec((1, D), lambda i: (0, 0)),
    ]
    if final:
        in_specs += [
            pl.BlockSpec((D, D), lambda i: (0, 0)),
            pl.BlockSpec((1, D), lambda i: (0, 0)),
        ]

    def body(*refs):
        if final:
            sums, bsums, cnts, bcnts, xr, wl, wr, b, wo, bo, o = refs
        else:
            sums, bsums, cnts, bcnts, xr, wl, wr, b, o = refs
        ssum = (sums[0] - bsums[0]) + (sums[1] - bsums[1])
        cnt = ((cnts[0, :, 0:1] - bcnts[0, :, 0:1])
               + (cnts[1, :, 0:1] - bcnts[1, :, 0:1]))
        agg = ssum / jnp.maximum(cnt, 1.0)
        h = jnp.dot(agg, wl[...], preferred_element_type=jnp.float32,
                    precision=hi)
        h = h + jnp.dot(xr[...], wr[...], preferred_element_type=jnp.float32,
                        precision=hi)
        h = jnp.maximum(h + b[...], 0.0)
        if final:
            o[...] = jnp.dot(h, wo[...], preferred_element_type=jnp.float32,
                             precision=hi) + bo[...]
        else:
            o[...] = h

    return pl.pallas_call(
        body,
        grid=grid,
        in_specs=in_specs,
        out_specs=pl.BlockSpec((blk, D), lambda i: (i, 0)),
        out_shape=jax.ShapeDtypeStruct((n_pad, D), jnp.float32),
    )


def kernel(x, edge_index, W_l1, W_r1, b1, g1, be1, rm1, rv1,
           W_l2, W_r2, b2, g2, be2, rm2, rv2, W_lin, b_lin):
    n, d = x.shape
    e = edge_index.shape[1]
    out_dim = W_lin.shape[0]

    n_pad = ((n + 1 + NS * CH - 1) // (NS * CH)) * (NS * CH)
    chunk = NC * NS * CH
    e_pad = ((e + chunk - 1) // chunk) * chunk

    src = jnp.concatenate(
        [edge_index[0], jnp.zeros((e_pad - e,), jnp.int32)])
    dst = jnp.concatenate(
        [edge_index[1], jnp.full((e_pad - e,), n, jnp.int32)])
    x_pad = jnp.pad(x, ((0, n_pad - n), (0, 0)))

    s1 = g1 * lax.rsqrt(rv1 + 1e-5)
    wl1 = W_l1.T * s1[None, :]
    wr1 = W_r1.T * s1[None, :]
    bb1 = ((b1 - rm1) * s1 + be1)[None, :]
    s2 = g2 * lax.rsqrt(rv2 + 1e-5)
    wl2 = W_l2.T * s2[None, :]
    wr2 = W_r2.T * s2[None, :]
    bb2 = ((b2 - rm2) * s2 + be2)[None, :]
    wlin = jnp.pad(W_lin.T, ((0, 0), (0, D - out_dim)))
    blin = jnp.pad(b_lin, (0, D - out_dim))[None, :]

    zrow = jnp.zeros((CH, D), jnp.float32)
    ones_tab = jnp.ones((n_pad, D), jnp.float32)
    iota = jnp.arange(n_pad, dtype=jnp.int32)

    sc_agg = _make_sc_aggregate(n_pad, e_pad)
    sum1, bsum1 = sc_agg(src, dst, x_pad, zrow, iota)
    cnts, bcnts = sc_agg(src, dst, ones_tab, zrow, iota)
    h1 = _make_tc_layer(n_pad, final=False)(
        sum1, bsum1, cnts, bcnts, x_pad, wl1, wr1, bb1)

    sum2, bsum2 = sc_agg(src, dst, h1, zrow, iota)
    out = _make_tc_layer(n_pad, final=True)(
        sum2, bsum2, cnts, bcnts, h1, wl2, wr2, bb2, wlin, blin)

    return out[:n, :out_dim]

# --- scband reference (transcript-rebuilt; emitter-appended) ---
"""Pipeline reference for scband-graph-sage-51161650430634 (READ-ONLY COPY).

The authoritative reference and input builder live on the scoring server;
editing this copy changes nothing except your own understanding.
"""

import jax, jax.numpy as jnp
import numpy as np

N = 10000
E = 320000
IN = 128
H = 128
OUT = 2


def setup_inputs(seed: int = 0) -> dict:
    key = jax.random.key(seed)
    ks = jax.random.split(key, 10)
    x = jax.random.normal(ks[0], (N, IN), dtype=jnp.float32)
    edge_index = jax.random.randint(ks[1], (2, E), 0, N, dtype=jnp.int32)
    s1 = 1.0 / np.sqrt(IN)
    s2 = 1.0 / np.sqrt(H)
    W_l1 = jax.random.uniform(ks[2], (H, IN), jnp.float32, -s1, s1)
    W_r1 = jax.random.uniform(ks[3], (H, IN), jnp.float32, -s1, s1)
    b1 = jnp.zeros((H,), jnp.float32)
    W_l2 = jax.random.uniform(ks[4], (H, H), jnp.float32, -s2, s2)
    W_r2 = jax.random.uniform(ks[5], (H, H), jnp.float32, -s2, s2)
    b2 = jnp.zeros((H,), jnp.float32)
    g1 = jnp.ones((H,), jnp.float32); be1 = jnp.zeros((H,), jnp.float32)
    rm1 = jnp.zeros((H,), jnp.float32); rv1 = jnp.ones((H,), jnp.float32)
    g2 = jnp.ones((H,), jnp.float32); be2 = jnp.zeros((H,), jnp.float32)
    rm2 = jnp.zeros((H,), jnp.float32); rv2 = jnp.ones((H,), jnp.float32)
    W_lin = jax.random.uniform(ks[6], (OUT, H), jnp.float32, -s2, s2)
    b_lin = jnp.zeros((OUT,), jnp.float32)
    return {"x": x, "edge_index": edge_index,
            "W_l1": W_l1, "W_r1": W_r1, "b1": b1,
            "g1": g1, "be1": be1, "rm1": rm1, "rv1": rv1,
            "W_l2": W_l2, "W_r2": W_r2, "b2": b2,
            "g2": g2, "be2": be2, "rm2": rm2, "rv2": rv2,
            "W_lin": W_lin, "b_lin": b_lin}


def _sage_conv(x, src, dst, W_l, W_r, b):
    # PyG SAGEConv with mean aggregation: lin_l(mean_{j->i} x_j) + lin_r(x_i)
    msgs = jnp.take(x, src, axis=0)
    agg = jax.ops.segment_sum(msgs, dst, num_segments=N)
    cnt = jax.ops.segment_sum(jnp.ones((src.shape[0], 1), x.dtype), dst, num_segments=N)
    agg = agg / jnp.clip(cnt, 1.0, None)
    return agg @ W_l.T + x @ W_r.T + b


def _bn_eval(h, g, be, rm, rv, eps=1e-5):
    return (h - rm) / jnp.sqrt(rv + eps) * g + be


def reference(x, edge_index, W_l1, W_r1, b1, g1, be1, rm1, rv1,
              W_l2, W_r2, b2, g2, be2, rm2, rv2, W_lin, b_lin):
    src = edge_index[0]
    dst = edge_index[1]
    h = _sage_conv(x, src, dst, W_l1, W_r1, b1)
    h = jax.nn.relu(_bn_eval(h, g1, be1, rm1, rv1))
    # dropout is identity in eval mode
    h = _sage_conv(h, src, dst, W_l2, W_r2, b2)
    h = jax.nn.relu(_bn_eval(h, g2, be2, rm2, rv2))
    return h @ W_lin.T + b_lin

if __name__ == "__main__":
    import jax
    _d = setup_inputs()
    print(jax.jit(kernel)(*tuple(_d.values())))

</pallas_src>

<mosaic_0001>
#map = affine_map<(d0, d1) -> (0)>
#map1 = affine_map<(d0, d1) -> (0, 0)>
#map2 = affine_map<(d0, d1) -> (0, 0, 0)>
module attributes {stable_mosaic.version = 14 : i64} {
  func.func @body(%arg0: i32, %arg1: i32, %arg2: memref<323584xi32, #tpu.memory_space<hbm>>, %arg3: memref<323584xi32, #tpu.memory_space<hbm>>, %arg4: memref<10240x128xf32, #tpu.memory_space<hbm>>, %arg5: memref<128x128xf32, #tpu.memory_space<hbm>>, %arg6: memref<10240xi32, #tpu.memory_space<hbm>>, %arg7: memref<2x10240x128xf32, #tpu.memory_space<hbm>>, %arg8: memref<2x10240x128xf32, #tpu.memory_space<hbm>>, %arg9: memref<128xi32, #tpu.memory_space<vmem>>, %arg10: memref<1x128xi32, #tpu.memory_space<vmem>>, %arg11: memref<1x128xi32, #tpu.memory_space<vmem>>, %arg12: memref<128x128xf32, #tpu.memory_space<vmem>>, %arg13: memref<10240x128xf32, #tpu.memory_space<vmem_shared>>, %arg14: memref<!tpu.dma_semaphore, #tpu.memory_space<semaphore_mem>>) attributes {dimension_semantics = [#tpu.dimension_semantics<core_parallel>, #tpu.dimension_semantics<subcore_parallel>], iteration_bounds = array<i64: 2, 16>, scalar_prefetch = 0 : i64, scratch_operands = 6 : i64, tpu.core_type = #tpu.core_type<sc_vector_subcore>, window_params = [{transform_indices = #map}, {transform_indices = #map}, {transform_indices = #map1}, {transform_indices = #map1}, {transform_indices = #map}, {transform_indices = #map2}, {transform_indices = #map2}]} {
    %mul3A = arith.constant 640 : i32
    %mul3A_0 = arith.muli %arg1, %mul3A : i32
    "tpu.region"() ({
      %run_scoped3A = tpu.sem_alloc : memref<!tpu.dma_semaphore, #tpu.memory_space<semaphore_mem>>
      tpu.enqueue_dma source(%arg5 : memref<128x128xf32, #tpu.memory_space<hbm>>) target(%arg12 : memref<128x128xf32, #tpu.memory_space<vmem>>) target_semaphore(%run_scoped3A : memref<!tpu.dma_semaphore, #tpu.memory_space<semaphore_mem>>)
      tpu.wait_dma2 semaphore(%run_scoped3A : memref<!tpu.dma_semaphore, #tpu.memory_space<semaphore_mem>>) src(%arg5 : memref<128x128xf32, #tpu.memory_space<hbm>>) dst(%arg12 : memref<128x128xf32, #tpu.memory_space<vmem>>)
      tpu.yield
    }) : () -> ()
    %scan3A = arith.constant 0 : i32
    %scan3A_1 = arith.constant 5 : i32
    %scan3A_2 = arith.addi %scan3A, %scan3A_1 : i32
    %scan3A_3 = arith.constant 1 : i32
    scf.for %scan3A_25 = %scan3A to %scan3A_2 step %scan3A_3  : i32 {
      %mul3A_26 = arith.constant 128 : i32
      %mul3A_27 = arith.muli %scan3A_25, %mul3A_26 : i32
      %add3A_28 = arith.constant 0 : i32
      %add3A_29 = arith.addi %add3A_28, %mul3A_27 : i32
      %add3A_30 = arith.addi %mul3A_0, %add3A_29 : i32
      %run_scoped3A = arith.constant 0 : i32
      "tpu.region"() ({
        %run_scoped3A_43 = tpu.sem_alloc : memref<!tpu.dma_semaphore, #tpu.memory_space<semaphore_mem>>
        %dma_start3A_44 = arith.constant 0 : i32
        %dma_start3A_45 = tpu.memref_slice %arg11[%run_scoped3A, %dma_start3A_44] : memref<1x128xi32, #tpu.memory_space<vmem>> -> memref<1x128xi32, #tpu.memory_space<vmem>>
        %dma_start3A_46 = tpu.memref_squeeze %dma_start3A_45 : memref<1x128xi32, #tpu.memory_space<vmem>> -> memref<128xi32, #tpu.memory_space<vmem>>
        %dma_start3A_47 = tpu.memref_slice %arg6[%add3A_30] : memref<10240xi32, #tpu.memory_space<hbm>> -> memref<128xi32, #tpu.memory_space<hbm>>
        %dma_start3A_48 = arith.constant 0 : i32
        %dma_start3A_49 = tpu.memref_slice %arg11[%run_scoped3A, %dma_start3A_48] : memref<1x128xi32, #tpu.memory_space<vmem>> -> memref<1x128xi32, #tpu.memory_space<vmem>>
        %dma_start3A_50 = tpu.memref_squeeze %dma_start3A_49 : memref<1x128xi32, #tpu.memory_space<vmem>> -> memref<128xi32, #tpu.memory_space<vmem>>
        %dma_start3A_51 = tpu.memref_slice %arg6[%add3A_30] : memref<10240xi32, #tpu.memory_space<hbm>> -> memref<128xi32, #tpu.memory_space<hbm>>
        tpu.enqueue_dma source(%dma_start3A_51 : memref<128xi32, #tpu.memory_space<hbm>>) target(%dma_start3A_50 : memref<128xi32, #tpu.memory_space<vmem>>) target_semaphore(%run_scoped3A_43 : memref<!tpu.dma_semaphore, #tpu.memory_space<semaphore_mem>>)
        %dma_wait3A_52 = arith.constant 0 : i32
        %dma_wait3A_53 = tpu.memref_slice %arg11[%run_scoped3A, %dma_wait3A_52] : memref<1x128xi32, #tpu.memory_space<vmem>> -> memref<1x128xi32, #tpu.memory_space<vmem>>
        %dma_wait3A_54 = tpu.memref_squeeze %dma_wait3A_53 : memref<1x128xi32, #tpu.memory_space<vmem>> -> memref<128xi32, #tpu.memory_space<vmem>>
        %dma_wait3A_55 = tpu.memref_slice %arg6[%add3A_30] : memref<10240xi32, #tpu.memory_space<hbm>> -> memref<128xi32, #tpu.memory_space<hbm>>
        %dma_wait3A_56 = arith.constant 0 : i32
        %dma_wait3A_57 = tpu.memref_slice %arg11[%run_scoped3A, %dma_wait3A_56] : memref<1x128xi32, #tpu.memory_space<vmem>> -> memref<1x128xi32, #tpu.memory_space<vmem>>
        %dma_wait3A_58 = tpu.memref_squeeze %dma_wait3A_57 : memref<1x128xi32, #tpu.memory_space<vmem>> -> memref<128xi32, #tpu.memory_space<vmem>>
        %dma_wait3A_59 = tpu.memref_slice %arg6[%add3A_30] : memref<10240xi32, #tpu.memory_space<hbm>> -> memref<128xi32, #tpu.memory_space<hbm>>
        tpu.wait_dma2 semaphore(%run_scoped3A_43 : memref<!tpu.dma_semaphore, #tpu.memory_space<semaphore_mem>>) src(%dma_wait3A_59 : memref<128xi32, #tpu.memory_space<hbm>>) dst(%dma_wait3A_58 : memref<128xi32, #tpu.memory_space<vmem>>)
        tpu.yield
      }) : () -> ()
      %dma_start3A = arith.constant 0 : i32
      %dma_start3A_31 = arith.constant 0 : i32
      %dma_start3A_32 = tpu.memref_slice %arg11[%dma_start3A, %dma_start3A_31] : memref<1x128xi32, #tpu.memory_space<vmem>> -> memref<1x128xi32, #tpu.memory_space<vmem>>
      %dma_start3A_33 = tpu.memref_squeeze %dma_start3A_32 : memref<1x128xi32, #tpu.memory_space<vmem>> -> memref<128xi32, #tpu.memory_space<vmem>>
      %dma_start3A_34 = arith.constant 0 : i32
      %dma_start3A_35 = arith.constant 0 : i32
      %dma_start3A_36 = tpu.memref_slice %arg13[%dma_start3A_34, %dma_start3A_35] : memref<10240x128xf32, #tpu.memory_space<vmem_shared>> -> memref<10240x128xf32, #tpu.memory_space<vmem_shared>>
      tpu.enqueue_indirect_dma source(%arg12 : memref<128x128xf32, #tpu.memory_space<vmem>>) target(%dma_start3A_36 : memref<10240x128xf32, #tpu.memory_space<vmem_shared>>) offsets(%dma_start3A_33 : memref<128xi32, #tpu.memory_space<vmem>>) semaphore(%arg14 : memref<!tpu.dma_semaphore, #tpu.memory_space<semaphore_mem>>)
      %dma_wait3A = arith.constant 0 : i32
      %dma_wait3A_37 = arith.constant 0 : i32
      %dma_wait3A_38 = tpu.memref_slice %arg11[%dma_wait3A, %dma_wait3A_37] : memref<1x128xi32, #tpu.memory_space<vmem>> -> memref<1x128xi32, #tpu.memory_space<vmem>>
      %dma_wait3A_39 = tpu.memref_squeeze %dma_wait3A_38 : memref<1x128xi32, #tpu.memory_space<vmem>> -> memref<128xi32, #tpu.memory_space<vmem>>
      %dma_wait3A_40 = arith.constant 0 : i32
      %dma_wait3A_41 = arith.constant 0 : i32
      %dma_wait3A_42 = tpu.memref_slice %arg13[%dma_wait3A_40, %dma_wait3A_41] : memref<10240x128xf32, #tpu.memory_space<vmem_shared>> -> memref<10240x128xf32, #tpu.memory_space<vmem_shared>>
      tpu.wait_indirect_dma semaphore(%arg14 : memref<!tpu.dma_semaphore, #tpu.memory_space<semaphore_mem>>) src(%arg12 : memref<128x128xf32, #tpu.memory_space<vmem>>) dst(%dma_wait3A_42 : memref<10240x128xf32, #tpu.memory_space<vmem_shared>>)
    }
    %scan3A_4 = arith.constant 5 : i32
    %scan3A_5 = arith.constant 0 : i32
    %scan3A_6 = arith.constant 5 : i32
    %scan3A_7 = arith.addi %scan3A_5, %scan3A_6 : i32
    %scan3A_8 = arith.constant 1 : i32
    scf.for %scan3A_25 = %scan3A_5 to %scan3A_7 step %scan3A_8  : i32 {
      %mul3A_26 = arith.constant 128 : i32
      %mul3A_27 = arith.muli %scan3A_25, %mul3A_26 : i32
      %add3A_28 = arith.constant 0 : i32
      %add3A_29 = arith.addi %add3A_28, %mul3A_27 : i32
      %add3A_30 = arith.addi %mul3A_0, %add3A_29 : i32
      %run_scoped3A = arith.constant 0 : i32
      "tpu.region"() ({
        %run_scoped3A_44 = tpu.sem_alloc : memref<!tpu.dma_semaphore, #tpu.memory_space<semaphore_mem>>
        %dma_start3A_45 = arith.constant 0 : i32
        %dma_start3A_46 = tpu.memref_slice %arg11[%run_scoped3A, %dma_start3A_45] : memref<1x128xi32, #tpu.memory_space<vmem>> -> memref<1x128xi32, #tpu.memory_space<vmem>>
        %dma_start3A_47 = tpu.memref_squeeze %dma_start3A_46 : memref<1x128xi32, #tpu.memory_space<vmem>> -> memref<128xi32, #tpu.memory_space<vmem>>
        %dma_start3A_48 = tpu.memref_slice %arg6[%add3A_30] : memref<10240xi32, #tpu.memory_space<hbm>> -> memref<128xi32, #tpu.memory_space<hbm>>
        %dma_start3A_49 = arith.constant 0 : i32
        %dma_start3A_50 = tpu.memref_slice %arg11[%run_scoped3A, %dma_start3A_49] : memref<1x128xi32, #tpu.memory_space<vmem>> -> memref<1x128xi32, #tpu.memory_space<vmem>>
        %dma_start3A_51 = tpu.memref_squeeze %dma_start3A_50 : memref<1x128xi32, #tpu.memory_space<vmem>> -> memref<128xi32, #tpu.memory_space<vmem>>
        %dma_start3A_52 = tpu.memref_slice %arg6[%add3A_30] : memref<10240xi32, #tpu.memory_space<hbm>> -> memref<128xi32, #tpu.memory_space<hbm>>
        tpu.enqueue_dma source(%dma_start3A_52 : memref<128xi32, #tpu.memory_space<hbm>>) target(%dma_start3A_51 : memref<128xi32, #tpu.memory_space<vmem>>) target_semaphore(%run_scoped3A_44 : memref<!tpu.dma_semaphore, #tpu.memory_space<semaphore_mem>>)
        %dma_wait3A_53 = arith.constant 0 : i32
        %dma_wait3A_54 = tpu.memref_slice %arg11[%run_scoped3A, %dma_wait3A_53] : memref<1x128xi32, #tpu.memory_space<vmem>> -> memref<1x128xi32, #tpu.memory_space<vmem>>
        %dma_wait3A_55 = tpu.memref_squeeze %dma_wait3A_54 : memref<1x128xi32, #tpu.memory_space<vmem>> -> memref<128xi32, #tpu.memory_space<vmem>>
        %dma_wait3A_56 = tpu.memref_slice %arg6[%add3A_30] : memref<10240xi32, #tpu.memory_space<hbm>> -> memref<128xi32, #tpu.memory_space<hbm>>
        %dma_wait3A_57 = arith.constant 0 : i32
        %dma_wait3A_58 = tpu.memref_slice %arg11[%run_scoped3A, %dma_wait3A_57] : memref<1x128xi32, #tpu.memory_space<vmem>> -> memref<1x128xi32, #tpu.memory_space<vmem>>
        %dma_wait3A_59 = tpu.memref_squeeze %dma_wait3A_58 : memref<1x128xi32, #tpu.memory_space<vmem>> -> memref<128xi32, #tpu.memory_space<vmem>>
        %dma_wait3A_60 = tpu.memref_slice %arg6[%add3A_30] : memref<10240xi32, #tpu.memory_space<hbm>> -> memref<128xi32, #tpu.memory_space<hbm>>
        tpu.wait_dma2 semaphore(%run_scoped3A_44 : memref<!tpu.dma_semaphore, #tpu.memory_space<semaphore_mem>>) src(%dma_wait3A_60 : memref<128xi32, #tpu.memory_space<hbm>>) dst(%dma_wait3A_59 : memref<128xi32, #tpu.memory_space<vmem>>)
        tpu.yield
      }) : () -> ()
      %dma_start3A = arith.constant 0 : i32
      %dma_start3A_31 = arith.constant 0 : i32
      %dma_start3A_32 = tpu.memref_slice %arg11[%dma_start3A, %dma_start3A_31] : memref<1x128xi32, #tpu.memory_space<vmem>> -> memref<1x128xi32, #tpu.memory_space<vmem>>
      %dma_start3A_33 = tpu.memref_squeeze %dma_start3A_32 : memref<1x128xi32, #tpu.memory_space<vmem>> -> memref<128xi32, #tpu.memory_space<vmem>>
      %dma_start3A_34 = arith.constant 0 : i32
      %dma_start3A_35 = arith.constant 0 : i32
      %dma_start3A_36 = tpu.memref_slice %arg13[%dma_start3A_34, %dma_start3A_35] : memref<10240x128xf32, #tpu.memory_space<vmem_shared>> -> memref<10240x128xf32, #tpu.memory_space<vmem_shared>>
      tpu.enqueue_indirect_dma source(%dma_start3A_36 : memref<10240x128xf32, #tpu.memory_space<vmem_shared>>) target(%arg12 : memref<128x128xf32, #tpu.memory_space<vmem>>) offsets(%dma_start3A_33 : memref<128xi32, #tpu.memory_space<vmem>>) semaphore(%arg14 : memref<!tpu.dma_semaphore, #tpu.memory_space<semaphore_mem>>)
      %dma_wait3A = arith.constant 0 : i32
      %dma_wait3A_37 = arith.constant 0 : i32
      %dma_wait3A_38 = tpu.memref_slice %arg11[%dma_wait3A, %dma_wait3A_37] : memref<1x128xi32, #tpu.memory_space<vmem>> -> memref<1x128xi32, #tpu.memory_space<vmem>>
      %dma_wait3A_39 = tpu.memref_squeeze %dma_wait3A_38 : memref<1x128xi32, #tpu.memory_space<vmem>> -> memref<128xi32, #tpu.memory_space<vmem>>
      %dma_wait3A_40 = arith.constant 0 : i32
      %dma_wait3A_41 = arith.constant 0 : i32
      %dma_wait3A_42 = tpu.memref_slice %arg13[%dma_wait3A_40, %dma_wait3A_41] : memref<10240x128xf32, #tpu.memory_space<vmem_shared>> -> memref<10240x128xf32, #tpu.memory_space<vmem_shared>>
      tpu.wait_indirect_dma semaphore(%arg14 : memref<!tpu.dma_semaphore, #tpu.memory_space<semaphore_mem>>) src(%dma_wait3A_42 : memref<10240x128xf32, #tpu.memory_space<vmem_shared>>) dst(%arg12 : memref<128x128xf32, #tpu.memory_space<vmem>>)
      %add3A_43 = arith.addi %mul3A_0, %add3A_29 : i32
      "tpu.region"() ({
        %run_scoped3A_44 = tpu.sem_alloc : memref<!tpu.dma_semaphore, #tpu.memory_space<semaphore_mem>>
        %dma_start3A_45 = arith.constant 0 : i32
        %dma_start3A_46 = arith.constant 0 : i32
        %dma_start3A_47 = tpu.memref_slice %arg8[%arg0, %dma_start3A_45, %dma_start3A_46] : memref<2x10240x128xf32, #tpu.memory_space<hbm>> -> memref<1x10240x128xf32, #tpu.memory_space<hbm>>
        %dma_start3A_48 = tpu.memref_squeeze %dma_start3A_47 : memref<1x10240x128xf32, #tpu.memory_space<hbm>> -> memref<10240x128xf32, #tpu.memory_space<hbm>>
        %dma_start3A_49 = arith.constant 0 : i32
        %dma_start3A_50 = tpu.memref_slice %dma_start3A_48[%add3A_43, %dma_start3A_49] : memref<10240x128xf32, #tpu.memory_space<hbm>> -> memref<128x128xf32, #tpu.memory_space<hbm>>
        %dma_start3A_51 = arith.constant 0 : i32
        %dma_start3A_52 = arith.constant 0 : i32
        %dma_start3A_53 = tpu.memref_slice %arg8[%arg0, %dma_start3A_51, %dma_start3A_52] : memref<2x10240x128xf32, #tpu.memory_space<hbm>> -> memref<1x10240x128xf32, #tpu.memory_space<hbm>>
        %dma_start3A_54 = tpu.memref_squeeze %dma_start3A_53 : memref<1x10240x128xf32, #tpu.memory_space<hbm>> -> memref<10240x128xf32, #tpu.memory_space<hbm>>
        %dma_start3A_55 = arith.constant 0 : i32
        %dma_start3A_56 = tpu.memref_slice %dma_start3A_54[%add3A_43, %dma_start3A_55] : memref<10240x128xf32, #tpu.memory_space<hbm>> -> memref<128x128xf32, #tpu.memory_space<hbm>>
        tpu.enqueue_dma source(%arg12 : memref<128x128xf32, #tpu.memory_space<vmem>>) target(%dma_start3A_56 : memref<128x128xf32, #tpu.memory_space<hbm>>) target_semaphore(%run_scoped3A_44 : memref<!tpu.dma_semaphore, #tpu.memory_space<semaphore_mem>>)
        %dma_wait3A_57 = arith.constant 0 : i32
        %dma_wait3A_58 = arith.constant 0 : i32
        %dma_wait3A_59 = tpu.memref_slice %arg8[%arg0, %dma_wait3A_57, %dma_wait3A_58] : memref<2x10240x128xf32, #tpu.memory_space<hbm>> -> memref<1x10240x128xf32, #tpu.memory_space<hbm>>
        %dma_wait3A_60 = tpu.memref_squeeze %dma_wait3A_59 : memref<1x10240x128xf32, #tpu.memory_space<hbm>> -> memref<10240x128xf32, #tpu.memory_space<hbm>>
        %dma_wait3A_61 = arith.constant 0 : i32
        %dma_wait3A_62 = tpu.memref_slice %dma_wait3A_60[%add3A_43, %dma_wait3A_61] : memref<10240x128xf32, #tpu.memory_space<hbm>> -> memref<128x128xf32, #tpu.memory_space<hbm>>
        %dma_wait3A_63 = arith.constant 0 : i32
        %dma_wait3A_64 = arith.constant 0 : i32
        %dma_wait3A_65 = tpu.memref_slice %arg8[%arg0, %dma_wait3A_63, %dma_wait3A_64] : memref<2x10240x128xf32, #tpu.memory_space<hbm>> -> memref<1x10240x128xf32, #tpu.memory_space<hbm>>
        %dma_wait3A_66 = tpu.memref_squeeze %dma_wait3A_65 : memref<1x10240x128xf32, #tpu.memory_space<hbm>> -> memref<10240x128xf32, #tpu.memory_space<hbm>>
        %dma_wait3A_67 = arith.constant 0 : i32
        %dma_wait3A_68 = tpu.memref_slice %dma_wait3A_66[%add3A_43, %dma_wait3A_67] : memref<10240x128xf32, #tpu.memory_space<hbm>> -> memref<128x128xf32, #tpu.memory_space<hbm>>
        tpu.wait_dma2 semaphore(%run_scoped3A_44 : memref<!tpu.dma_semaphore, #tpu.memory_space<semaphore_mem>>) src(%arg12 : memref<128x128xf32, #tpu.memory_space<vmem>>) dst(%dma_wait3A_68 : memref<128x128xf32, #tpu.memory_space<hbm>>)
        tpu.yield
      }) : () -> ()
    }
    %scan3A_9 = arith.constant 5 : i32
    %barrier3A = arith.constant 0 : index
    tpu.barrier barrier_id(%barrier3A)
    %mul3A_10 = arith.constant 16 : i32
    %mul3A_11 = arith.muli %arg0, %mul3A_10 : i32
    %add3A = arith.addi %mul3A_11, %arg1 : i32
    %mul3A_12 = arith.constant 10112 : i32
    %mul3A_13 = arith.muli %add3A, %mul3A_12 : i32
    %scan3A_14 = arith.constant 0 : i32
    %scan3A_15 = arith.constant 79 : i32
    %scan3A_16 = arith.addi %scan3A_14, %scan3A_15 : i32
    %scan3A_17 = arith.constant 1 : i32
    scf.for %scan3A_25 = %scan3A_14 to %scan3A_16 step %scan3A_17  : i32 {
      %mul3A_26 = arith.constant 1 : i32
      %mul3A_27 = arith.muli %scan3A_25, %mul3A_26 : i32
      %add3A_28 = arith.constant 0 : i32
      %add3A_29 = arith.addi %add3A_28, %mul3A_27 : i32
      %mul3A_30 = arith.constant 128 : i32
      %mul3A_31 = arith.muli %add3A_29, %mul3A_30 : i32
      %add3A_32 = arith.addi %mul3A_13, %mul3A_31 : i32
      "tpu.region"() ({
        %run_scoped3A_51 = tpu.sem_alloc : memref<!tpu.dma_semaphore, #tpu.memory_space<semaphore_mem>>
        %dma_start3A_52 = tpu.memref_slice %arg2[%add3A_32] : memref<323584xi32, #tpu.memory_space<hbm>> -> memref<128xi32, #tpu.memory_space<hbm>>
        %dma_start3A_53 = tpu.memref_slice %arg2[%add3A_32] : memref<323584xi32, #tpu.memory_space<hbm>> -> memref<128xi32, #tpu.memory_space<hbm>>
        tpu.enqueue_dma source(%dma_start3A_53 : memref<128xi32, #tpu.memory_space<hbm>>) target(%arg9 : memref<128xi32, #tpu.memory_space<vmem>>) target_semaphore(%run_scoped3A_51 : memref<!tpu.dma_semaphore, #tpu.memory_space<semaphore_mem>>)
        %dma_wait3A_54 = tpu.memref_slice %arg2[%add3A_32] : memref<323584xi32, #tpu.memory_space<hbm>> -> memref<128xi32, #tpu.memory_space<hbm>>
        %dma_wait3A_55 = tpu.memref_slice %arg2[%add3A_32] : memref<323584xi32, #tpu.memory_space<hbm>> -> memref<128xi32, #tpu.memory_space<hbm>>
        tpu.wait_dma2 semaphore(%run_scoped3A_51 : memref<!tpu.dma_semaphore, #tpu.memory_space<semaphore_mem>>) src(%dma_wait3A_55 : memref<128xi32, #tpu.memory_space<hbm>>) dst(%arg9 : memref<128xi32, #tpu.memory_space<vmem>>)
        tpu.yield
      }) : () -> ()
      %run_scoped3A = arith.constant 0 : i32
      "tpu.region"() ({
        %run_scoped3A_51 = tpu.sem_alloc : memref<!tpu.dma_semaphore, #tpu.memory_space<semaphore_mem>>
        %dma_start3A_52 = arith.constant 0 : i32
        %dma_start3A_53 = tpu.memref_slice %arg10[%run_scoped3A, %dma_start3A_52] : memref<1x128xi32, #tpu.memory_space<vmem>> -> memref<1x128xi32, #tpu.memory_space<vmem>>
        %dma_start3A_54 = tpu.memref_squeeze %dma_start3A_53 : memref<1x128xi32, #tpu.memory_space<vmem>> -> memref<128xi32, #tpu.memory_space<vmem>>
        %dma_start3A_55 = tpu.memref_slice %arg3[%add3A_32] : memref<323584xi32, #tpu.memory_space<hbm>> -> memref<128xi32, #tpu.memory_space<hbm>>
        %dma_start3A_56 = arith.constant 0 : i32
        %dma_start3A_57 = tpu.memref_slice %arg10[%run_scoped3A, %dma_start3A_56] : memref<1x128xi32, #tpu.memory_space<vmem>> -> memref<1x128xi32, #tpu.memory_space<vmem>>
        %dma_start3A_58 = tpu.memref_squeeze %dma_start3A_57 : memref<1x128xi32, #tpu.memory_space<vmem>> -> memref<128xi32, #tpu.memory_space<vmem>>
        %dma_start3A_59 = tpu.memref_slice %arg3[%add3A_32] : memref<323584xi32, #tpu.memory_space<hbm>> -> memref<128xi32, #tpu.memory_space<hbm>>
        tpu.enqueue_dma source(%dma_start3A_59 : memref<128xi32, #tpu.memory_space<hbm>>) target(%dma_start3A_58 : memref<128xi32, #tpu.memory_space<vmem>>) target_semaphore(%run_scoped3A_51 : memref<!tpu.dma_semaphore, #tpu.memory_space<semaphore_mem>>)
        %dma_wait3A_60 = arith.constant 0 : i32
        %dma_wait3A_61 = tpu.memref_slice %arg10[%run_scoped3A, %dma_wait3A_60] : memref<1x128xi32, #tpu.memory_space<vmem>> -> memref<1x128xi32, #tpu.memory_space<vmem>>
        %dma_wait3A_62 = tpu.memref_squeeze %dma_wait3A_61 : memref<1x128xi32, #tpu.memory_space<vmem>> -> memref<128xi32, #tpu.memory_space<vmem>>
        %dma_wait3A_63 = tpu.memref_slice %arg3[%add3A_32] : memref<323584xi32, #tpu.memory_space<hbm>> -> memref<128xi32, #tpu.memory_space<hbm>>
        %dma_wait3A_64 = arith.constant 0 : i32
        %dma_wait3A_65 = tpu.memref_slice %arg10[%run_scoped3A, %dma_wait3A_64] : memref<1x128xi32, #tpu.memory_space<vmem>> -> memref<1x128xi32, #tpu.memory_space<vmem>>
        %dma_wait3A_66 = tpu.memref_squeeze %dma_wait3A_65 : memref<1x128xi32, #tpu.memory_space<vmem>> -> memref<128xi32, #tpu.memory_space<vmem>>
        %dma_wait3A_67 = tpu.memref_slice %arg3[%add3A_32] : memref<323584xi32, #tpu.memory_space<hbm>> -> memref<128xi32, #tpu.memory_space<hbm>>
        tpu.wait_dma2 semaphore(%run_scoped3A_51 : memref<!tpu.dma_semaphore, #tpu.memory_space<semaphore_mem>>) src(%dma_wait3A_67 : memref<128xi32, #tpu.memory_space<hbm>>) dst(%dma_wait3A_66 : memref<128xi32, #tpu.memory_space<vmem>>)
        tpu.yield
      }) : () -> ()
      %dma_start3A = arith.constant 0 : i32
      %dma_start3A_33 = arith.constant 0 : i32
      %dma_start3A_34 = tpu.memref_slice %arg4[%dma_start3A, %dma_start3A_33] : memref<10240x128xf32, #tpu.memory_space<hbm>> -> memref<10240x128xf32, #tpu.memory_space<hbm>>
      tpu.enqueue_indirect_dma source(%dma_start3A_34 : memref<10240x128xf32, #tpu.memory_space<hbm>>) target(%arg12 : memref<128x128xf32, #tpu.memory_space<vmem>>) offsets(%arg9 : memref<128xi32, #tpu.memory_space<vmem>>) semaphore(%arg14 : memref<!tpu.dma_semaphore, #tpu.memory_space<semaphore_mem>>)
      %dma_wait3A = arith.constant 0 : i32
      %dma_wait3A_35 = arith.constant 0 : i32
      %dma_wait3A_36 = tpu.memref_slice %arg4[%dma_wait3A, %dma_wait3A_35] : memref<10240x128xf32, #tpu.memory_space<hbm>> -> memref<10240x128xf32, #tpu.memory_space<hbm>>
      tpu.wait_indirect_dma semaphore(%arg14 : memref<!tpu.dma_semaphore, #tpu.memory_space<semaphore_mem>>) src(%dma_wait3A_36 : memref<10240x128xf32, #tpu.memory_space<hbm>>) dst(%arg12 : memref<128x128xf32, #tpu.memory_space<vmem>>)
      %dma_start3A_37 = arith.constant 0 : i32
      %dma_start3A_38 = arith.constant 0 : i32
      %dma_start3A_39 = tpu.memref_slice %arg10[%dma_start3A_37, %dma_start3A_38] : memref<1x128xi32, #tpu.memory_space<vmem>> -> memref<1x128xi32, #tpu.memory_space<vmem>>
      %dma_start3A_40 = tpu.memref_squeeze %dma_start3A_39 : memref<1x128xi32, #tpu.memory_space<vmem>> -> memref<128xi32, #tpu.memory_space<vmem>>
      %dma_start3A_41 = arith.constant 0 : i32
      %dma_start3A_42 = arith.constant 0 : i32
      %dma_start3A_43 = tpu.memref_slice %arg13[%dma_start3A_41, %dma_start3A_42] : memref<10240x128xf32, #tpu.memory_space<vmem_shared>> -> memref<10240x128xf32, #tpu.memory_space<vmem_shared>>
      tpu.enqueue_indirect_dma source(%arg12 : memref<128x128xf32, #tpu.memory_space<vmem>>) target(%dma_start3A_43 : memref<10240x128xf32, #tpu.memory_space<vmem_shared>>) offsets(%dma_start3A_40 : memref<128xi32, #tpu.memory_space<vmem>>) semaphore(%arg14 : memref<!tpu.dma_semaphore, #tpu.memory_space<semaphore_mem>>) {add = true}
      %dma_wait3A_44 = arith.constant 0 : i32
      %dma_wait3A_45 = arith.constant 0 : i32
      %dma_wait3A_46 = tpu.memref_slice %arg10[%dma_wait3A_44, %dma_wait3A_45] : memref<1x128xi32, #tpu.memory_space<vmem>> -> memref<1x128xi32, #tpu.memory_space<vmem>>
      %dma_wait3A_47 = tpu.memref_squeeze %dma_wait3A_46 : memref<1x128xi32, #tpu.memory_space<vmem>> -> memref<128xi32, #tpu.memory_space<vmem>>
      %dma_wait3A_48 = arith.constant 0 : i32
      %dma_wait3A_49 = arith.constant 0 : i32
      %dma_wait3A_50 = tpu.memref_slice %arg13[%dma_wait3A_48, %dma_wait3A_49] : memref<10240x128xf32, #tpu.memory_space<vmem_shared>> -> memref<10240x128xf32, #tpu.memory_space<vmem_shared>>
      tpu.wait_indirect_dma semaphore(%arg14 : memref<!tpu.dma_semaphore, #tpu.memory_space<semaphore_mem>>) src(%arg12 : memref<128x128xf32, #tpu.memory_space<vmem>>) dst(%dma_wait3A_50 : memref<10240x128xf32, #tpu.memory_space<vmem_shared>>)
    }
    %scan3A_18 = arith.constant 79 : i32
    %barrier3A_19 = arith.constant 0 : index
    tpu.barrier barrier_id(%barrier3A_19)
    %scan3A_20 = arith.constant 0 : i32
    %scan3A_21 = arith.constant 5 : i32
    %scan3A_22 = arith.addi %scan3A_20, %scan3A_21 : i32
    %scan3A_23 = arith.constant 1 : i32
    scf.for %scan3A_25 = %scan3A_20 to %scan3A_22 step %scan3A_23  : i32 {
      %mul3A_26 = arith.constant 128 : i32
      %mul3A_27 = arith.muli %scan3A_25, %mul3A_26 : i32
      %add3A_28 = arith.constant 0 : i32
      %add3A_29 = arith.addi %add3A_28, %mul3A_27 : i32
      %add3A_30 = arith.addi %mul3A_0, %add3A_29 : i32
      %run_scoped3A = arith.constant 0 : i32
      "tpu.region"() ({
        %run_scoped3A_44 = tpu.sem_alloc : memref<!tpu.dma_semaphore, #tpu.memory_space<semaphore_mem>>
        %dma_start3A_45 = arith.constant 0 : i32
        %dma_start3A_46 = tpu.memref_slice %arg11[%run_scoped3A, %dma_start3A_45] : memref<1x128xi32, #tpu.memory_space<vmem>> -> memref<1x128xi32, #tpu.memory_space<vmem>>
        %dma_start3A_47 = tpu.memref_squeeze %dma_start3A_46 : memref<1x128xi32, #tpu.memory_space<vmem>> -> memref<128xi32, #tpu.memory_space<vmem>>
        %dma_start3A_48 = tpu.memref_slice %arg6[%add3A_30] : memref<10240xi32, #tpu.memory_space<hbm>> -> memref<128xi32, #tpu.memory_space<hbm>>
        %dma_start3A_49 = arith.constant 0 : i32
        %dma_start3A_50 = tpu.memref_slice %arg11[%run_scoped3A, %dma_start3A_49] : memref<1x128xi32, #tpu.memory_space<vmem>> -> memref<1x128xi32, #tpu.memory_space<vmem>>
        %dma_start3A_51 = tpu.memref_squeeze %dma_start3A_50 : memref<1x128xi32, #tpu.memory_space<vmem>> -> memref<128xi32, #tpu.memory_space<vmem>>
        %dma_start3A_52 = tpu.memref_slice %arg6[%add3A_30] : memref<10240xi32, #tpu.memory_space<hbm>> -> memref<128xi32, #tpu.memory_space<hbm>>
        tpu.enqueue_dma source(%dma_start3A_52 : memref<128xi32, #tpu.memory_space<hbm>>) target(%dma_start3A_51 : memref<128xi32, #tpu.memory_space<vmem>>) target_semaphore(%run_scoped3A_44 : memref<!tpu.dma_semaphore, #tpu.memory_space<semaphore_mem>>)
        %dma_wait3A_53 = arith.constant 0 : i32
        %dma_wait3A_54 = tpu.memref_slice %arg11[%run_scoped3A, %dma_wait3A_53] : memref<1x128xi32, #tpu.memory_space<vmem>> -> memref<1x128xi32, #tpu.memory_space<vmem>>
        %dma_wait3A_55 = tpu.memref_squeeze %dma_wait3A_54 : memref<1x128xi32, #tpu.memory_space<vmem>> -> memref<128xi32, #tpu.memory_space<vmem>>
        %dma_wait3A_56 = tpu.memref_slice %arg6[%add3A_30] : memref<10240xi32, #tpu.memory_space<hbm>> -> memref<128xi32, #tpu.memory_space<hbm>>
        %dma_wait3A_57 = arith.constant 0 : i32
        %dma_wait3A_58 = tpu.memref_slice %arg11[%run_scoped3A, %dma_wait3A_57] : memref<1x128xi32, #tpu.memory_space<vmem>> -> memref<1x128xi32, #tpu.memory_space<vmem>>
        %dma_wait3A_59 = tpu.memref_squeeze %dma_wait3A_58 : memref<1x128xi32, #tpu.memory_space<vmem>> -> memref<128xi32, #tpu.memory_space<vmem>>
        %dma_wait3A_60 = tpu.memref_slice %arg6[%add3A_30] : memref<10240xi32, #tpu.memory_space<hbm>> -> memref<128xi32, #tpu.memory_space<hbm>>
        tpu.wait_dma2 semaphore(%run_scoped3A_44 : memref<!tpu.dma_semaphore, #tpu.memory_space<semaphore_mem>>) src(%dma_wait3A_60 : memref<128xi32, #tpu.memory_space<hbm>>) dst(%dma_wait3A_59 : memref<128xi32, #tpu.memory_space<vmem>>)
        tpu.yield
      }) : () -> ()
      %dma_start3A = arith.constant 0 : i32
      %dma_start3A_31 = arith.constant 0 : i32
      %dma_start3A_32 = tpu.memref_slice %arg11[%dma_start3A, %dma_start3A_31] : memref<1x128xi32, #tpu.memory_space<vmem>> -> memref<1x128xi32, #tpu.memory_space<vmem>>
      %dma_start3A_33 = tpu.memref_squeeze %dma_start3A_32 : memref<1x128xi32, #tpu.memory_space<vmem>> -> memref<128xi32, #tpu.memory_space<vmem>>
      %dma_start3A_34 = arith.constant 0 : i32
      %dma_start3A_35 = arith.constant 0 : i32
      %dma_start3A_36 = tpu.memref_slice %arg13[%dma_start3A_34, %dma_start3A_35] : memref<10240x128xf32, #tpu.memory_space<vmem_shared>> -> memref<10240x128xf32, #tpu.memory_space<vmem_shared>>
      tpu.enqueue_indirect_dma source(%dma_start3A_36 : memref<10240x128xf32, #tpu.memory_space<vmem_shared>>) target(%arg12 : memref<128x128xf32, #tpu.memory_space<vmem>>) offsets(%dma_start3A_33 : memref<128xi32, #tpu.memory_space<vmem>>) semaphore(%arg14 : memref<!tpu.dma_semaphore, #tpu.memory_space<semaphore_mem>>)
      %dma_wait3A = arith.constant 0 : i32
      %dma_wait3A_37 = arith.constant 0 : i32
      %dma_wait3A_38 = tpu.memref_slice %arg11[%dma_wait3A, %dma_wait3A_37] : memref<1x128xi32, #tpu.memory_space<vmem>> -> memref<1x128xi32, #tpu.memory_space<vmem>>
      %dma_wait3A_39 = tpu.memref_squeeze %dma_wait3A_38 : memref<1x128xi32, #tpu.memory_space<vmem>> -> memref<128xi32, #tpu.memory_space<vmem>>
      %dma_wait3A_40 = arith.constant 0 : i32
      %dma_wait3A_41 = arith.constant 0 : i32
      %dma_wait3A_42 = tpu.memref_slice %arg13[%dma_wait3A_40, %dma_wait3A_41] : memref<10240x128xf32, #tpu.memory_space<vmem_shared>> -> memref<10240x128xf32, #tpu.memory_space<vmem_shared>>
      tpu.wait_indirect_dma semaphore(%arg14 : memref<!tpu.dma_semaphore, #tpu.memory_space<semaphore_mem>>) src(%dma_wait3A_42 : memref<10240x128xf32, #tpu.memory_space<vmem_shared>>) dst(%arg12 : memref<128x128xf32, #tpu.memory_space<vmem>>)
      %add3A_43 = arith.addi %mul3A_0, %add3A_29 : i32
      "tpu.region"() ({
        %run_scoped3A_44 = tpu.sem_alloc : memref<!tpu.dma_semaphore, #tpu.memory_space<semaphore_mem>>
        %dma_start3A_45 = arith.constant 0 : i32
        %dma_start3A_46 = arith.constant 0 : i32
        %dma_start3A_47 = tpu.memref_slice %arg7[%arg0, %dma_start3A_45, %dma_start3A_46] : memref<2x10240x128xf32, #tpu.memory_space<hbm>> -> memref<1x10240x128xf32, #tpu.memory_space<hbm>>
        %dma_start3A_48 = tpu.memref_squeeze %dma_start3A_47 : memref<1x10240x128xf32, #tpu.memory_space<hbm>> -> memref<10240x128xf32, #tpu.memory_space<hbm>>
        %dma_start3A_49 = arith.constant 0 : i32
        %dma_start3A_50 = tpu.memref_slice %dma_start3A_48[%add3A_43, %dma_start3A_49] : memref<10240x128xf32, #tpu.memory_space<hbm>> -> memref<128x128xf32, #tpu.memory_space<hbm>>
        %dma_start3A_51 = arith.constant 0 : i32
        %dma_start3A_52 = arith.constant 0 : i32
        %dma_start3A_53 = tpu.memref_slice %arg7[%arg0, %dma_start3A_51, %dma_start3A_52] : memref<2x10240x128xf32, #tpu.memory_space<hbm>> -> memref<1x10240x128xf32, #tpu.memory_space<hbm>>
        %dma_start3A_54 = tpu.memref_squeeze %dma_start3A_53 : memref<1x10240x128xf32, #tpu.memory_space<hbm>> -> memref<10240x128xf32, #tpu.memory_space<hbm>>
        %dma_start3A_55 = arith.constant 0 : i32
        %dma_start3A_56 = tpu.memref_slice %dma_start3A_54[%add3A_43, %dma_start3A_55] : memref<10240x128xf32, #tpu.memory_space<hbm>> -> memref<128x128xf32, #tpu.memory_space<hbm>>
        tpu.enqueue_dma source(%arg12 : memref<128x128xf32, #tpu.memory_space<vmem>>) target(%dma_start3A_56 : memref<128x128xf32, #tpu.memory_space<hbm>>) target_semaphore(%run_scoped3A_44 : memref<!tpu.dma_semaphore, #tpu.memory_space<semaphore_mem>>)
        %dma_wait3A_57 = arith.constant 0 : i32
        %dma_wait3A_58 = arith.constant 0 : i32
        %dma_wait3A_59 = tpu.memref_slice %arg7[%arg0, %dma_wait3A_57, %dma_wait3A_58] : memref<2x10240x128xf32, #tpu.memory_space<hbm>> -> memref<1x10240x128xf32, #tpu.memory_space<hbm>>
        %dma_wait3A_60 = tpu.memref_squeeze %dma_wait3A_59 : memref<1x10240x128xf32, #tpu.memory_space<hbm>> -> memref<10240x128xf32, #tpu.memory_space<hbm>>
        %dma_wait3A_61 = arith.constant 0 : i32
        %dma_wait3A_62 = tpu.memref_slice %dma_wait3A_60[%add3A_43, %dma_wait3A_61] : memref<10240x128xf32, #tpu.memory_space<hbm>> -> memref<128x128xf32, #tpu.memory_space<hbm>>
        %dma_wait3A_63 = arith.constant 0 : i32
        %dma_wait3A_64 = arith.constant 0 : i32
        %dma_wait3A_65 = tpu.memref_slice %arg7[%arg0, %dma_wait3A_63, %dma_wait3A_64] : memref<2x10240x128xf32, #tpu.memory_space<hbm>> -> memref<1x10240x128xf32, #tpu.memory_space<hbm>>
        %dma_wait3A_66 = tpu.memref_squeeze %dma_wait3A_65 : memref<1x10240x128xf32, #tpu.memory_space<hbm>> -> memref<10240x128xf32, #tpu.memory_space<hbm>>
        %dma_wait3A_67 = arith.constant 0 : i32
        %dma_wait3A_68 = tpu.memref_slice %dma_wait3A_66[%add3A_43, %dma_wait3A_67] : memref<10240x128xf32, #tpu.memory_space<hbm>> -> memref<128x128xf32, #tpu.memory_space<hbm>>
        tpu.wait_dma2 semaphore(%run_scoped3A_44 : memref<!tpu.dma_semaphore, #tpu.memory_space<semaphore_mem>>) src(%arg12 : memref<128x128xf32, #tpu.memory_space<vmem>>) dst(%dma_wait3A_68 : memref<128x128xf32, #tpu.memory_space<hbm>>)
        tpu.yield
      }) : () -> ()
    }
    %scan3A_24 = arith.constant 5 : i32
    return
  }
}

#map = affine_map<(d0, d1) -> (0)>
#map1 = affine_map<(d0, d1) -> (0, 0)>
#map2 = affine_map<(d0, d1) -> (0, 0, 0)>
module attributes {stable_mosaic.version = 14 : i64} {
  func.func @body(%arg0: i32, %arg1: i32, %arg2: memref<323584xi32, #tpu.memory_space<hbm>>, %arg3: memref<323584xi32, #tpu.memory_space<hbm>>, %arg4: memref<10240x128xf32, #tpu.memory_space<hbm>>, %arg5: memref<128x128xf32, #tpu.memory_space<hbm>>, %arg6: memref<10240xi32, #tpu.memory_space<hbm>>, %arg7: memref<2x10240x128xf32, #tpu.memory_space<hbm>>, %arg8: memref<2x10240x128xf32, #tpu.memory_space<hbm>>, %arg9: memref<128xi32, #tpu.memory_space<vmem>>, %arg10: memref<1x128xi32, #tpu.memory_space<vmem>>, %arg11: memref<1x128xi32, #tpu.memory_space<vmem>>, %arg12: memref<128x128xf32, #tpu.memory_space<vmem>>, %arg13: memref<10240x128xf32, #tpu.memory_space<vmem_shared>>, %arg14: memref<!tpu.dma_semaphore, #tpu.memory_space<semaphore_mem>>) attributes {dimension_semantics = [#tpu.dimension_semantics<core_parallel>, #tpu.dimension_semantics<subcore_parallel>], iteration_bounds = array<i64: 2, 16>, scalar_prefetch = 0 : i64, scratch_operands = 6 : i64, tpu.core_type = #tpu.core_type<sc_vector_subcore>, window_params = [{transform_indices = #map}, {transform_indices = #map}, {transform_indices = #map1}, {transform_indices = #map1}, {transform_indices = #map}, {transform_indices = #map2}, {transform_indices = #map2}]} {
    %mul3A = arith.constant 640 : i32
    %mul3A_0 = arith.muli %arg1, %mul3A : i32
    "tpu.region"() ({
      %run_scoped3A = tpu.sem_alloc : memref<!tpu.dma_semaphore, #tpu.memory_space<semaphore_mem>>
      tpu.enqueue_dma source(%arg5 : memref<128x128xf32, #tpu.memory_space<hbm>>) target(%arg12 : memref<128x128xf32, #tpu.memory_space<vmem>>) target_semaphore(%run_scoped3A : memref<!tpu.dma_semaphore, #tpu.memory_space<semaphore_mem>>)
      tpu.wait_dma2 semaphore(%run_scoped3A : memref<!tpu.dma_semaphore, #tpu.memory_space<semaphore_mem>>) src(%arg5 : memref<128x128xf32, #tpu.memory_space<hbm>>) dst(%arg12 : memref<128x128xf32, #tpu.memory_space<vmem>>)
      tpu.yield
    }) : () -> ()
    %scan3A = arith.constant 0 : i32
    %scan3A_1 = arith.constant 5 : i32
    %scan3A_2 = arith.addi %scan3A, %scan3A_1 : i32
    %scan3A_3 = arith.constant 1 : i32
    scf.for %scan3A_25 = %scan3A to %scan3A_2 step %scan3A_3  : i32 {
      %mul3A_26 = arith.constant 128 : i32
      %mul3A_27 = arith.muli %scan3A_25, %mul3A_26 : i32
      %add3A_28 = arith.constant 0 : i32
      %add3A_29 = arith.addi %add3A_28, %mul3A_27 : i32
      %add3A_30 = arith.addi %mul3A_0, %add3A_29 : i32
      %run_scoped3A = arith.constant 0 : i32
      "tpu.region"() ({
        %run_scoped3A_43 = tpu.sem_alloc : memref<!tpu.dma_semaphore, #tpu.memory_space<semaphore_mem>>
        %dma_start3A_44 = arith.constant 0 : i32
        %dma_start3A_45 = tpu.memref_slice %arg11[%run_scoped3A, %dma_start3A_44] : memref<1x128xi32, #tpu.memory_space<vmem>> -> memref<1x128xi32, #tpu.memory_space<vmem>>
        %dma_start3A_46 = tpu.memref_squeeze %dma_start3A_45 : memref<1x128xi32, #tpu.memory_space<vmem>> -> memref<128xi32, #tpu.memory_space<vmem>>
        %dma_start3A_47 = tpu.memref_slice %arg6[%add3A_30] : memref<10240xi32, #tpu.memory_space<hbm>> -> memref<128xi32, #tpu.memory_space<hbm>>
        %dma_start3A_48 = arith.constant 0 : i32
        %dma_start3A_49 = tpu.memref_slice %arg11[%run_scoped3A, %dma_start3A_48] : memref<1x128xi32, #tpu.memory_space<vmem>> -> memref<1x128xi32, #tpu.memory_space<vmem>>
        %dma_start3A_50 = tpu.memref_squeeze %dma_start3A_49 : memref<1x128xi32, #tpu.memory_space<vmem>> -> memref<128xi32, #tpu.memory_space<vmem>>
        %dma_start3A_51 = tpu.memref_slice %arg6[%add3A_30] : memref<10240xi32, #tpu.memory_space<hbm>> -> memref<128xi32, #tpu.memory_space<hbm>>
        tpu.enqueue_dma source(%dma_start3A_51 : memref<128xi32, #tpu.memory_space<hbm>>) target(%dma_start3A_50 : memref<128xi32, #tpu.memory_space<vmem>>) target_semaphore(%run_scoped3A_43 : memref<!tpu.dma_semaphore, #tpu.memory_space<semaphore_mem>>)
        %dma_wait3A_52 = arith.constant 0 : i32
        %dma_wait3A_53 = tpu.memref_slice %arg11[%run_scoped3A, %dma_wait3A_52] : memref<1x128xi32, #tpu.memory_space<vmem>> -> memref<1x128xi32, #tpu.memory_space<vmem>>
        %dma_wait3A_54 = tpu.memref_squeeze %dma_wait3A_53 : memref<1x128xi32, #tpu.memory_space<vmem>> -> memref<128xi32, #tpu.memory_space<vmem>>
        %dma_wait3A_55 = tpu.memref_slice %arg6[%add3A_30] : memref<10240xi32, #tpu.memory_space<hbm>> -> memref<128xi32, #tpu.memory_space<hbm>>
        %dma_wait3A_56 = arith.constant 0 : i32
        %dma_wait3A_57 = tpu.memref_slice %arg11[%run_scoped3A, %dma_wait3A_56] : memref<1x128xi32, #tpu.memory_space<vmem>> -> memref<1x128xi32, #tpu.memory_space<vmem>>
        %dma_wait3A_58 = tpu.memref_squeeze %dma_wait3A_57 : memref<1x128xi32, #tpu.memory_space<vmem>> -> memref<128xi32, #tpu.memory_space<vmem>>
        %dma_wait3A_59 = tpu.memref_slice %arg6[%add3A_30] : memref<10240xi32, #tpu.memory_space<hbm>> -> memref<128xi32, #tpu.memory_space<hbm>>
        tpu.wait_dma2 semaphore(%run_scoped3A_43 : memref<!tpu.dma_semaphore, #tpu.memory_space<semaphore_mem>>) src(%dma_wait3A_59 : memref<128xi32, #tpu.memory_space<hbm>>) dst(%dma_wait3A_58 : memref<128xi32, #tpu.memory_space<vmem>>)
        tpu.yield
      }) : () -> ()
      %dma_start3A = arith.constant 0 : i32
      %dma_start3A_31 = arith.constant 0 : i32
      %dma_start3A_32 = tpu.memref_slice %arg11[%dma_start3A, %dma_start3A_31] : memref<1x128xi32, #tpu.memory_space<vmem>> -> memref<1x128xi32, #tpu.memory_space<vmem>>
      %dma_start3A_33 = tpu.memref_squeeze %dma_start3A_32 : memref<1x128xi32, #tpu.memory_space<vmem>> -> memref<128xi32, #tpu.memory_space<vmem>>
      %dma_start3A_34 = arith.constant 0 : i32
      %dma_start3A_35 = arith.constant 0 : i32
      %dma_start3A_36 = tpu.memref_slice %arg13[%dma_start3A_34, %dma_start3A_35] : memref<10240x128xf32, #tpu.memory_space<vmem_shared>> -> memref<10240x128xf32, #tpu.memory_space<vmem_shared>>
      tpu.enqueue_indirect_dma source(%arg12 : memref<128x128xf32, #tpu.memory_space<vmem>>) target(%dma_start3A_36 : memref<10240x128xf32, #tpu.memory_space<vmem_shared>>) offsets(%dma_start3A_33 : memref<128xi32, #tpu.memory_space<vmem>>) semaphore(%arg14 : memref<!tpu.dma_semaphore, #tpu.memory_space<semaphore_mem>>)
      %dma_wait3A = arith.constant 0 : i32
      %dma_wait3A_37 = arith.constant 0 : i32
      %dma_wait3A_38 = tpu.memref_slice %arg11[%dma_wait3A, %dma_wait3A_37] : memref<1x128xi32, #tpu.memory_space<vmem>> -> memref<1x128xi32, #tpu.memory_space<vmem>>
      %dma_wait3A_39 = tpu.memref_squeeze %dma_wait3A_38 : memref<1x128xi32, #tpu.memory_space<vmem>> -> memref<128xi32, #tpu.memory_space<vmem>>
      %dma_wait3A_40 = arith.constant 0 : i32
      %dma_wait3A_41 = arith.constant 0 : i32
      %dma_wait3A_42 = tpu.memref_slice %arg13[%dma_wait3A_40, %dma_wait3A_41] : memref<10240x128xf32, #tpu.memory_space<vmem_shared>> -> memref<10240x128xf32, #tpu.memory_space<vmem_shared>>
      tpu.wait_indirect_dma semaphore(%arg14 : memref<!tpu.dma_semaphore, #tpu.memory_space<semaphore_mem>>) src(%arg12 : memref<128x128xf32, #tpu.memory_space<vmem>>) dst(%dma_wait3A_42 : memref<10240x128xf32, #tpu.memory_space<vmem_shared>>)
    }
    %scan3A_4 = arith.constant 5 : i32
    %scan3A_5 = arith.constant 0 : i32
    %scan3A_6 = arith.constant 5 : i32
    %scan3A_7 = arith.addi %scan3A_5, %scan3A_6 : i32
    %scan3A_8 = arith.constant 1 : i32
    scf.for %scan3A_25 = %scan3A_5 to %scan3A_7 step %scan3A_8  : i32 {
      %mul3A_26 = arith.constant 128 : i32
      %mul3A_27 = arith.muli %scan3A_25, %mul3A_26 : i32
      %add3A_28 = arith.constant 0 : i32
      %add3A_29 = arith.addi %add3A_28, %mul3A_27 : i32
      %add3A_30 = arith.addi %mul3A_0, %add3A_29 : i32
      %run_scoped3A = arith.constant 0 : i32
      "tpu.region"() ({
        %run_scoped3A_44 = tpu.sem_alloc : memref<!tpu.dma_semaphore, #tpu.memory_space<semaphore_mem>>
        %dma_start3A_45 = arith.constant 0 : i32
        %dma_start3A_46 = tpu.memref_slice %arg11[%run_scoped3A, %dma_start3A_45] : memref<1x128xi32, #tpu.memory_space<vmem>> -> memref<1x128xi32, #tpu.memory_space<vmem>>
        %dma_start3A_47 = tpu.memref_squeeze %dma_start3A_46 : memref<1x128xi32, #tpu.memory_space<vmem>> -> memref<128xi32, #tpu.memory_space<vmem>>
        %dma_start3A_48 = tpu.memref_slice %arg6[%add3A_30] : memref<10240xi32, #tpu.memory_space<hbm>> -> memref<128xi32, #tpu.memory_space<hbm>>
        %dma_start3A_49 = arith.constant 0 : i32
        %dma_start3A_50 = tpu.memref_slice %arg11[%run_scoped3A, %dma_start3A_49] : memref<1x128xi32, #tpu.memory_space<vmem>> -> memref<1x128xi32, #tpu.memory_space<vmem>>
        %dma_start3A_51 = tpu.memref_squeeze %dma_start3A_50 : memref<1x128xi32, #tpu.memory_space<vmem>> -> memref<128xi32, #tpu.memory_space<vmem>>
        %dma_start3A_52 = tpu.memref_slice %arg6[%add3A_30] : memref<10240xi32, #tpu.memory_space<hbm>> -> memref<128xi32, #tpu.memory_space<hbm>>
        tpu.enqueue_dma source(%dma_start3A_52 : memref<128xi32, #tpu.memory_space<hbm>>) target(%dma_start3A_51 : memref<128xi32, #tpu.memory_space<vmem>>) target_semaphore(%run_scoped3A_44 : memref<!tpu.dma_semaphore, #tpu.memory_space<semaphore_mem>>)
        %dma_wait3A_53 = arith.constant 0 : i32
        %dma_wait3A_54 = tpu.memref_slice %arg11[%run_scoped3A, %dma_wait3A_53] : memref<1x128xi32, #tpu.memory_space<vmem>> -> memref<1x128xi32, #tpu.memory_space<vmem>>
        %dma_wait3A_55 = tpu.memref_squeeze %dma_wait3A_54 : memref<1x128xi32, #tpu.memory_space<vmem>> -> memref<128xi32, #tpu.memory_space<vmem>>
        %dma_wait3A_56 = tpu.memref_slice %arg6[%add3A_30] : memref<10240xi32, #tpu.memory_space<hbm>> -> memref<128xi32, #tpu.memory_space<hbm>>
        %dma_wait3A_57 = arith.constant 0 : i32
        %dma_wait3A_58 = tpu.memref_slice %arg11[%run_scoped3A, %dma_wait3A_57] : memref<1x128xi32, #tpu.memory_space<vmem>> -> memref<1x128xi32, #tpu.memory_space<vmem>>
        %dma_wait3A_59 = tpu.memref_squeeze %dma_wait3A_58 : memref<1x128xi32, #tpu.memory_space<vmem>> -> memref<128xi32, #tpu.memory_space<vmem>>
        %dma_wait3A_60 = tpu.memref_slice %arg6[%add3A_30] : memref<10240xi32, #tpu.memory_space<hbm>> -> memref<128xi32, #tpu.memory_space<hbm>>
        tpu.wait_dma2 semaphore(%run_scoped3A_44 : memref<!tpu.dma_semaphore, #tpu.memory_space<semaphore_mem>>) src(%dma_wait3A_60 : memref<128xi32, #tpu.memory_space<hbm>>) dst(%dma_wait3A_59 : memref<128xi32, #tpu.memory_space<vmem>>)
        tpu.yield
      }) : () -> ()
      %dma_start3A = arith.constant 0 : i32
      %dma_start3A_31 = arith.constant 0 : i32
      %dma_start3A_32 = tpu.memref_slice %arg11[%dma_start3A, %dma_start3A_31] : memref<1x128xi32, #tpu.memory_space<vmem>> -> memref<1x128xi32, #tpu.memory_space<vmem>>
      %dma_start3A_33 = tpu.memref_squeeze %dma_start3A_32 : memref<1x128xi32, #tpu.memory_space<vmem>> -> memref<128xi32, #tpu.memory_space<vmem>>
      %dma_start3A_34 = arith.constant 0 : i32
      %dma_start3A_35 = arith.constant 0 : i32
      %dma_start3A_36 = tpu.memref_slice %arg13[%dma_start3A_34, %dma_start3A_35] : memref<10240x128xf32, #tpu.memory_space<vmem_shared>> -> memref<10240x128xf32, #tpu.memory_space<vmem_shared>>
      tpu.enqueue_indirect_dma source(%dma_start3A_36 : memref<10240x128xf32, #tpu.memory_space<vmem_shared>>) target(%arg12 : memref<128x128xf32, #tpu.memory_space<vmem>>) offsets(%dma_start3A_33 : memref<128xi32, #tpu.memory_space<vmem>>) semaphore(%arg14 : memref<!tpu.dma_semaphore, #tpu.memory_space<semaphore_mem>>)
      %dma_wait3A = arith.constant 0 : i32
      %dma_wait3A_37 = arith.constant 0 : i32
      %dma_wait3A_38 = tpu.memref_slice %arg11[%dma_wait3A, %dma_wait3A_37] : memref<1x128xi32, #tpu.memory_space<vmem>> -> memref<1x128xi32, #tpu.memory_space<vmem>>
      %dma_wait3A_39 = tpu.memref_squeeze %dma_wait3A_38 : memref<1x128xi32, #tpu.memory_space<vmem>> -> memref<128xi32, #tpu.memory_space<vmem>>
      %dma_wait3A_40 = arith.constant 0 : i32
      %dma_wait3A_41 = arith.constant 0 : i32
      %dma_wait3A_42 = tpu.memref_slice %arg13[%dma_wait3A_40, %dma_wait3A_41] : memref<10240x128xf32, #tpu.memory_space<vmem_shared>> -> memref<10240x128xf32, #tpu.memory_space<vmem_shared>>
      tpu.wait_indirect_dma semaphore(%arg14 : memref<!tpu.dma_semaphore, #tpu.memory_space<semaphore_mem>>) src(%dma_wait3A_42 : memref<10240x128xf32, #tpu.memory_space<vmem_shared>>) dst(%arg12 : memref<128x128xf32, #tpu.memory_space<vmem>>)
      %add3A_43 = arith.addi %mul3A_0, %add3A_29 : i32
      "tpu.region"() ({
        %run_scoped3A_44 = tpu.sem_alloc : memref<!tpu.dma_semaphore, #tpu.memory_space<semaphore_mem>>
        %dma_start3A_45 = arith.constant 0 : i32
        %dma_start3A_46 = arith.constant 0 : i32
        %dma_start3A_47 = tpu.memref_slice %arg8[%arg0, %dma_start3A_45, %dma_start3A_46] : memref<2x10240x128xf32, #tpu.memory_space<hbm>> -> memref<1x10240x128xf32, #tpu.memory_space<hbm>>
        %dma_start3A_48 = tpu.memref_squeeze %dma_start3A_47 : memref<1x10240x128xf32, #tpu.memory_space<hbm>> -> memref<10240x128xf32, #tpu.memory_space<hbm>>
        %dma_start3A_49 = arith.constant 0 : i32
        %dma_start3A_50 = tpu.memref_slice %dma_start3A_48[%add3A_43, %dma_start3A_49] : memref<10240x128xf32, #tpu.memory_space<hbm>> -> memref<128x128xf32, #tpu.memory_space<hbm>>
        %dma_start3A_51 = arith.constant 0 : i32
        %dma_start3A_52 = arith.constant 0 : i32
        %dma_start3A_53 = tpu.memref_slice %arg8[%arg0, %dma_start3A_51, %dma_start3A_52] : memref<2x10240x128xf32, #tpu.memory_space<hbm>> -> memref<1x10240x128xf32, #tpu.memory_space<hbm>>
        %dma_start3A_54 = tpu.memref_squeeze %dma_start3A_53 : memref<1x10240x128xf32, #tpu.memory_space<hbm>> -> memref<10240x128xf32, #tpu.memory_space<hbm>>
        %dma_start3A_55 = arith.constant 0 : i32
        %dma_start3A_56 = tpu.memref_slice %dma_start3A_54[%add3A_43, %dma_start3A_55] : memref<10240x128xf32, #tpu.memory_space<hbm>> -> memref<128x128xf32, #tpu.memory_space<hbm>>
        tpu.enqueue_dma source(%arg12 : memref<128x128xf32, #tpu.memory_space<vmem>>) target(%dma_start3A_56 : memref<128x128xf32, #tpu.memory_space<hbm>>) target_semaphore(%run_scoped3A_44 : memref<!tpu.dma_semaphore, #tpu.memory_space<semaphore_mem>>)
        %dma_wait3A_57 = arith.constant 0 : i32
        %dma_wait3A_58 = arith.constant 0 : i32
        %dma_wait3A_59 = tpu.memref_slice %arg8[%arg0, %dma_wait3A_57, %dma_wait3A_58] : memref<2x10240x128xf32, #tpu.memory_space<hbm>> -> memref<1x10240x128xf32, #tpu.memory_space<hbm>>
        %dma_wait3A_60 = tpu.memref_squeeze %dma_wait3A_59 : memref<1x10240x128xf32, #tpu.memory_space<hbm>> -> memref<10240x128xf32, #tpu.memory_space<hbm>>
        %dma_wait3A_61 = arith.constant 0 : i32
        %dma_wait3A_62 = tpu.memref_slice %dma_wait3A_60[%add3A_43, %dma_wait3A_61] : memref<10240x128xf32, #tpu.memory_space<hbm>> -> memref<128x128xf32, #tpu.memory_space<hbm>>
        %dma_wait3A_63 = arith.constant 0 : i32
        %dma_wait3A_64 = arith.constant 0 : i32
        %dma_wait3A_65 = tpu.memref_slice %arg8[%arg0, %dma_wait3A_63, %dma_wait3A_64] : memref<2x10240x128xf32, #tpu.memory_space<hbm>> -> memref<1x10240x128xf32, #tpu.memory_space<hbm>>
        %dma_wait3A_66 = tpu.memref_squeeze %dma_wait3A_65 : memref<1x10240x128xf32, #tpu.memory_space<hbm>> -> memref<10240x128xf32, #tpu.memory_space<hbm>>
        %dma_wait3A_67 = arith.constant 0 : i32
        %dma_wait3A_68 = tpu.memref_slice %dma_wait3A_66[%add3A_43, %dma_wait3A_67] : memref<10240x128xf32, #tpu.memory_space<hbm>> -> memref<128x128xf32, #tpu.memory_space<hbm>>
        tpu.wait_dma2 semaphore(%run_scoped3A_44 : memref<!tpu.dma_semaphore, #tpu.memory_space<semaphore_mem>>) src(%arg12 : memref<128x128xf32, #tpu.memory_space<vmem>>) dst(%dma_wait3A_68 : memref<128x128xf32, #tpu.memory_space<hbm>>)
        tpu.yield
      }) : () -> ()
    }
    %scan3A_9 = arith.constant 5 : i32
    %barrier3A = arith.constant 0 : index
    tpu.barrier barrier_id(%barrier3A)
    %mul3A_10 = arith.constant 16 : i32
    %mul3A_11 = arith.muli %arg0, %mul3A_10 : i32
    %add3A = arith.addi %mul3A_11, %arg1 : i32
    %mul3A_12 = arith.constant 10112 : i32
    %mul3A_13 = arith.muli %add3A, %mul3A_12 : i32
    %scan3A_14 = arith.constant 0 : i32
    %scan3A_15 = arith.constant 79 : i32
    %scan3A_16 = arith.addi %scan3A_14, %scan3A_15 : i32
    %scan3A_17 = arith.constant 1 : i32
    scf.for %scan3A_25 = %scan3A_14 to %scan3A_16 step %scan3A_17  : i32 {
      %mul3A_26 = arith.constant 1 : i32
      %mul3A_27 = arith.muli %scan3A_25, %mul3A_26 : i32
      %add3A_28 = arith.constant 0 : i32
      %add3A_29 = arith.addi %add3A_28, %mul3A_27 : i32
      %mul3A_30 = arith.constant 128 : i32
      %mul3A_31 = arith.muli %add3A_29, %mul3A_30 : i32
      %add3A_32 = arith.addi %mul3A_13, %mul3A_31 : i32
      "tpu.region"() ({
        %run_scoped3A_51 = tpu.sem_alloc : memref<!tpu.dma_semaphore, #tpu.memory_space<semaphore_mem>>
        %dma_start3A_52 = tpu.memref_slice %arg2[%add3A_32] : memref<323584xi32, #tpu.memory_space<hbm>> -> memref<128xi32, #tpu.memory_space<hbm>>
        %dma_start3A_53 = tpu.memref_slice %arg2[%add3A_32] : memref<323584xi32, #tpu.memory_space<hbm>> -> memref<128xi32, #tpu.memory_space<hbm>>
        tpu.enqueue_dma source(%dma_start3A_53 : memref<128xi32, #tpu.memory_space<hbm>>) target(%arg9 : memref<128xi32, #tpu.memory_space<vmem>>) target_semaphore(%run_scoped3A_51 : memref<!tpu.dma_semaphore, #tpu.memory_space<semaphore_mem>>)
        %dma_wait3A_54 = tpu.memref_slice %arg2[%add3A_32] : memref<323584xi32, #tpu.memory_space<hbm>> -> memref<128xi32, #tpu.memory_space<hbm>>
        %dma_wait3A_55 = tpu.memref_slice %arg2[%add3A_32] : memref<323584xi32, #tpu.memory_space<hbm>> -> memref<128xi32, #tpu.memory_space<hbm>>
        tpu.wait_dma2 semaphore(%run_scoped3A_51 : memref<!tpu.dma_semaphore, #tpu.memory_space<semaphore_mem>>) src(%dma_wait3A_55 : memref<128xi32, #tpu.memory_space<hbm>>) dst(%arg9 : memref<128xi32, #tpu.memory_space<vmem>>)
        tpu.yield
      }) : () -> ()
      %run_scoped3A = arith.constant 0 : i32
      "tpu.region"() ({
        %run_scoped3A_51 = tpu.sem_alloc : memref<!tpu.dma_semaphore, #tpu.memory_space<semaphore_mem>>
        %dma_start3A_52 = arith.constant 0 : i32
        %dma_start3A_53 = tpu.memref_slice %arg10[%run_scoped3A, %dma_start3A_52] : memref<1x128xi32, #tpu.memory_space<vmem>> -> memref<1x128xi32, #tpu.memory_space<vmem>>
        %dma_start3A_54 = tpu.memref_squeeze %dma_start3A_53 : memref<1x128xi32, #tpu.memory_space<vmem>> -> memref<128xi32, #tpu.memory_space<vmem>>
        %dma_start3A_55 = tpu.memref_slice %arg3[%add3A_32] : memref<323584xi32, #tpu.memory_space<hbm>> -> memref<128xi32, #tpu.memory_space<hbm>>
        %dma_start3A_56 = arith.constant 0 : i32
        %dma_start3A_57 = tpu.memref_slice %arg10[%run_scoped3A, %dma_start3A_56] : memref<1x128xi32, #tpu.memory_space<vmem>> -> memref<1x128xi32, #tpu.memory_space<vmem>>
        %dma_start3A_58 = tpu.memref_squeeze %dma_start3A_57 : memref<1x128xi32, #tpu.memory_space<vmem>> -> memref<128xi32, #tpu.memory_space<vmem>>
        %dma_start3A_59 = tpu.memref_slice %arg3[%add3A_32] : memref<323584xi32, #tpu.memory_space<hbm>> -> memref<128xi32, #tpu.memory_space<hbm>>
        tpu.enqueue_dma source(%dma_start3A_59 : memref<128xi32, #tpu.memory_space<hbm>>) target(%dma_start3A_58 : memref<128xi32, #tpu.memory_space<vmem>>) target_semaphore(%run_scoped3A_51 : memref<!tpu.dma_semaphore, #tpu.memory_space<semaphore_mem>>)
        %dma_wait3A_60 = arith.constant 0 : i32
        %dma_wait3A_61 = tpu.memref_slice %arg10[%run_scoped3A, %dma_wait3A_60] : memref<1x128xi32, #tpu.memory_space<vmem>> -> memref<1x128xi32, #tpu.memory_space<vmem>>
        %dma_wait3A_62 = tpu.memref_squeeze %dma_wait3A_61 : memref<1x128xi32, #tpu.memory_space<vmem>> -> memref<128xi32, #tpu.memory_space<vmem>>
        %dma_wait3A_63 = tpu.memref_slice %arg3[%add3A_32] : memref<323584xi32, #tpu.memory_space<hbm>> -> memref<128xi32, #tpu.memory_space<hbm>>
        %dma_wait3A_64 = arith.constant 0 : i32
        %dma_wait3A_65 = tpu.memref_slice %arg10[%run_scoped3A, %dma_wait3A_64] : memref<1x128xi32, #tpu.memory_space<vmem>> -> memref<1x128xi32, #tpu.memory_space<vmem>>
        %dma_wait3A_66 = tpu.memref_squeeze %dma_wait3A_65 : memref<1x128xi32, #tpu.memory_space<vmem>> -> memref<128xi32, #tpu.memory_space<vmem>>
        %dma_wait3A_67 = tpu.memref_slice %arg3[%add3A_32] : memref<323584xi32, #tpu.memory_space<hbm>> -> memref<128xi32, #tpu.memory_space<hbm>>
        tpu.wait_dma2 semaphore(%run_scoped3A_51 : memref<!tpu.dma_semaphore, #tpu.memory_space<semaphore_mem>>) src(%dma_wait3A_67 : memref<128xi32, #tpu.memory_space<hbm>>) dst(%dma_wait3A_66 : memref<128xi32, #tpu.memory_space<vmem>>)
        tpu.yield
      }) : () -> ()
      %dma_start3A = arith.constant 0 : i32
      %dma_start3A_33 = arith.constant 0 : i32
      %dma_start3A_34 = tpu.memref_slice %arg4[%dma_start3A, %dma_start3A_33] : memref<10240x128xf32, #tpu.memory_space<hbm>> -> memref<10240x128xf32, #tpu.memory_space<hbm>>
      tpu.enqueue_indirect_dma source(%dma_start3A_34 : memref<10240x128xf32, #tpu.memory_space<hbm>>) target(%arg12 : memref<128x128xf32, #tpu.memory_space<vmem>>) offsets(%arg9 : memref<128xi32, #tpu.memory_space<vmem>>) semaphore(%arg14 : memref<!tpu.dma_semaphore, #tpu.memory_space<semaphore_mem>>)
      %dma_wait3A = arith.constant 0 : i32
      %dma_wait3A_35 = arith.constant 0 : i32
      %dma_wait3A_36 = tpu.memref_slice %arg4[%dma_wait3A, %dma_wait3A_35] : memref<10240x128xf32, #tpu.memory_space<hbm>> -> memref<10240x128xf32, #tpu.memory_space<hbm>>
      tpu.wait_indirect_dma semaphore(%arg14 : memref<!tpu.dma_semaphore, #tpu.memory_space<semaphore_mem>>) src(%dma_wait3A_36 : memref<10240x128xf32, #tpu.memory_space<hbm>>) dst(%arg12 : memref<128x128xf32, #tpu.memory_space<vmem>>)
      %dma_start3A_37 = arith.constant 0 : i32
      %dma_start3A_38 = arith.constant 0 : i32
      %dma_start3A_39 = tpu.memref_slice %arg10[%dma_start3A_37, %dma_start3A_38] : memref<1x128xi32, #tpu.memory_space<vmem>> -> memref<1x128xi32, #tpu.memory_space<vmem>>
      %dma_start3A_40 = tpu.memref_squeeze %dma_start3A_39 : memref<1x128xi32, #tpu.memory_space<vmem>> -> memref<128xi32, #tpu.memory_space<vmem>>
      %dma_start3A_41 = arith.constant 0 : i32
      %dma_start3A_42 = arith.constant 0 : i32
      %dma_start3A_43 = tpu.memref_slice %arg13[%dma_start3A_41, %dma_start3A_42] : memref<10240x128xf32, #tpu.memory_space<vmem_shared>> -> memref<10240x128xf32, #tpu.memory_space<vmem_shared>>
      tpu.enqueue_indirect_dma source(%arg12 : memref<128x128xf32, #tpu.memory_space<vmem>>) target(%dma_start3A_43 : memref<10240x128xf32, #tpu.memory_space<vmem_shared>>) offsets(%dma_start3A_40 : memref<128xi32, #tpu.memory_space<vmem>>) semaphore(%arg14 : memref<!tpu.dma_semaphore, #tpu.memory_space<semaphore_mem>>) {add = true}
      %dma_wait3A_44 = arith.constant 0 : i32
      %dma_wait3A_45 = arith.constant 0 : i32
      %dma_wait3A_46 = tpu.memref_slice %arg10[%dma_wait3A_44, %dma_wait3A_45] : memref<1x128xi32, #tpu.memory_space<vmem>> -> memref<1x128xi32, #tpu.memory_space<vmem>>
      %dma_wait3A_47 = tpu.memref_squeeze %dma_wait3A_46 : memref<1x128xi32, #tpu.memory_space<vmem>> -> memref<128xi32, #tpu.memory_space<vmem>>
      %dma_wait3A_48 = arith.constant 0 : i32
      %dma_wait3A_49 = arith.constant 0 : i32
      %dma_wait3A_50 = tpu.memref_slice %arg13[%dma_wait3A_48, %dma_wait3A_49] : memref<10240x128xf32, #tpu.memory_space<vmem_shared>> -> memref<10240x128xf32, #tpu.memory_space<vmem_shared>>
      tpu.wait_indirect_dma semaphore(%arg14 : memref<!tpu.dma_semaphore, #tpu.memory_space<semaphore_mem>>) src(%arg12 : memref<128x128xf32, #tpu.memory_space<vmem>>) dst(%dma_wait3A_50 : memref<10240x128xf32, #tpu.memory_space<vmem_shared>>)
    }
    %scan3A_18 = arith.constant 79 : i32
    %barrier3A_19 = arith.constant 0 : index
    tpu.barrier barrier_id(%barrier3A_19)
    %scan3A_20 = arith.constant 0 : i32
    %scan3A_21 = arith.constant 5 : i32
    %scan3A_22 = arith.addi %scan3A_20, %scan3A_21 : i32
    %scan3A_23 = arith.constant 1 : i32
    scf.for %scan3A_25 = %scan3A_20 to %scan3A_22 step %scan3A_23  : i32 {
      %mul3A_26 = arith.constant 128 : i32
      %mul3A_27 = arith.muli %scan3A_25, %mul3A_26 : i32
      %add3A_28 = arith.constant 0 : i32
      %add3A_29 = arith.addi %add3A_28, %mul3A_27 : i32
      %add3A_30 = arith.addi %mul3A_0, %add3A_29 : i32
      %run_scoped3A = arith.constant 0 : i32
      "tpu.region"() ({
        %run_scoped3A_44 = tpu.sem_alloc : memref<!tpu.dma_semaphore, #tpu.memory_space<semaphore_mem>>
        %dma_start3A_45 = arith.constant 0 : i32
        %dma_start3A_46 = tpu.memref_slice %arg11[%run_scoped3A, %dma_start3A_45] : memref<1x128xi32, #tpu.memory_space<vmem>> -> memref<1x128xi32, #tpu.memory_space<vmem>>
        %dma_start3A_47 = tpu.memref_squeeze %dma_start3A_46 : memref<1x128xi32, #tpu.memory_space<vmem>> -> memref<128xi32, #tpu.memory_space<vmem>>
        %dma_start3A_48 = tpu.memref_slice %arg6[%add3A_30] : memref<10240xi32, #tpu.memory_space<hbm>> -> memref<128xi32, #tpu.memory_space<hbm>>
        %dma_start3A_49 = arith.constant 0 : i32
        %dma_start3A_50 = tpu.memref_slice %arg11[%run_scoped3A, %dma_start3A_49] : memref<1x128xi32, #tpu.memory_space<vmem>> -> memref<1x128xi32, #tpu.memory_space<vmem>>
        %dma_start3A_51 = tpu.memref_squeeze %dma_start3A_50 : memref<1x128xi32, #tpu.memory_space<vmem>> -> memref<128xi32, #tpu.memory_space<vmem>>
        %dma_start3A_52 = tpu.memref_slice %arg6[%add3A_30] : memref<10240xi32, #tpu.memory_space<hbm>> -> memref<128xi32, #tpu.memory_space<hbm>>
        tpu.enqueue_dma source(%dma_start3A_52 : memref<128xi32, #tpu.memory_space<hbm>>) target(%dma_start3A_51 : memref<128xi32, #tpu.memory_space<vmem>>) target_semaphore(%run_scoped3A_44 : memref<!tpu.dma_semaphore, #tpu.memory_space<semaphore_mem>>)
        %dma_wait3A_53 = arith.constant 0 : i32
        %dma_wait3A_54 = tpu.memref_slice %arg11[%run_scoped3A, %dma_wait3A_53] : memref<1x128xi32, #tpu.memory_space<vmem>> -> memref<1x128xi32, #tpu.memory_space<vmem>>
        %dma_wait3A_55 = tpu.memref_squeeze %dma_wait3A_54 : memref<1x128xi32, #tpu.memory_space<vmem>> -> memref<128xi32, #tpu.memory_space<vmem>>
        %dma_wait3A_56 = tpu.memref_slice %arg6[%add3A_30] : memref<10240xi32, #tpu.memory_space<hbm>> -> memref<128xi32, #tpu.memory_space<hbm>>
        %dma_wait3A_57 = arith.constant 0 : i32
        %dma_wait3A_58 = tpu.memref_slice %arg11[%run_scoped3A, %dma_wait3A_57] : memref<1x128xi32, #tpu.memory_space<vmem>> -> memref<1x128xi32, #tpu.memory_space<vmem>>
        %dma_wait3A_59 = tpu.memref_squeeze %dma_wait3A_58 : memref<1x128xi32, #tpu.memory_space<vmem>> -> memref<128xi32, #tpu.memory_space<vmem>>
        %dma_wait3A_60 = tpu.memref_slice %arg6[%add3A_30] : memref<10240xi32, #tpu.memory_space<hbm>> -> memref<128xi32, #tpu.memory_space<hbm>>
        tpu.wait_dma2 semaphore(%run_scoped3A_44 : memref<!tpu.dma_semaphore, #tpu.memory_space<semaphore_mem>>) src(%dma_wait3A_60 : memref<128xi32, #tpu.memory_space<hbm>>) dst(%dma_wait3A_59 : memref<128xi32, #tpu.memory_space<vmem>>)
        tpu.yield
      }) : () -> ()
      %dma_start3A = arith.constant 0 : i32
      %dma_start3A_31 = arith.constant 0 : i32
      %dma_start3A_32 = tpu.memref_slice %arg11[%dma_start3A, %dma_start3A_31] : memref<1x128xi32, #tpu.memory_space<vmem>> -> memref<1x128xi32, #tpu.memory_space<vmem>>
      %dma_start3A_33 = tpu.memref_squeeze %dma_start3A_32 : memref<1x128xi32, #tpu.memory_space<vmem>> -> memref<128xi32, #tpu.memory_space<vmem>>
      %dma_start3A_34 = arith.constant 0 : i32
      %dma_start3A_35 = arith.constant 0 : i32
      %dma_start3A_36 = tpu.memref_slice %arg13[%dma_start3A_34, %dma_start3A_35] : memref<10240x128xf32, #tpu.memory_space<vmem_shared>> -> memref<10240x128xf32, #tpu.memory_space<vmem_shared>>
      tpu.enqueue_indirect_dma source(%dma_start3A_36 : memref<10240x128xf32, #tpu.memory_space<vmem_shared>>) target(%arg12 : memref<128x128xf32, #tpu.memory_space<vmem>>) offsets(%dma_start3A_33 : memref<128xi32, #tpu.memory_space<vmem>>) semaphore(%arg14 : memref<!tpu.dma_semaphore, #tpu.memory_space<semaphore_mem>>)
      %dma_wait3A = arith.constant 0 : i32
      %dma_wait3A_37 = arith.constant 0 : i32
      %dma_wait3A_38 = tpu.memref_slice %arg11[%dma_wait3A, %dma_wait3A_37] : memref<1x128xi32, #tpu.memory_space<vmem>> -> memref<1x128xi32, #tpu.memory_space<vmem>>
      %dma_wait3A_39 = tpu.memref_squeeze %dma_wait3A_38 : memref<1x128xi32, #tpu.memory_space<vmem>> -> memref<128xi32, #tpu.memory_space<vmem>>
      %dma_wait3A_40 = arith.constant 0 : i32
      %dma_wait3A_41 = arith.constant 0 : i32
      %dma_wait3A_42 = tpu.memref_slice %arg13[%dma_wait3A_40, %dma_wait3A_41] : memref<10240x128xf32, #tpu.memory_space<vmem_shared>> -> memref<10240x128xf32, #tpu.memory_space<vmem_shared>>
      tpu.wait_indirect_dma semaphore(%arg14 : memref<!tpu.dma_semaphore, #tpu.memory_space<semaphore_mem>>) src(%dma_wait3A_42 : memref<10240x128xf32, #tpu.memory_space<vmem_shared>>) dst(%arg12 : memref<128x128xf32, #tpu.memory_space<vmem>>)
      %add3A_43 = arith.addi %mul3A_0, %add3A_29 : i32
      "tpu.region"() ({
        %run_scoped3A_44 = tpu.sem_alloc : memref<!tpu.dma_semaphore, #tpu.memory_space<semaphore_mem>>
        %dma_start3A_45 = arith.constant 0 : i32
        %dma_start3A_46 = arith.constant 0 : i32
        %dma_start3A_47 = tpu.memref_slice %arg7[%arg0, %dma_start3A_45, %dma_start3A_46] : memref<2x10240x128xf32, #tpu.memory_space<hbm>> -> memref<1x10240x128xf32, #tpu.memory_space<hbm>>
        %dma_start3A_48 = tpu.memref_squeeze %dma_start3A_47 : memref<1x10240x128xf32, #tpu.memory_space<hbm>> -> memref<10240x128xf32, #tpu.memory_space<hbm>>
        %dma_start3A_49 = arith.constant 0 : i32
        %dma_start3A_50 = tpu.memref_slice %dma_start3A_48[%add3A_43, %dma_start3A_49] : memref<10240x128xf32, #tpu.memory_space<hbm>> -> memref<128x128xf32, #tpu.memory_space<hbm>>
        %dma_start3A_51 = arith.constant 0 : i32
        %dma_start3A_52 = arith.constant 0 : i32
        %dma_start3A_53 = tpu.memref_slice %arg7[%arg0, %dma_start3A_51, %dma_start3A_52] : memref<2x10240x128xf32, #tpu.memory_space<hbm>> -> memref<1x10240x128xf32, #tpu.memory_space<hbm>>
        %dma_start3A_54 = tpu.memref_squeeze %dma_start3A_53 : memref<1x10240x128xf32, #tpu.memory_space<hbm>> -> memref<10240x128xf32, #tpu.memory_space<hbm>>
        %dma_start3A_55 = arith.constant 0 : i32
        %dma_start3A_56 = tpu.memref_slice %dma_start3A_54[%add3A_43, %dma_start3A_55] : memref<10240x128xf32, #tpu.memory_space<hbm>> -> memref<128x128xf32, #tpu.memory_space<hbm>>
        tpu.enqueue_dma source(%arg12 : memref<128x128xf32, #tpu.memory_space<vmem>>) target(%dma_start3A_56 : memref<128x128xf32, #tpu.memory_space<hbm>>) target_semaphore(%run_scoped3A_44 : memref<!tpu.dma_semaphore, #tpu.memory_space<semaphore_mem>>)
        %dma_wait3A_57 = arith.constant 0 : i32
        %dma_wait3A_58 = arith.constant 0 : i32
        %dma_wait3A_59 = tpu.memref_slice %arg7[%arg0, %dma_wait3A_57, %dma_wait3A_58] : memref<2x10240x128xf32, #tpu.memory_space<hbm>> -> memref<1x10240x128xf32, #tpu.memory_space<hbm>>
        %dma_wait3A_60 = tpu.memref_squeeze %dma_wait3A_59 : memref<1x10240x128xf32, #tpu.memory_space<hbm>> -> memref<10240x128xf32, #tpu.memory_space<hbm>>
        %dma_wait3A_61 = arith.constant 0 : i32
        %dma_wait3A_62 = tpu.memref_slice %dma_wait3A_60[%add3A_43, %dma_wait3A_61] : memref<10240x128xf32, #tpu.memory_space<hbm>> -> memref<128x128xf32, #tpu.memory_space<hbm>>
        %dma_wait3A_63 = arith.constant 0 : i32
        %dma_wait3A_64 = arith.constant 0 : i32
        %dma_wait3A_65 = tpu.memref_slice %arg7[%arg0, %dma_wait3A_63, %dma_wait3A_64] : memref<2x10240x128xf32, #tpu.memory_space<hbm>> -> memref<1x10240x128xf32, #tpu.memory_space<hbm>>
        %dma_wait3A_66 = tpu.memref_squeeze %dma_wait3A_65 : memref<1x10240x128xf32, #tpu.memory_space<hbm>> -> memref<10240x128xf32, #tpu.memory_space<hbm>>
        %dma_wait3A_67 = arith.constant 0 : i32
        %dma_wait3A_68 = tpu.memref_slice %dma_wait3A_66[%add3A_43, %dma_wait3A_67] : memref<10240x128xf32, #tpu.memory_space<hbm>> -> memref<128x128xf32, #tpu.memory_space<hbm>>
        tpu.wait_dma2 semaphore(%run_scoped3A_44 : memref<!tpu.dma_semaphore, #tpu.memory_space<semaphore_mem>>) src(%arg12 : memref<128x128xf32, #tpu.memory_space<vmem>>) dst(%dma_wait3A_68 : memref<128x128xf32, #tpu.memory_space<hbm>>)
        tpu.yield
      }) : () -> ()
    }
    %scan3A_24 = arith.constant 5 : i32
    return
  }
}

#map = affine_map<(d0, d1) -> (0)>
#map1 = affine_map<(d0, d1) -> (0, 0)>
#map2 = affine_map<(d0, d1) -> (0, 0, 0)>
module attributes {stable_mosaic.version = 14 : i64} {
  func.func @body(%arg0: i32, %arg1: i32, %arg2: memref<323584xi32, #tpu.memory_space<hbm>>, %arg3: memref<323584xi32, #tpu.memory_space<hbm>>, %arg4: memref<10240x128xf32, #tpu.memory_space<hbm>>, %arg5: memref<128x128xf32, #tpu.memory_space<hbm>>, %arg6: memref<10240xi32, #tpu.memory_space<hbm>>, %arg7: memref<2x10240x128xf32, #tpu.memory_space<hbm>>, %arg8: memref<2x10240x128xf32, #tpu.memory_space<hbm>>, %arg9: memref<128xi32, #tpu.memory_space<vmem>>, %arg10: memref<1x128xi32, #tpu.memory_space<vmem>>, %arg11: memref<1x128xi32, #tpu.memory_space<vmem>>, %arg12: memref<128x128xf32, #tpu.memory_space<vmem>>, %arg13: memref<10240x128xf32, #tpu.memory_space<vmem_shared>>, %arg14: memref<!tpu.dma_semaphore, #tpu.memory_space<semaphore_mem>>) attributes {dimension_semantics = [#tpu.dimension_semantics<core_parallel>, #tpu.dimension_semantics<subcore_parallel>], iteration_bounds = array<i64: 2, 16>, scalar_prefetch = 0 : i64, scratch_operands = 6 : i64, tpu.core_type = #tpu.core_type<sc_vector_subcore>, window_params = [{transform_indices = #map}, {transform_indices = #map}, {transform_indices = #map1}, {transform_indices = #map1}, {transform_indices = #map}, {transform_indices = #map2}, {transform_indices = #map2}]} {
    %mul3A = arith.constant 640 : i32
    %mul3A_0 = arith.muli %arg1, %mul3A : i32
    "tpu.region"() ({
      %run_scoped3A = tpu.sem_alloc : memref<!tpu.dma_semaphore, #tpu.memory_space<semaphore_mem>>
      tpu.enqueue_dma source(%arg5 : memref<128x128xf32, #tpu.memory_space<hbm>>) target(%arg12 : memref<128x128xf32, #tpu.memory_space<vmem>>) target_semaphore(%run_scoped3A : memref<!tpu.dma_semaphore, #tpu.memory_space<semaphore_mem>>)
      tpu.wait_dma2 semaphore(%run_scoped3A : memref<!tpu.dma_semaphore, #tpu.memory_space<semaphore_mem>>) src(%arg5 : memref<128x128xf32, #tpu.memory_space<hbm>>) dst(%arg12 : memref<128x128xf32, #tpu.memory_space<vmem>>)
      tpu.yield
    }) : () -> ()
    %scan3A = arith.constant 0 : i32
    %scan3A_1 = arith.constant 5 : i32
    %scan3A_2 = arith.addi %scan3A, %scan3A_1 : i32
    %scan3A_3 = arith.constant 1 : i32
    scf.for %scan3A_25 = %scan3A to %scan3A_2 step %scan3A_3  : i32 {
      %mul3A_26 = arith.constant 128 : i32
      %mul3A_27 = arith.muli %scan3A_25, %mul3A_26 : i32
      %add3A_28 = arith.constant 0 : i32
      %add3A_29 = arith.addi %add3A_28, %mul3A_27 : i32
      %add3A_30 = arith.addi %mul3A_0, %add3A_29 : i32
      %run_scoped3A = arith.constant 0 : i32
      "tpu.region"() ({
        %run_scoped3A_43 = tpu.sem_alloc : memref<!tpu.dma_semaphore, #tpu.memory_space<semaphore_mem>>
        %dma_start3A_44 = arith.constant 0 : i32
        %dma_start3A_45 = tpu.memref_slice %arg11[%run_scoped3A, %dma_start3A_44] : memref<1x128xi32, #tpu.memory_space<vmem>> -> memref<1x128xi32, #tpu.memory_space<vmem>>
        %dma_start3A_46 = tpu.memref_squeeze %dma_start3A_45 : memref<1x128xi32, #tpu.memory_space<vmem>> -> memref<128xi32, #tpu.memory_space<vmem>>
        %dma_start3A_47 = tpu.memref_slice %arg6[%add3A_30] : memref<10240xi32, #tpu.memory_space<hbm>> -> memref<128xi32, #tpu.memory_space<hbm>>
        %dma_start3A_48 = arith.constant 0 : i32
        %dma_start3A_49 = tpu.memref_slice %arg11[%run_scoped3A, %dma_start3A_48] : memref<1x128xi32, #tpu.memory_space<vmem>> -> memref<1x128xi32, #tpu.memory_space<vmem>>
        %dma_start3A_50 = tpu.memref_squeeze %dma_start3A_49 : memref<1x128xi32, #tpu.memory_space<vmem>> -> memref<128xi32, #tpu.memory_space<vmem>>
        %dma_start3A_51 = tpu.memref_slice %arg6[%add3A_30] : memref<10240xi32, #tpu.memory_space<hbm>> -> memref<128xi32, #tpu.memory_space<hbm>>
        tpu.enqueue_dma source(%dma_start3A_51 : memref<128xi32, #tpu.memory_space<hbm>>) target(%dma_start3A_50 : memref<128xi32, #tpu.memory_space<vmem>>) target_semaphore(%run_scoped3A_43 : memref<!tpu.dma_semaphore, #tpu.memory_space<semaphore_mem>>)
        %dma_wait3A_52 = arith.constant 0 : i32
        %dma_wait3A_53 = tpu.memref_slice %arg11[%run_scoped3A, %dma_wait3A_52] : memref<1x128xi32, #tpu.memory_space<vmem>> -> memref<1x128xi32, #tpu.memory_space<vmem>>
        %dma_wait3A_54 = tpu.memref_squeeze %dma_wait3A_53 : memref<1x128xi32, #tpu.memory_space<vmem>> -> memref<128xi32, #tpu.memory_space<vmem>>
        %dma_wait3A_55 = tpu.memref_slice %arg6[%add3A_30] : memref<10240xi32, #tpu.memory_space<hbm>> -> memref<128xi32, #tpu.memory_space<hbm>>
        %dma_wait3A_56 = arith.constant 0 : i32
        %dma_wait3A_57 = tpu.memref_slice %arg11[%run_scoped3A, %dma_wait3A_56] : memref<1x128xi32, #tpu.memory_space<vmem>> -> memref<1x128xi32, #tpu.memory_space<vmem>>
        %dma_wait3A_58 = tpu.memref_squeeze %dma_wait3A_57 : memref<1x128xi32, #tpu.memory_space<vmem>> -> memref<128xi32, #tpu.memory_space<vmem>>
        %dma_wait3A_59 = tpu.memref_slice %arg6[%add3A_30] : memref<10240xi32, #tpu.memory_space<hbm>> -> memref<128xi32, #tpu.memory_space<hbm>>
        tpu.wait_dma2 semaphore(%run_scoped3A_43 : memref<!tpu.dma_semaphore, #tpu.memory_space<semaphore_mem>>) src(%dma_wait3A_59 : memref<128xi32, #tpu.memory_space<hbm>>) dst(%dma_wait3A_58 : memref<128xi32, #tpu.memory_space<vmem>>)
        tpu.yield
      }) : () -> ()
      %dma_start3A = arith.constant 0 : i32
      %dma_start3A_31 = arith.constant 0 : i32
      %dma_start3A_32 = tpu.memref_slice %arg11[%dma_start3A, %dma_start3A_31] : memref<1x128xi32, #tpu.memory_space<vmem>> -> memref<1x128xi32, #tpu.memory_space<vmem>>
      %dma_start3A_33 = tpu.memref_squeeze %dma_start3A_32 : memref<1x128xi32, #tpu.memory_space<vmem>> -> memref<128xi32, #tpu.memory_space<vmem>>
      %dma_start3A_34 = arith.constant 0 : i32
      %dma_start3A_35 = arith.constant 0 : i32
      %dma_start3A_36 = tpu.memref_slice %arg13[%dma_start3A_34, %dma_start3A_35] : memref<10240x128xf32, #tpu.memory_space<vmem_shared>> -> memref<10240x128xf32, #tpu.memory_space<vmem_shared>>
      tpu.enqueue_indirect_dma source(%arg12 : memref<128x128xf32, #tpu.memory_space<vmem>>) target(%dma_start3A_36 : memref<10240x128xf32, #tpu.memory_space<vmem_shared>>) offsets(%dma_start3A_33 : memref<128xi32, #tpu.memory_space<vmem>>) semaphore(%arg14 : memref<!tpu.dma_semaphore, #tpu.memory_space<semaphore_mem>>)
      %dma_wait3A = arith.constant 0 : i32
      %dma_wait3A_37 = arith.constant 0 : i32
      %dma_wait3A_38 = tpu.memref_slice %arg11[%dma_wait3A, %dma_wait3A_37] : memref<1x128xi32, #tpu.memory_space<vmem>> -> memref<1x128xi32, #tpu.memory_space<vmem>>
      %dma_wait3A_39 = tpu.memref_squeeze %dma_wait3A_38 : memref<1x128xi32, #tpu.memory_space<vmem>> -> memref<128xi32, #tpu.memory_space<vmem>>
      %dma_wait3A_40 = arith.constant 0 : i32
      %dma_wait3A_41 = arith.constant 0 : i32
      %dma_wait3A_42 = tpu.memref_slice %arg13[%dma_wait3A_40, %dma_wait3A_41] : memref<10240x128xf32, #tpu.memory_space<vmem_shared>> -> memref<10240x128xf32, #tpu.memory_space<vmem_shared>>
      tpu.wait_indirect_dma semaphore(%arg14 : memref<!tpu.dma_semaphore, #tpu.memory_space<semaphore_mem>>) src(%arg12 : memref<128x128xf32, #tpu.memory_space<vmem>>) dst(%dma_wait3A_42 : memref<10240x128xf32, #tpu.memory_space<vmem_shared>>)
    }
    %scan3A_4 = arith.constant 5 : i32
    %scan3A_5 = arith.constant 0 : i32
    %scan3A_6 = arith.constant 5 : i32
    %scan3A_7 = arith.addi %scan3A_5, %scan3A_6 : i32
    %scan3A_8 = arith.constant 1 : i32
    scf.for %scan3A_25 = %scan3A_5 to %scan3A_7 step %scan3A_8  : i32 {
      %mul3A_26 = arith.constant 128 : i32
      %mul3A_27 = arith.muli %scan3A_25, %mul3A_26 : i32
      %add3A_28 = arith.constant 0 : i32
      %add3A_29 = arith.addi %add3A_28, %mul3A_27 : i32
      %add3A_30 = arith.addi %mul3A_0, %add3A_29 : i32
      %run_scoped3A = arith.constant 0 : i32
      "tpu.region"() ({
        %run_scoped3A_44 = tpu.sem_alloc : memref<!tpu.dma_semaphore, #tpu.memory_space<semaphore_mem>>
        %dma_start3A_45 = arith.constant 0 : i32
        %dma_start3A_46 = tpu.memref_slice %arg11[%run_scoped3A, %dma_start3A_45] : memref<1x128xi32, #tpu.memory_space<vmem>> -> memref<1x128xi32, #tpu.memory_space<vmem>>
        %dma_start3A_47 = tpu.memref_squeeze %dma_start3A_46 : memref<1x128xi32, #tpu.memory_space<vmem>> -> memref<128xi32, #tpu.memory_space<vmem>>
        %dma_start3A_48 = tpu.memref_slice %arg6[%add3A_30] : memref<10240xi32, #tpu.memory_space<hbm>> -> memref<128xi32, #tpu.memory_space<hbm>>
        %dma_start3A_49 = arith.constant 0 : i32
        %dma_start3A_50 = tpu.memref_slice %arg11[%run_scoped3A, %dma_start3A_49] : memref<1x128xi32, #tpu.memory_space<vmem>> -> memref<1x128xi32, #tpu.memory_space<vmem>>
        %dma_start3A_51 = tpu.memref_squeeze %dma_start3A_50 : memref<1x128xi32, #tpu.memory_space<vmem>> -> memref<128xi32, #tpu.memory_space<vmem>>
        %dma_start3A_52 = tpu.memref_slice %arg6[%add3A_30] : memref<10240xi32, #tpu.memory_space<hbm>> -> memref<128xi32, #tpu.memory_space<hbm>>
        tpu.enqueue_dma source(%dma_start3A_52 : memref<128xi32, #tpu.memory_space<hbm>>) target(%dma_start3A_51 : memref<128xi32, #tpu.memory_space<vmem>>) target_semaphore(%run_scoped3A_44 : memref<!tpu.dma_semaphore, #tpu.memory_space<semaphore_mem>>)
        %dma_wait3A_53 = arith.constant 0 : i32
        %dma_wait3A_54 = tpu.memref_slice %arg11[%run_scoped3A, %dma_wait3A_53] : memref<1x128xi32, #tpu.memory_space<vmem>> -> memref<1x128xi32, #tpu.memory_space<vmem>>
        %dma_wait3A_55 = tpu.memref_squeeze %dma_wait3A_54 : memref<1x128xi32, #tpu.memory_space<vmem>> -> memref<128xi32, #tpu.memory_space<vmem>>
        %dma_wait3A_56 = tpu.memref_slice %arg6[%add3A_30] : memref<10240xi32, #tpu.memory_space<hbm>> -> memref<128xi32, #tpu.memory_space<hbm>>
        %dma_wait3A_57 = arith.constant 0 : i32
        %dma_wait3A_58 = tpu.memref_slice %arg11[%run_scoped3A, %dma_wait3A_57] : memref<1x128xi32, #tpu.memory_space<vmem>> -> memref<1x128xi32, #tpu.memory_space<vmem>>
        %dma_wait3A_59 = tpu.memref_squeeze %dma_wait3A_58 : memref<1x128xi32, #tpu.memory_space<vmem>> -> memref<128xi32, #tpu.memory_space<vmem>>
        %dma_wait3A_60 = tpu.memref_slice %arg6[%add3A_30] : memref<10240xi32, #tpu.memory_space<hbm>> -> memref<128xi32, #tpu.memory_space<hbm>>
        tpu.wait_dma2 semaphore(%run_scoped3A_44 : memref<!tpu.dma_semaphore, #tpu.memory_space<semaphore_mem>>) src(%dma_wait3A_60 : memref<128xi32, #tpu.memory_space<hbm>>) dst(%dma_wait3A_59 : memref<128xi32, #tpu.memory_space<vmem>>)
        tpu.yield
      }) : () -> ()
      %dma_start3A = arith.constant 0 : i32
      %dma_start3A_31 = arith.constant 0 : i32
      %dma_start3A_32 = tpu.memref_slice %arg11[%dma_start3A, %dma_start3A_31] : memref<1x128xi32, #tpu.memory_space<vmem>> -> memref<1x128xi32, #tpu.memory_space<vmem>>
      %dma_start3A_33 = tpu.memref_squeeze %dma_start3A_32 : memref<1x128xi32, #tpu.memory_space<vmem>> -> memref<128xi32, #tpu.memory_space<vmem>>
      %dma_start3A_34 = arith.constant 0 : i32
      %dma_start3A_35 = arith.constant 0 : i32
      %dma_start3A_36 = tpu.memref_slice %arg13[%dma_start3A_34, %dma_start3A_35] : memref<10240x128xf32, #tpu.memory_space<vmem_shared>> -> memref<10240x128xf32, #tpu.memory_space<vmem_shared>>
      tpu.enqueue_indirect_dma source(%dma_start3A_36 : memref<10240x128xf32, #tpu.memory_space<vmem_shared>>) target(%arg12 : memref<128x128xf32, #tpu.memory_space<vmem>>) offsets(%dma_start3A_33 : memref<128xi32, #tpu.memory_space<vmem>>) semaphore(%arg14 : memref<!tpu.dma_semaphore, #tpu.memory_space<semaphore_mem>>)
      %dma_wait3A = arith.constant 0 : i32
      %dma_wait3A_37 = arith.constant 0 : i32
      %dma_wait3A_38 = tpu.memref_slice %arg11[%dma_wait3A, %dma_wait3A_37] : memref<1x128xi32, #tpu.memory_space<vmem>> -> memref<1x128xi32, #tpu.memory_space<vmem>>
      %dma_wait3A_39 = tpu.memref_squeeze %dma_wait3A_38 : memref<1x128xi32, #tpu.memory_space<vmem>> -> memref<128xi32, #tpu.memory_space<vmem>>
      %dma_wait3A_40 = arith.constant 0 : i32
      %dma_wait3A_41 = arith.constant 0 : i32
      %dma_wait3A_42 = tpu.memref_slice %arg13[%dma_wait3A_40, %dma_wait3A_41] : memref<10240x128xf32, #tpu.memory_space<vmem_shared>> -> memref<10240x128xf32, #tpu.memory_space<vmem_shared>>
      tpu.wait_indirect_dma semaphore(%arg14 : memref<!tpu.dma_semaphore, #tpu.memory_space<semaphore_mem>>) src(%dma_wait3A_42 : memref<10240x128xf32, #tpu.memory_space<vmem_shared>>) dst(%arg12 : memref<128x128xf32, #tpu.memory_space<vmem>>)
      %add3A_43 = arith.addi %mul3A_0, %add3A_29 : i32
      "tpu.region"() ({
        %run_scoped3A_44 = tpu.sem_alloc : memref<!tpu.dma_semaphore, #tpu.memory_space<semaphore_mem>>
        %dma_start3A_45 = arith.constant 0 : i32
        %dma_start3A_46 = arith.constant 0 : i32
        %dma_start3A_47 = tpu.memref_slice %arg8[%arg0, %dma_start3A_45, %dma_start3A_46] : memref<2x10240x128xf32, #tpu.memory_space<hbm>> -> memref<1x10240x128xf32, #tpu.memory_space<hbm>>
        %dma_start3A_48 = tpu.memref_squeeze %dma_start3A_47 : memref<1x10240x128xf32, #tpu.memory_space<hbm>> -> memref<10240x128xf32, #tpu.memory_space<hbm>>
        %dma_start3A_49 = arith.constant 0 : i32
        %dma_start3A_50 = tpu.memref_slice %dma_start3A_48[%add3A_43, %dma_start3A_49] : memref<10240x128xf32, #tpu.memory_space<hbm>> -> memref<128x128xf32, #tpu.memory_space<hbm>>
        %dma_start3A_51 = arith.constant 0 : i32
        %dma_start3A_52 = arith.constant 0 : i32
        %dma_start3A_53 = tpu.memref_slice %arg8[%arg0, %dma_start3A_51, %dma_start3A_52] : memref<2x10240x128xf32, #tpu.memory_space<hbm>> -> memref<1x10240x128xf32, #tpu.memory_space<hbm>>
        %dma_start3A_54 = tpu.memref_squeeze %dma_start3A_53 : memref<1x10240x128xf32, #tpu.memory_space<hbm>> -> memref<10240x128xf32, #tpu.memory_space<hbm>>
        %dma_start3A_55 = arith.constant 0 : i32
        %dma_start3A_56 = tpu.memref_slice %dma_start3A_54[%add3A_43, %dma_start3A_55] : memref<10240x128xf32, #tpu.memory_space<hbm>> -> memref<128x128xf32, #tpu.memory_space<hbm>>
        tpu.enqueue_dma source(%arg12 : memref<128x128xf32, #tpu.memory_space<vmem>>) target(%dma_start3A_56 : memref<128x128xf32, #tpu.memory_space<hbm>>) target_semaphore(%run_scoped3A_44 : memref<!tpu.dma_semaphore, #tpu.memory_space<semaphore_mem>>)
        %dma_wait3A_57 = arith.constant 0 : i32
        %dma_wait3A_58 = arith.constant 0 : i32
        %dma_wait3A_59 = tpu.memref_slice %arg8[%arg0, %dma_wait3A_57, %dma_wait3A_58] : memref<2x10240x128xf32, #tpu.memory_space<hbm>> -> memref<1x10240x128xf32, #tpu.memory_space<hbm>>
        %dma_wait3A_60 = tpu.memref_squeeze %dma_wait3A_59 : memref<1x10240x128xf32, #tpu.memory_space<hbm>> -> memref<10240x128xf32, #tpu.memory_space<hbm>>
        %dma_wait3A_61 = arith.constant 0 : i32
        %dma_wait3A_62 = tpu.memref_slice %dma_wait3A_60[%add3A_43, %dma_wait3A_61] : memref<10240x128xf32, #tpu.memory_space<hbm>> -> memref<128x128xf32, #tpu.memory_space<hbm>>
        %dma_wait3A_63 = arith.constant 0 : i32
        %dma_wait3A_64 = arith.constant 0 : i32
        %dma_wait3A_65 = tpu.memref_slice %arg8[%arg0, %dma_wait3A_63, %dma_wait3A_64] : memref<2x10240x128xf32, #tpu.memory_space<hbm>> -> memref<1x10240x128xf32, #tpu.memory_space<hbm>>
        %dma_wait3A_66 = tpu.memref_squeeze %dma_wait3A_65 : memref<1x10240x128xf32, #tpu.memory_space<hbm>> -> memref<10240x128xf32, #tpu.memory_space<hbm>>
        %dma_wait3A_67 = arith.constant 0 : i32
        %dma_wait3A_68 = tpu.memref_slice %dma_wait3A_66[%add3A_43, %dma_wait3A_67] : memref<10240x128xf32, #tpu.memory_space<hbm>> -> memref<128x128xf32, #tpu.memory_space<hbm>>
        tpu.wait_dma2 semaphore(%run_scoped3A_44 : memref<!tpu.dma_semaphore, #tpu.memory_space<semaphore_mem>>) src(%arg12 : memref<128x128xf32, #tpu.memory_space<vmem>>) dst(%dma_wait3A_68 : memref<128x128xf32, #tpu.memory_space<hbm>>)
        tpu.yield
      }) : () -> ()
    }
    %scan3A_9 = arith.constant 5 : i32
    %barrier3A = arith.constant 0 : index
    tpu.barrier barrier_id(%barrier3A)
    %mul3A_10 = arith.constant 16 : i32
    %mul3A_11 = arith.muli %arg0, %mul3A_10 : i32
    %add3A = arith.addi %mul3A_11, %arg1 : i32
    %mul3A_12 = arith.constant 10112 : i32
    %mul3A_13 = arith.muli %add3A, %mul3A_12 : i32
    %scan3A_14 = arith.constant 0 : i32
    %scan3A_15 = arith.constant 79 : i32
    %scan3A_16 = arith.addi %scan3A_14, %scan3A_15 : i32
    %scan3A_17 = arith.constant 1 : i32
    scf.for %scan3A_25 = %scan3A_14 to %scan3A_16 step %scan3A_17  : i32 {
      %mul3A_26 = arith.constant 1 : i32
      %mul3A_27 = arith.muli %scan3A_25, %mul3A_26 : i32
      %add3A_28 = arith.constant 0 : i32
      %add3A_29 = arith.addi %add3A_28, %mul3A_27 : i32
      %mul3A_30 = arith.constant 128 : i32
      %mul3A_31 = arith.muli %add3A_29, %mul3A_30 : i32
      %add3A_32 = arith.addi %mul3A_13, %mul3A_31 : i32
      "tpu.region"() ({
        %run_scoped3A_51 = tpu.sem_alloc : memref<!tpu.dma_semaphore, #tpu.memory_space<semaphore_mem>>
        %dma_start3A_52 = tpu.memref_slice %arg2[%add3A_32] : memref<323584xi32, #tpu.memory_space<hbm>> -> memref<128xi32, #tpu.memory_space<hbm>>
        %dma_start3A_53 = tpu.memref_slice %arg2[%add3A_32] : memref<323584xi32, #tpu.memory_space<hbm>> -> memref<128xi32, #tpu.memory_space<hbm>>
        tpu.enqueue_dma source(%dma_start3A_53 : memref<128xi32, #tpu.memory_space<hbm>>) target(%arg9 : memref<128xi32, #tpu.memory_space<vmem>>) target_semaphore(%run_scoped3A_51 : memref<!tpu.dma_semaphore, #tpu.memory_space<semaphore_mem>>)
        %dma_wait3A_54 = tpu.memref_slice %arg2[%add3A_32] : memref<323584xi32, #tpu.memory_space<hbm>> -> memref<128xi32, #tpu.memory_space<hbm>>
        %dma_wait3A_55 = tpu.memref_slice %arg2[%add3A_32] : memref<323584xi32, #tpu.memory_space<hbm>> -> memref<128xi32, #tpu.memory_space<hbm>>
        tpu.wait_dma2 semaphore(%run_scoped3A_51 : memref<!tpu.dma_semaphore, #tpu.memory_space<semaphore_mem>>) src(%dma_wait3A_55 : memref<128xi32, #tpu.memory_space<hbm>>) dst(%arg9 : memref<128xi32, #tpu.memory_space<vmem>>)
        tpu.yield
      }) : () -> ()
      %run_scoped3A = arith.constant 0 : i32
      "tpu.region"() ({
        %run_scoped3A_51 = tpu.sem_alloc : memref<!tpu.dma_semaphore, #tpu.memory_space<semaphore_mem>>
        %dma_start3A_52 = arith.constant 0 : i32
        %dma_start3A_53 = tpu.memref_slice %arg10[%run_scoped3A, %dma_start3A_52] : memref<1x128xi32, #tpu.memory_space<vmem>> -> memref<1x128xi32, #tpu.memory_space<vmem>>
        %dma_start3A_54 = tpu.memref_squeeze %dma_start3A_53 : memref<1x128xi32, #tpu.memory_space<vmem>> -> memref<128xi32, #tpu.memory_space<vmem>>
        %dma_start3A_55 = tpu.memref_slice %arg3[%add3A_32] : memref<323584xi32, #tpu.memory_space<hbm>> -> memref<128xi32, #tpu.memory_space<hbm>>
        %dma_start3A_56 = arith.constant 0 : i32
        %dma_start3A_57 = tpu.memref_slice %arg10[%run_scoped3A, %dma_start3A_56] : memref<1x128xi32, #tpu.memory_space<vmem>> -> memref<1x128xi32, #tpu.memory_space<vmem>>
        %dma_start3A_58 = tpu.memref_squeeze %dma_start3A_57 : memref<1x128xi32, #tpu.memory_space<vmem>> -> memref<128xi32, #tpu.memory_space<vmem>>
        %dma_start3A_59 = tpu.memref_slice %arg3[%add3A_32] : memref<323584xi32, #tpu.memory_space<hbm>> -> memref<128xi32, #tpu.memory_space<hbm>>
        tpu.enqueue_dma source(%dma_start3A_59 : memref<128xi32, #tpu.memory_space<hbm>>) target(%dma_start3A_58 : memref<128xi32, #tpu.memory_space<vmem>>) target_semaphore(%run_scoped3A_51 : memref<!tpu.dma_semaphore, #tpu.memory_space<semaphore_mem>>)
        %dma_wait3A_60 = arith.constant 0 : i32
        %dma_wait3A_61 = tpu.memref_slice %arg10[%run_scoped3A, %dma_wait3A_60] : memref<1x128xi32, #tpu.memory_space<vmem>> -> memref<1x128xi32, #tpu.memory_space<vmem>>
        %dma_wait3A_62 = tpu.memref_squeeze %dma_wait3A_61 : memref<1x128xi32, #tpu.memory_space<vmem>> -> memref<128xi32, #tpu.memory_space<vmem>>
        %dma_wait3A_63 = tpu.memref_slice %arg3[%add3A_32] : memref<323584xi32, #tpu.memory_space<hbm>> -> memref<128xi32, #tpu.memory_space<hbm>>
        %dma_wait3A_64 = arith.constant 0 : i32
        %dma_wait3A_65 = tpu.memref_slice %arg10[%run_scoped3A, %dma_wait3A_64] : memref<1x128xi32, #tpu.memory_space<vmem>> -> memref<1x128xi32, #tpu.memory_space<vmem>>
        %dma_wait3A_66 = tpu.memref_squeeze %dma_wait3A_65 : memref<1x128xi32, #tpu.memory_space<vmem>> -> memref<128xi32, #tpu.memory_space<vmem>>
        %dma_wait3A_67 = tpu.memref_slice %arg3[%add3A_32] : memref<323584xi32, #tpu.memory_space<hbm>> -> memref<128xi32, #tpu.memory_space<hbm>>
        tpu.wait_dma2 semaphore(%run_scoped3A_51 : memref<!tpu.dma_semaphore, #tpu.memory_space<semaphore_mem>>) src(%dma_wait3A_67 : memref<128xi32, #tpu.memory_space<hbm>>) dst(%dma_wait3A_66 : memref<128xi32, #tpu.memory_space<vmem>>)
        tpu.yield
      }) : () -> ()
      %dma_start3A = arith.constant 0 : i32
      %dma_start3A_33 = arith.constant 0 : i32
      %dma_start3A_34 = tpu.memref_slice %arg4[%dma_start3A, %dma_start3A_33] : memref<10240x128xf32, #tpu.memory_space<hbm>> -> memref<10240x128xf32, #tpu.memory_space<hbm>>
      tpu.enqueue_indirect_dma source(%dma_start3A_34 : memref<10240x128xf32, #tpu.memory_space<hbm>>) target(%arg12 : memref<128x128xf32, #tpu.memory_space<vmem>>) offsets(%arg9 : memref<128xi32, #tpu.memory_space<vmem>>) semaphore(%arg14 : memref<!tpu.dma_semaphore, #tpu.memory_space<semaphore_mem>>)
      %dma_wait3A = arith.constant 0 : i32
      %dma_wait3A_35 = arith.constant 0 : i32
      %dma_wait3A_36 = tpu.memref_slice %arg4[%dma_wait3A, %dma_wait3A_35] : memref<10240x128xf32, #tpu.memory_space<hbm>> -> memref<10240x128xf32, #tpu.memory_space<hbm>>
      tpu.wait_indirect_dma semaphore(%arg14 : memref<!tpu.dma_semaphore, #tpu.memory_space<semaphore_mem>>) src(%dma_wait3A_36 : memref<10240x128xf32, #tpu.memory_space<hbm>>) dst(%arg12 : memref<128x128xf32, #tpu.memory_space<vmem>>)
      %dma_start3A_37 = arith.constant 0 : i32
      %dma_start3A_38 = arith.constant 0 : i32
      %dma_start3A_39 = tpu.memref_slice %arg10[%dma_start3A_37, %dma_start3A_38] : memref<1x128xi32, #tpu.memory_space<vmem>> -> memref<1x128xi32, #tpu.memory_space<vmem>>
      %dma_start3A_40 = tpu.memref_squeeze %dma_start3A_39 : memref<1x128xi32, #tpu.memory_space<vmem>> -> memref<128xi32, #tpu.memory_space<vmem>>
      %dma_start3A_41 = arith.constant 0 : i32
      %dma_start3A_42 = arith.constant 0 : i32
      %dma_start3A_43 = tpu.memref_slice %arg13[%dma_start3A_41, %dma_start3A_42] : memref<10240x128xf32, #tpu.memory_space<vmem_shared>> -> memref<10240x128xf32, #tpu.memory_space<vmem_shared>>
      tpu.enqueue_indirect_dma source(%arg12 : memref<128x128xf32, #tpu.memory_space<vmem>>) target(%dma_start3A_43 : memref<10240x128xf32, #tpu.memory_space<vmem_shared>>) offsets(%dma_start3A_40 : memref<128xi32, #tpu.memory_space<vmem>>) semaphore(%arg14 : memref<!tpu.dma_semaphore, #tpu.memory_space<semaphore_mem>>) {add = true}
      %dma_wait3A_44 = arith.constant 0 : i32
      %dma_wait3A_45 = arith.constant 0 : i32
      %dma_wait3A_46 = tpu.memref_slice %arg10[%dma_wait3A_44, %dma_wait3A_45] : memref<1x128xi32, #tpu.memory_space<vmem>> -> memref<1x128xi32, #tpu.memory_space<vmem>>
      %dma_wait3A_47 = tpu.memref_squeeze %dma_wait3A_46 : memref<1x128xi32, #tpu.memory_space<vmem>> -> memref<128xi32, #tpu.memory_space<vmem>>
      %dma_wait3A_48 = arith.constant 0 : i32
      %dma_wait3A_49 = arith.constant 0 : i32
      %dma_wait3A_50 = tpu.memref_slice %arg13[%dma_wait3A_48, %dma_wait3A_49] : memref<10240x128xf32, #tpu.memory_space<vmem_shared>> -> memref<10240x128xf32, #tpu.memory_space<vmem_shared>>
      tpu.wait_indirect_dma semaphore(%arg14 : memref<!tpu.dma_semaphore, #tpu.memory_space<semaphore_mem>>) src(%arg12 : memref<128x128xf32, #tpu.memory_space<vmem>>) dst(%dma_wait3A_50 : memref<10240x128xf32, #tpu.memory_space<vmem_shared>>)
    }
    %scan3A_18 = arith.constant 79 : i32
    %barrier3A_19 = arith.constant 0 : index
    tpu.barrier barrier_id(%barrier3A_19)
    %scan3A_20 = arith.constant 0 : i32
    %scan3A_21 = arith.constant 5 : i32
    %scan3A_22 = arith.addi %scan3A_20, %scan3A_21 : i32
    %scan3A_23 = arith.constant 1 : i32
    scf.for %scan3A_25 = %scan3A_20 to %scan3A_22 step %scan3A_23  : i32 {
      %mul3A_26 = arith.constant 128 : i32
      %mul3A_27 = arith.muli %scan3A_25, %mul3A_26 : i32
      %add3A_28 = arith.constant 0 : i32
      %add3A_29 = arith.addi %add3A_28, %mul3A_27 : i32
      %add3A_30 = arith.addi %mul3A_0, %add3A_29 : i32
      %run_scoped3A = arith.constant 0 : i32
      "tpu.region"() ({
        %run_scoped3A_44 = tpu.sem_alloc : memref<!tpu.dma_semaphore, #tpu.memory_space<semaphore_mem>>
        %dma_start3A_45 = arith.constant 0 : i32
        %dma_start3A_46 = tpu.memref_slice %arg11[%run_scoped3A, %dma_start3A_45] : memref<1x128xi32, #tpu.memory_space<vmem>> -> memref<1x128xi32, #tpu.memory_space<vmem>>
        %dma_start3A_47 = tpu.memref_squeeze %dma_start3A_46 : memref<1x128xi32, #tpu.memory_space<vmem>> -> memref<128xi32, #tpu.memory_space<vmem>>
        %dma_start3A_48 = tpu.memref_slice %arg6[%add3A_30] : memref<10240xi32, #tpu.memory_space<hbm>> -> memref<128xi32, #tpu.memory_space<hbm>>
        %dma_start3A_49 = arith.constant 0 : i32
        %dma_start3A_50 = tpu.memref_slice %arg11[%run_scoped3A, %dma_start3A_49] : memref<1x128xi32, #tpu.memory_space<vmem>> -> memref<1x128xi32, #tpu.memory_space<vmem>>
        %dma_start3A_51 = tpu.memref_squeeze %dma_start3A_50 : memref<1x128xi32, #tpu.memory_space<vmem>> -> memref<128xi32, #tpu.memory_space<vmem>>
        %dma_start3A_52 = tpu.memref_slice %arg6[%add3A_30] : memref<10240xi32, #tpu.memory_space<hbm>> -> memref<128xi32, #tpu.memory_space<hbm>>
        tpu.enqueue_dma source(%dma_start3A_52 : memref<128xi32, #tpu.memory_space<hbm>>) target(%dma_start3A_51 : memref<128xi32, #tpu.memory_space<vmem>>) target_semaphore(%run_scoped3A_44 : memref<!tpu.dma_semaphore, #tpu.memory_space<semaphore_mem>>)
        %dma_wait3A_53 = arith.constant 0 : i32
        %dma_wait3A_54 = tpu.memref_slice %arg11[%run_scoped3A, %dma_wait3A_53] : memref<1x128xi32, #tpu.memory_space<vmem>> -> memref<1x128xi32, #tpu.memory_space<vmem>>
        %dma_wait3A_55 = tpu.memref_squeeze %dma_wait3A_54 : memref<1x128xi32, #tpu.memory_space<vmem>> -> memref<128xi32, #tpu.memory_space<vmem>>
        %dma_wait3A_56 = tpu.memref_slice %arg6[%add3A_30] : memref<10240xi32, #tpu.memory_space<hbm>> -> memref<128xi32, #tpu.memory_space<hbm>>
        %dma_wait3A_57 = arith.constant 0 : i32
        %dma_wait3A_58 = tpu.memref_slice %arg11[%run_scoped3A, %dma_wait3A_57] : memref<1x128xi32, #tpu.memory_space<vmem>> -> memref<1x128xi32, #tpu.memory_space<vmem>>
        %dma_wait3A_59 = tpu.memref_squeeze %dma_wait3A_58 : memref<1x128xi32, #tpu.memory_space<vmem>> -> memref<128xi32, #tpu.memory_space<vmem>>
        %dma_wait3A_60 = tpu.memref_slice %arg6[%add3A_30] : memref<10240xi32, #tpu.memory_space<hbm>> -> memref<128xi32, #tpu.memory_space<hbm>>
        tpu.wait_dma2 semaphore(%run_scoped3A_44 : memref<!tpu.dma_semaphore, #tpu.memory_space<semaphore_mem>>) src(%dma_wait3A_60 : memref<128xi32, #tpu.memory_space<hbm>>) dst(%dma_wait3A_59 : memref<128xi32, #tpu.memory_space<vmem>>)
        tpu.yield
      }) : () -> ()
      %dma_start3A = arith.constant 0 : i32
      %dma_start3A_31 = arith.constant 0 : i32
      %dma_start3A_32 = tpu.memref_slice %arg11[%dma_start3A, %dma_start3A_31] : memref<1x128xi32, #tpu.memory_space<vmem>> -> memref<1x128xi32, #tpu.memory_space<vmem>>
      %dma_start3A_33 = tpu.memref_squeeze %dma_start3A_32 : memref<1x128xi32, #tpu.memory_space<vmem>> -> memref<128xi32, #tpu.memory_space<vmem>>
      %dma_start3A_34 = arith.constant 0 : i32
      %dma_start3A_35 = arith.constant 0 : i32
      %dma_start3A_36 = tpu.memref_slice %arg13[%dma_start3A_34, %dma_start3A_35] : memref<10240x128xf32, #tpu.memory_space<vmem_shared>> -> memref<10240x128xf32, #tpu.memory_space<vmem_shared>>
      tpu.enqueue_indirect_dma source(%dma_start3A_36 : memref<10240x128xf32, #tpu.memory_space<vmem_shared>>) target(%arg12 : memref<128x128xf32, #tpu.memory_space<vmem>>) offsets(%dma_start3A_33 : memref<128xi32, #tpu.memory_space<vmem>>) semaphore(%arg14 : memref<!tpu.dma_semaphore, #tpu.memory_space<semaphore_mem>>)
      %dma_wait3A = arith.constant 0 : i32
      %dma_wait3A_37 = arith.constant 0 : i32
      %dma_wait3A_38 = tpu.memref_slice %arg11[%dma_wait3A, %dma_wait3A_37] : memref<1x128xi32, #tpu.memory_space<vmem>> -> memref<1x128xi32, #tpu.memory_space<vmem>>
      %dma_wait3A_39 = tpu.memref_squeeze %dma_wait3A_38 : memref<1x128xi32, #tpu.memory_space<vmem>> -> memref<128xi32, #tpu.memory_space<vmem>>
      %dma_wait3A_40 = arith.constant 0 : i32
      %dma_wait3A_41 = arith.constant 0 : i32
      %dma_wait3A_42 = tpu.memref_slice %arg13[%dma_wait3A_40, %dma_wait3A_41] : memref<10240x128xf32, #tpu.memory_space<vmem_shared>> -> memref<10240x128xf32, #tpu.memory_space<vmem_shared>>
      tpu.wait_indirect_dma semaphore(%arg14 : memref<!tpu.dma_semaphore, #tpu.memory_space<semaphore_mem>>) src(%dma_wait3A_42 : memref<10240x128xf32, #tpu.memory_space<vmem_shared>>) dst(%arg12 : memref<128x128xf32, #tpu.memory_space<vmem>>)
      %add3A_43 = arith.addi %mul3A_0, %add3A_29 : i32
      "tpu.region"() ({
        %run_scoped3A_44 = tpu.sem_alloc : memref<!tpu.dma_semaphore, #tpu.memory_space<semaphore_mem>>
        %dma_start3A_45 = arith.constant 0 : i32
        %dma_start3A_46 = arith.constant 0 : i32
        %dma_start3A_47 = tpu.memref_slice %arg7[%arg0, %dma_start3A_45, %dma_start3A_46] : memref<2x10240x128xf32, #tpu.memory_space<hbm>> -> memref<1x10240x128xf32, #tpu.memory_space<hbm>>
        %dma_start3A_48 = tpu.memref_squeeze %dma_start3A_47 : memref<1x10240x128xf32, #tpu.memory_space<hbm>> -> memref<10240x128xf32, #tpu.memory_space<hbm>>
        %dma_start3A_49 = arith.constant 0 : i32
        %dma_start3A_50 = tpu.memref_slice %dma_start3A_48[%add3A_43, %dma_start3A_49] : memref<10240x128xf32, #tpu.memory_space<hbm>> -> memref<128x128xf32, #tpu.memory_space<hbm>>
        %dma_start3A_51 = arith.constant 0 : i32
        %dma_start3A_52 = arith.constant 0 : i32
        %dma_start3A_53 = tpu.memref_slice %arg7[%arg0, %dma_start3A_51, %dma_start3A_52] : memref<2x10240x128xf32, #tpu.memory_space<hbm>> -> memref<1x10240x128xf32, #tpu.memory_space<hbm>>
        %dma_start3A_54 = tpu.memref_squeeze %dma_start3A_53 : memref<1x10240x128xf32, #tpu.memory_space<hbm>> -> memref<10240x128xf32, #tpu.memory_space<hbm>>
        %dma_start3A_55 = arith.constant 0 : i32
        %dma_start3A_56 = tpu.memref_slice %dma_start3A_54[%add3A_43, %dma_start3A_55] : memref<10240x128xf32, #tpu.memory_space<hbm>> -> memref<128x128xf32, #tpu.memory_space<hbm>>
        tpu.enqueue_dma source(%arg12 : memref<128x128xf32, #tpu.memory_space<vmem>>) target(%dma_start3A_56 : memref<128x128xf32, #tpu.memory_space<hbm>>) target_semaphore(%run_scoped3A_44 : memref<!tpu.dma_semaphore, #tpu.memory_space<semaphore_mem>>)
        %dma_wait3A_57 = arith.constant 0 : i32
        %dma_wait3A_58 = arith.constant 0 : i32
        %dma_wait3A_59 = tpu.memref_slice %arg7[%arg0, %dma_wait3A_57, %dma_wait3A_58] : memref<2x10240x128xf32, #tpu.memory_space<hbm>> -> memref<1x10240x128xf32, #tpu.memory_space<hbm>>
        %dma_wait3A_60 = tpu.memref_squeeze %dma_wait3A_59 : memref<1x10240x128xf32, #tpu.memory_space<hbm>> -> memref<10240x128xf32, #tpu.memory_space<hbm>>
        %dma_wait3A_61 = arith.constant 0 : i32
        %dma_wait3A_62 = tpu.memref_slice %dma_wait3A_60[%add3A_43, %dma_wait3A_61] : memref<10240x128xf32, #tpu.memory_space<hbm>> -> memref<128x128xf32, #tpu.memory_space<hbm>>
        %dma_wait3A_63 = arith.constant 0 : i32
        %dma_wait3A_64 = arith.constant 0 : i32
        %dma_wait3A_65 = tpu.memref_slice %arg7[%arg0, %dma_wait3A_63, %dma_wait3A_64] : memref<2x10240x128xf32, #tpu.memory_space<hbm>> -> memref<1x10240x128xf32, #tpu.memory_space<hbm>>
        %dma_wait3A_66 = tpu.memref_squeeze %dma_wait3A_65 : memref<1x10240x128xf32, #tpu.memory_space<hbm>> -> memref<10240x128xf32, #tpu.memory_space<hbm>>
        %dma_wait3A_67 = arith.constant 0 : i32
        %dma_wait3A_68 = tpu.memref_slice %dma_wait3A_66[%add3A_43, %dma_wait3A_67] : memref<10240x128xf32, #tpu.memory_space<hbm>> -> memref<128x128xf32, #tpu.memory_space<hbm>>
        tpu.wait_dma2 semaphore(%run_scoped3A_44 : memref<!tpu.dma_semaphore, #tpu.memory_space<semaphore_mem>>) src(%arg12 : memref<128x128xf32, #tpu.memory_space<vmem>>) dst(%dma_wait3A_68 : memref<128x128xf32, #tpu.memory_space<hbm>>)
        tpu.yield
      }) : () -> ()
    }
    %scan3A_24 = arith.constant 5 : i32
    return
  }
}

module attributes {stable_mosaic.version = 14 : i64} {
  func.func @body(%arg0: i32, %arg1: memref<2x1024x128xf32, #tpu.memory_space<vmem>>, %arg2: memref<2x1024x128xf32, #tpu.memory_space<vmem>>, %arg3: memref<2x1024x128xf32, #tpu.memory_space<vmem>>, %arg4: memref<2x1024x128xf32, #tpu.memory_space<vmem>>, %arg5: memref<1024x128xf32, #tpu.memory_space<vmem>>, %arg6: memref<128x128xf32, #tpu.memory_space<vmem>>, %arg7: memref<128x128xf32, #tpu.memory_space<vmem>>, %arg8: memref<1x128xf32, #tpu.memory_space<vmem>>, %arg9: memref<1024x128xf32, #tpu.memory_space<vmem>>) attributes {dimension_semantics = [#tpu.dimension_semantics<arbitrary>], iteration_bounds = array<i64: 10>, scalar_prefetch = 0 : i64, scratch_operands = 0 : i64, tpu.core_type = #tpu.core_type<tc>, window_params = [{transform_indices = @transform_0, window_bounds = array<i64: 2, 1024, 128>}, {transform_indices = @transform_1, window_bounds = array<i64: 2, 1024, 128>}, {transform_indices = @transform_2, window_bounds = array<i64: 2, 1024, 128>}, {transform_indices = @transform_3, window_bounds = array<i64: 2, 1024, 128>}, {transform_indices = @transform_4, window_bounds = array<i64: 1024, 128>}, {pipeline_mode = #tpu.pipeline_mode<synchronous>, transform_indices = @transform_5, window_bounds = array<i64: 128, 128>}, {pipeline_mode = #tpu.pipeline_mode<synchronous>, transform_indices = @transform_6, window_bounds = array<i64: 128, 128>}, {pipeline_mode = #tpu.pipeline_mode<synchronous>, transform_indices = @transform_7, window_bounds = array<i64: 1, 128>}, {transform_indices = @transform_8, window_bounds = array<i64: 1024, 128>}]} {
    %get3A = arith.constant 0 : index
    %get3A_0 = arith.constant 0 : index
    %get3A_1 = arith.constant 0 : index
    %get3A_2 = vector.load %arg1[%get3A, %get3A_0, %get3A_1] : memref<2x1024x128xf32, #tpu.memory_space<vmem>>, vector<1x1024x128xf32>
    %get3A_3 = vector.shape_cast %get3A_2 : vector<1x1024x128xf32> to vector<1024x128xf32>
    %get3A_4 = arith.constant 0 : index
    %get3A_5 = arith.constant 0 : index
    %get3A_6 = arith.constant 0 : index
    %get3A_7 = vector.load %arg2[%get3A_4, %get3A_5, %get3A_6] : memref<2x1024x128xf32, #tpu.memory_space<vmem>>, vector<1x1024x128xf32>
    %get3A_8 = vector.shape_cast %get3A_7 : vector<1x1024x128xf32> to vector<1024x128xf32>
    %sub3A = arith.subf %get3A_3, %get3A_8 : vector<1024x128xf32>
    %get3A_9 = arith.constant 1 : index
    %get3A_10 = arith.constant 0 : index
    %get3A_11 = arith.constant 0 : index
    %get3A_12 = vector.load %arg1[%get3A_9, %get3A_10, %get3A_11] : memref<2x1024x128xf32, #tpu.memory_space<vmem>>, vector<1x1024x128xf32>
    %get3A_13 = vector.shape_cast %get3A_12 : vector<1x1024x128xf32> to vector<1024x128xf32>
    %get3A_14 = arith.constant 1 : index
    %get3A_15 = arith.constant 0 : index
    %get3A_16 = arith.constant 0 : index
    %get3A_17 = vector.load %arg2[%get3A_14, %get3A_15, %get3A_16] : memref<2x1024x128xf32, #tpu.memory_space<vmem>>, vector<1x1024x128xf32>
    %get3A_18 = vector.shape_cast %get3A_17 : vector<1x1024x128xf32> to vector<1024x128xf32>
    %sub3A_19 = arith.subf %get3A_13, %get3A_18 : vector<1024x128xf32>
    %add3A = arith.addf %sub3A, %sub3A_19 : vector<1024x128xf32>
    %get3A_20 = arith.constant 0 : index
    %get3A_21 = arith.constant 0 : index
    %get3A_22 = arith.constant 0 : index
    %get3A_23 = vector.load %arg3[%get3A_20, %get3A_21, %get3A_22] : memref<2x1024x128xf32, #tpu.memory_space<vmem>>, vector<1x1024x1xf32>
    %get3A_24 = vector.shape_cast %get3A_23 : vector<1x1024x1xf32> to vector<1024x1xf32>
    %get3A_25 = arith.constant 0 : index
    %get3A_26 = arith.constant 0 : index
    %get3A_27 = arith.constant 0 : index
    %get3A_28 = vector.load %arg4[%get3A_25, %get3A_26, %get3A_27] : memref<2x1024x128xf32, #tpu.memory_space<vmem>>, vector<1x1024x1xf32>
    %get3A_29 = vector.shape_cast %get3A_28 : vector<1x1024x1xf32> to vector<1024x1xf32>
    %sub3A_30 = arith.subf %get3A_24, %get3A_29 : vector<1024x1xf32>
    %get3A_31 = arith.constant 1 : index
    %get3A_32 = arith.constant 0 : index
    %get3A_33 = arith.constant 0 : index
    %get3A_34 = vector.load %arg3[%get3A_31, %get3A_32, %get3A_33] : memref<2x1024x128xf32, #tpu.memory_space<vmem>>, vector<1x1024x1xf32>
    %get3A_35 = vector.shape_cast %get3A_34 : vector<1x1024x1xf32> to vector<1024x1xf32>
    %get3A_36 = arith.constant 1 : index
    %get3A_37 = arith.constant 0 : index
    %get3A_38 = arith.constant 0 : index
    %get3A_39 = vector.load %arg4[%get3A_36, %get3A_37, %get3A_38] : memref<2x1024x128xf32, #tpu.memory_space<vmem>>, vector<1x1024x1xf32>
    %get3A_40 = vector.shape_cast %get3A_39 : vector<1x1024x1xf32> to vector<1024x1xf32>
    %sub3A_41 = arith.subf %get3A_35, %get3A_40 : vector<1024x1xf32>
    %add3A_42 = arith.addf %sub3A_30, %sub3A_41 : vector<1024x1xf32>
    %max3A = arith.constant 1.000000e+00 : f32
    %max3A_43 = vector.broadcast %max3A : f32 to vector<1024x1xf32>
    %max3A_44 = arith.maximumf %add3A_42, %max3A_43 : vector<1024x1xf32>
    %div3A = vector.broadcast %max3A_44 : vector<1024x1xf32> to vector<1024x128xf32>
    %div3A_45 = arith.divf %add3A, %div3A : vector<1024x128xf32>
    %get3A_46 = arith.constant 0 : index
    %get3A_47 = arith.constant 0 : index
    %get3A_48 = vector.load %arg6[%get3A_46, %get3A_47] : memref<128x128xf32, #tpu.memory_space<vmem>>, vector<128x128xf32>
    %dot_general3A = arith.constant dense<0.000000e+00> : vector<1024x128xf32>
    %dot_general3A_49 = tpu.matmul %div3A_45, %get3A_48, %dot_general3A {dimension_numbers = #tpu.dot_dimension_numbers<[1], [0], [0], [1], [0, 0, 1, 1], [], []>, precision = #tpu.contract_precision<fp32>, transpose_lhs_hint = false} : vector<1024x128xf32>, vector<128x128xf32>, vector<1024x128xf32> -> vector<1024x128xf32>
    %get3A_50 = arith.constant 0 : index
    %get3A_51 = arith.constant 0 : index
    %get3A_52 = vector.load %arg5[%get3A_50, %get3A_51] : memref<1024x128xf32, #tpu.memory_space<vmem>>, vector<1024x128xf32>
    %get3A_53 = arith.constant 0 : index
    %get3A_54 = arith.constant 0 : index
    %get3A_55 = vector.load %arg7[%get3A_53, %get3A_54] : memref<128x128xf32, #tpu.memory_space<vmem>>, vector<128x128xf32>
    %dot_general3A_56 = arith.constant dense<0.000000e+00> : vector<1024x128xf32>
    %dot_general3A_57 = tpu.matmul %get3A_52, %get3A_55, %dot_general3A_56 {dimension_numbers = #tpu.dot_dimension_numbers<[1], [0], [0], [1], [0, 0, 1, 1], [], []>, precision = #tpu.contract_precision<fp32>, transpose_lhs_hint = false} : vector<1024x128xf32>, vector<128x128xf32>, vector<1024x128xf32> -> vector<1024x128xf32>
    %add3A_58 = arith.addf %dot_general3A_49, %dot_general3A_57 : vector<1024x128xf32>
    %get3A_59 = arith.constant 0 : index
    %get3A_60 = arith.constant 0 : index
    %get3A_61 = vector.load %arg8[%get3A_59, %get3A_60] : memref<1x128xf32, #tpu.memory_space<vmem>>, vector<1x128xf32>
    %add3A_62 = vector.broadcast %get3A_61 : vector<1x128xf32> to vector<1024x128xf32>
    %add3A_63 = arith.addf %add3A_58, %add3A_62 : vector<1024x128xf32>
    %max3A_64 = arith.constant 0.000000e+00 : f32
    %max3A_65 = vector.broadcast %max3A_64 : f32 to vector<1024x128xf32>
    %max3A_66 = arith.maximumf %add3A_63, %max3A_65 : vector<1024x128xf32>
    %swap3A = arith.constant 0 : index
    %swap3A_67 = arith.constant 0 : index
    %swap3A_68 = vector.load %arg9[%swap3A, %swap3A_67] : memref<1024x128xf32, #tpu.memory_space<vmem>>, vector<1024x128xf32>
    tpu.vector_store %arg9[%swap3A, %swap3A_67], %max3A_66 {strides = array<i32>} : memref<1024x128xf32, #tpu.memory_space<vmem>>, vector<1024x128xf32>,
    return
  }
  func.func @transform_0(%arg0: i32) -> (i32, i32, i32) {
    %c0_i32 = arith.constant 0 : i32
    %c0_i32_0 = arith.constant 0 : i32
    %c0_i32_1 = arith.constant 0 : i32
    return %c0_i32, %arg0, %c0_i32_0 : i32, i32, i32
  }
  func.func @transform_1(%arg0: i32) -> (i32, i32, i32) {
    %c0_i32 = arith.constant 0 : i32
    %c0_i32_0 = arith.constant 0 : i32
    %c0_i32_1 = arith.constant 0 : i32
    return %c0_i32, %arg0, %c0_i32_0 : i32, i32, i32
  }
  func.func @transform_2(%arg0: i32) -> (i32, i32, i32) {
    %c0_i32 = arith.constant 0 : i32
    %c0_i32_0 = arith.constant 0 : i32
    %c0_i32_1 = arith.constant 0 : i32
    return %c0_i32, %arg0, %c0_i32_0 : i32, i32, i32
  }
  func.func @transform_3(%arg0: i32) -> (i32, i32, i32) {
    %c0_i32 = arith.constant 0 : i32
    %c0_i32_0 = arith.constant 0 : i32
    %c0_i32_1 = arith.constant 0 : i32
    return %c0_i32, %arg0, %c0_i32_0 : i32, i32, i32
  }
  func.func @transform_4(%arg0: i32) -> (i32, i32) {
    %c0_i32 = arith.constant 0 : i32
    %c0_i32_0 = arith.constant 0 : i32
    return %arg0, %c0_i32 : i32, i32
  }
  func.func @transform_5(%arg0: i32) -> (i32, i32) {
    %c0_i32 = arith.constant 0 : i32
    %c0_i32_0 = arith.constant 0 : i32
    %c0_i32_1 = arith.constant 0 : i32
    return %c0_i32, %c0_i32_0 : i32, i32
  }
  func.func @transform_6(%arg0: i32) -> (i32, i32) {
    %c0_i32 = arith.constant 0 : i32
    %c0_i32_0 = arith.constant 0 : i32
    %c0_i32_1 = arith.constant 0 : i32
    return %c0_i32, %c0_i32_0 : i32, i32
  }
  func.func @transform_7(%arg0: i32) -> (i32, i32) {
    %c0_i32 = arith.constant 0 : i32
    %c0_i32_0 = arith.constant 0 : i32
    %c0_i32_1 = arith.constant 0 : i32
    return %c0_i32, %c0_i32_0 : i32, i32
  }
  func.func @transform_8(%arg0: i32) -> (i32, i32) {
    %c0_i32 = arith.constant 0 : i32
    %c0_i32_0 = arith.constant 0 : i32
    return %arg0, %c0_i32 : i32, i32
  }
}

module attributes {stable_mosaic.version = 14 : i64} {
  func.func @body(%arg0: i32, %arg1: memref<2x1024x128xf32, #tpu.memory_space<vmem>>, %arg2: memref<2x1024x128xf32, #tpu.memory_space<vmem>>, %arg3: memref<2x1024x128xf32, #tpu.memory_space<vmem>>, %arg4: memref<2x1024x128xf32, #tpu.memory_space<vmem>>, %arg5: memref<1024x128xf32, #tpu.memory_space<vmem>>, %arg6: memref<128x128xf32, #tpu.memory_space<vmem>>, %arg7: memref<128x128xf32, #tpu.memory_space<vmem>>, %arg8: memref<1x128xf32, #tpu.memory_space<vmem>>, %arg9: memref<128x128xf32, #tpu.memory_space<vmem>>, %arg10: memref<1x128xf32, #tpu.memory_space<vmem>>, %arg11: memref<1024x128xf32, #tpu.memory_space<vmem>>) attributes {dimension_semantics = [#tpu.dimension_semantics<arbitrary>], iteration_bounds = array<i64: 10>, scalar_prefetch = 0 : i64, scratch_operands = 0 : i64, tpu.core_type = #tpu.core_type<tc>, window_params = [{transform_indices = @transform_0, window_bounds = array<i64: 2, 1024, 128>}, {transform_indices = @transform_1, window_bounds = array<i64: 2, 1024, 128>}, {transform_indices = @transform_2, window_bounds = array<i64: 2, 1024, 128>}, {transform_indices = @transform_3, window_bounds = array<i64: 2, 1024, 128>}, {transform_indices = @transform_4, window_bounds = array<i64: 1024, 128>}, {pipeline_mode = #tpu.pipeline_mode<synchronous>, transform_indices = @transform_5, window_bounds = array<i64: 128, 128>}, {pipeline_mode = #tpu.pipeline_mode<synchronous>, transform_indices = @transform_6, window_bounds = array<i64: 128, 128>}, {pipeline_mode = #tpu.pipeline_mode<synchronous>, transform_indices = @transform_7, window_bounds = array<i64: 1, 128>}, {pipeline_mode = #tpu.pipeline_mode<synchronous>, transform_indices = @transform_8, window_bounds = array<i64: 128, 128>}, {pipeline_mode = #tpu.pipeline_mode<synchronous>, transform_indices = @transform_9, window_bounds = array<i64: 1, 128>}, {transform_indices = @transform_10, window_bounds = array<i64: 1024, 128>}]} {
    %get3A = arith.constant 0 : index
    %get3A_0 = arith.constant 0 : index
    %get3A_1 = arith.constant 0 : index
    %get3A_2 = vector.load %arg1[%get3A, %get3A_0, %get3A_1] : memref<2x1024x128xf32, #tpu.memory_space<vmem>>, vector<1x1024x128xf32>
    %get3A_3 = vector.shape_cast %get3A_2 : vector<1x1024x128xf32> to vector<1024x128xf32>
    %get3A_4 = arith.constant 0 : index
    %get3A_5 = arith.constant 0 : index
    %get3A_6 = arith.constant 0 : index
    %get3A_7 = vector.load %arg2[%get3A_4, %get3A_5, %get3A_6] : memref<2x1024x128xf32, #tpu.memory_space<vmem>>, vector<1x1024x128xf32>
    %get3A_8 = vector.shape_cast %get3A_7 : vector<1x1024x128xf32> to vector<1024x128xf32>
    %sub3A = arith.subf %get3A_3, %get3A_8 : vector<1024x128xf32>
    %get3A_9 = arith.constant 1 : index
    %get3A_10 = arith.constant 0 : index
    %get3A_11 = arith.constant 0 : index
    %get3A_12 = vector.load %arg1[%get3A_9, %get3A_10, %get3A_11] : memref<2x1024x128xf32, #tpu.memory_space<vmem>>, vector<1x1024x128xf32>
    %get3A_13 = vector.shape_cast %get3A_12 : vector<1x1024x128xf32> to vector<1024x128xf32>
    %get3A_14 = arith.constant 1 : index
    %get3A_15 = arith.constant 0 : index
    %get3A_16 = arith.constant 0 : index
    %get3A_17 = vector.load %arg2[%get3A_14, %get3A_15, %get3A_16] : memref<2x1024x128xf32, #tpu.memory_space<vmem>>, vector<1x1024x128xf32>
    %get3A_18 = vector.shape_cast %get3A_17 : vector<1x1024x128xf32> to vector<1024x128xf32>
    %sub3A_19 = arith.subf %get3A_13, %get3A_18 : vector<1024x128xf32>
    %add3A = arith.addf %sub3A, %sub3A_19 : vector<1024x128xf32>
    %get3A_20 = arith.constant 0 : index
    %get3A_21 = arith.constant 0 : index
    %get3A_22 = arith.constant 0 : index
    %get3A_23 = vector.load %arg3[%get3A_20, %get3A_21, %get3A_22] : memref<2x1024x128xf32, #tpu.memory_space<vmem>>, vector<1x1024x1xf32>
    %get3A_24 = vector.shape_cast %get3A_23 : vector<1x1024x1xf32> to vector<1024x1xf32>
    %get3A_25 = arith.constant 0 : index
    %get3A_26 = arith.constant 0 : index
    %get3A_27 = arith.constant 0 : index
    %get3A_28 = vector.load %arg4[%get3A_25, %get3A_26, %get3A_27] : memref<2x1024x128xf32, #tpu.memory_space<vmem>>, vector<1x1024x1xf32>
    %get3A_29 = vector.shape_cast %get3A_28 : vector<1x1024x1xf32> to vector<1024x1xf32>
    %sub3A_30 = arith.subf %get3A_24, %get3A_29 : vector<1024x1xf32>
    %get3A_31 = arith.constant 1 : index
    %get3A_32 = arith.constant 0 : index
    %get3A_33 = arith.constant 0 : index
    %get3A_34 = vector.load %arg3[%get3A_31, %get3A_32, %get3A_33] : memref<2x1024x128xf32, #tpu.memory_space<vmem>>, vector<1x1024x1xf32>
    %get3A_35 = vector.shape_cast %get3A_34 : vector<1x1024x1xf32> to vector<1024x1xf32>
    %get3A_36 = arith.constant 1 : index
    %get3A_37 = arith.constant 0 : index
    %get3A_38 = arith.constant 0 : index
    %get3A_39 = vector.load %arg4[%get3A_36, %get3A_37, %get3A_38] : memref<2x1024x128xf32, #tpu.memory_space<vmem>>, vector<1x1024x1xf32>
    %get3A_40 = vector.shape_cast %get3A_39 : vector<1x1024x1xf32> to vector<1024x1xf32>
    %sub3A_41 = arith.subf %get3A_35, %get3A_40 : vector<1024x1xf32>
    %add3A_42 = arith.addf %sub3A_30, %sub3A_41 : vector<1024x1xf32>
    %max3A = arith.constant 1.000000e+00 : f32
    %max3A_43 = vector.broadcast %max3A : f32 to vector<1024x1xf32>
    %max3A_44 = arith.maximumf %add3A_42, %max3A_43 : vector<1024x1xf32>
    %div3A = vector.broadcast %max3A_44 : vector<1024x1xf32> to vector<1024x128xf32>
    %div3A_45 = arith.divf %add3A, %div3A : vector<1024x128xf32>
    %get3A_46 = arith.constant 0 : index
    %get3A_47 = arith.constant 0 : index
    %get3A_48 = vector.load %arg6[%get3A_46, %get3A_47] : memref<128x128xf32, #tpu.memory_space<vmem>>, vector<128x128xf32>
    %dot_general3A = arith.constant dense<0.000000e+00> : vector<1024x128xf32>
    %dot_general3A_49 = tpu.matmul %div3A_45, %get3A_48, %dot_general3A {dimension_numbers = #tpu.dot_dimension_numbers<[1], [0], [0], [1], [0, 0, 1, 1], [], []>, precision = #tpu.contract_precision<fp32>, transpose_lhs_hint = false} : vector<1024x128xf32>, vector<128x128xf32>, vector<1024x128xf32> -> vector<1024x128xf32>
    %get3A_50 = arith.constant 0 : index
    %get3A_51 = arith.constant 0 : index
    %get3A_52 = vector.load %arg5[%get3A_50, %get3A_51] : memref<1024x128xf32, #tpu.memory_space<vmem>>, vector<1024x128xf32>
    %get3A_53 = arith.constant 0 : index
    %get3A_54 = arith.constant 0 : index
    %get3A_55 = vector.load %arg7[%get3A_53, %get3A_54] : memref<128x128xf32, #tpu.memory_space<vmem>>, vector<128x128xf32>
    %dot_general3A_56 = arith.constant dense<0.000000e+00> : vector<1024x128xf32>
    %dot_general3A_57 = tpu.matmul %get3A_52, %get3A_55, %dot_general3A_56 {dimension_numbers = #tpu.dot_dimension_numbers<[1], [0], [0], [1], [0, 0, 1, 1], [], []>, precision = #tpu.contract_precision<fp32>, transpose_lhs_hint = false} : vector<1024x128xf32>, vector<128x128xf32>, vector<1024x128xf32> -> vector<1024x128xf32>
    %add3A_58 = arith.addf %dot_general3A_49, %dot_general3A_57 : vector<1024x128xf32>
    %get3A_59 = arith.constant 0 : index
    %get3A_60 = arith.constant 0 : index
    %get3A_61 = vector.load %arg8[%get3A_59, %get3A_60] : memref<1x128xf32, #tpu.memory_space<vmem>>, vector<1x128xf32>
    %add3A_62 = vector.broadcast %get3A_61 : vector<1x128xf32> to vector<1024x128xf32>
    %add3A_63 = arith.addf %add3A_58, %add3A_62 : vector<1024x128xf32>
    %max3A_64 = arith.constant 0.000000e+00 : f32
    %max3A_65 = vector.broadcast %max3A_64 : f32 to vector<1024x128xf32>
    %max3A_66 = arith.maximumf %add3A_63, %max3A_65 : vector<1024x128xf32>
    %get3A_67 = arith.constant 0 : index
    %get3A_68 = arith.constant 0 : index
    %get3A_69 = vector.load %arg9[%get3A_67, %get3A_68] : memref<128x128xf32, #tpu.memory_space<vmem>>, vector<128x128xf32>
    %dot_general3A_70 = arith.constant dense<0.000000e+00> : vector<1024x128xf32>
    %dot_general3A_71 = tpu.matmul %max3A_66, %get3A_69, %dot_general3A_70 {dimension_numbers = #tpu.dot_dimension_numbers<[1], [0], [0], [1], [0, 0, 1, 1], [], []>, precision = #tpu.contract_precision<fp32>, transpose_lhs_hint = false} : vector<1024x128xf32>, vector<128x128xf32>, vector<1024x128xf32> -> vector<1024x128xf32>
    %get3A_72 = arith.constant 0 : index
    %get3A_73 = arith.constant 0 : index
    %get3A_74 = vector.load %arg10[%get3A_72, %get3A_73] : memref<1x128xf32, #tpu.memory_space<vmem>>, vector<1x128xf32>
    %add3A_75 = vector.broadcast %get3A_74 : vector<1x128xf32> to vector<1024x128xf32>
    %add3A_76 = arith.addf %dot_general3A_71, %add3A_75 : vector<1024x128xf32>
    %swap3A = arith.constant 0 : index
    %swap3A_77 = arith.constant 0 : index
    %swap3A_78 = vector.load %arg11[%swap3A, %swap3A_77] : memref<1024x128xf32, #tpu.memory_space<vmem>>, vector<1024x128xf32>
    tpu.vector_store %arg11[%swap3A, %swap3A_77], %add3A_76 {strides = array<i32>} : memref<1024x128xf32, #tpu.memory_space<vmem>>, vector<1024x128xf32>,
    return
  }
  func.func @transform_0(%arg0: i32) -> (i32, i32, i32) {
    %c0_i32 = arith.constant 0 : i32
    %c0_i32_0 = arith.constant 0 : i32
    %c0_i32_1 = arith.constant 0 : i32
    return %c0_i32, %arg0, %c0_i32_0 : i32, i32, i32
  }
  func.func @transform_1(%arg0: i32) -> (i32, i32, i32) {
    %c0_i32 = arith.constant 0 : i32
    %c0_i32_0 = arith.constant 0 : i32
    %c0_i32_1 = arith.constant 0 : i32
    return %c0_i32, %arg0, %c0_i32_0 : i32, i32, i32
  }
  func.func @transform_2(%arg0: i32) -> (i32, i32, i32) {
    %c0_i32 = arith.constant 0 : i32
    %c0_i32_0 = arith.constant 0 : i32
    %c0_i32_1 = arith.constant 0 : i32
    return %c0_i32, %arg0, %c0_i32_0 : i32, i32, i32
  }
  func.func @transform_3(%arg0: i32) -> (i32, i32, i32) {
    %c0_i32 = arith.constant 0 : i32
    %c0_i32_0 = arith.constant 0 : i32
    %c0_i32_1 = arith.constant 0 : i32
    return %c0_i32, %arg0, %c0_i32_0 : i32, i32, i32
  }
  func.func @transform_4(%arg0: i32) -> (i32, i32) {
    %c0_i32 = arith.constant 0 : i32
    %c0_i32_0 = arith.constant 0 : i32
    return %arg0, %c0_i32 : i32, i32
  }
  func.func @transform_5(%arg0: i32) -> (i32, i32) {
    %c0_i32 = arith.constant 0 : i32
    %c0_i32_0 = arith.constant 0 : i32
    %c0_i32_1 = arith.constant 0 : i32
    return %c0_i32, %c0_i32_0 : i32, i32
  }
  func.func @transform_6(%arg0: i32) -> (i32, i32) {
    %c0_i32 = arith.constant 0 : i32
    %c0_i32_0 = arith.constant 0 : i32
    %c0_i32_1 = arith.constant 0 : i32
    return %c0_i32, %c0_i32_0 : i32, i32
  }
  func.func @transform_7(%arg0: i32) -> (i32, i32) {
    %c0_i32 = arith.constant 0 : i32
    %c0_i32_0 = arith.constant 0 : i32
    %c0_i32_1 = arith.constant 0 : i32
    return %c0_i32, %c0_i32_0 : i32, i32
  }
  func.func @transform_8(%arg0: i32) -> (i32, i32) {
    %c0_i32 = arith.constant 0 : i32
    %c0_i32_0 = arith.constant 0 : i32
    %c0_i32_1 = arith.constant 0 : i32
    return %c0_i32, %c0_i32_0 : i32, i32
  }
  func.func @transform_9(%arg0: i32) -> (i32, i32) {
    %c0_i32 = arith.constant 0 : i32
    %c0_i32_0 = arith.constant 0 : i32
    %c0_i32_1 = arith.constant 0 : i32
    return %c0_i32, %c0_i32_0 : i32, i32
  }
  func.func @transform_10(%arg0: i32) -> (i32, i32) {
    %c0_i32 = arith.constant 0 : i32
    %c0_i32_0 = arith.constant 0 : i32
    return %arg0, %c0_i32 : i32, i32
  }
}

</mosaic_0001>

<sc_bundles>
// kernel: kernel.10.cloned.1.call-start
scs
__scs_entry_jumppad:
0x0: {  	(pc) =	sbr.rel $0x88, $3  }
0x1: {  	(tag) =	ssettag $0x0;
	lr =	simm.s32 $0x1  }
0x2: {  	[smem:$0x3F8F] =	sst lr;
	_ =	strace $0xD0000000  }
0x3: {  	_ = 	snop  }
0x4: {  	_ = 	snop  }
0x5: {  	_ = 	snop  }
0x6: {  	_ = 	snop  }
0x7: {  	_ = 	snop  }
__scs_overlays_trampoline_lowered:
0x8: {  	[smem:$0x3F9E] =	sst s0  }
0x9: {  	[smem:$0x3F9F] =	sst s1  }
0xa: {  	[smem:$0x3FA0] =	sst s2  }
0xb: {  	[smem:$0x3FA1] =	sst s3  }
0xc: {  	[smem:$0x3FA2] =	sst s4  }
0xd: {  	[smem:$0x3FA3] =	sst s5  }
0xe: {  	[smem:$0x3FA4] =	sst s6  }
0xf: {  	[smem:$0x3FA5] =	sst s7  }
0x10: {  	[smem:$0x3FA6] =	sst s8  }
0x11: {  	[smem:$0x3FA7] =	sst s9;
	s0 =	simm.s32 @!p0 $0x0  }
0x12: {  	s1 =	sld [smem:$0x3F8D];
	s0 =	simm.s32 @p0 $0x1  }
0x13: {  	[smem:$0x3FA8] =	sst s0;
	s0 =	simm.s32 @!p1 $0x0  }
0x14: {  	s2 =	sld [smem:$0x3F8C];
	s0 =	simm.s32 @p1 $0x1  }
0x15: {  	[smem:$0x3FA9] =	sst s0;
	s0 =	simm.s32 @!p2 $0x0  }
0x16: {  	s3 =	sld [smem:$0x3FDB];
	s0 =	simm.s32 @p2 $0x1  }
0x17: {  	s4 =	simm.s32 $0x1BF5;
	[smem:$0x3FAB] =	sst s0  }
0x18: {  	s0 =	sld [smem:$0x3F8E];
	_ =	swait.ge [sflag:s4], $0x0  }
0x19: {  	s7 =	sld [smem:$0x3F8F]  }
0x1a: {  	s8 =	sadd.s32 $0xFFFFE003, lr  }
0x1b: {  	s9 =	sadd.s32 $0xFFFFFEF7, lr;
	s5 =	simm.s32 $0xFFFFFFFF;
	p2 =	slt.u32 s8, $0xFFFFF086  }
0x1c: {  	p1 =	slt.u32 s9, $0xF7A;
	s5 =	simm.s32 @!p2 $0x0  }
0x1d: {  	s5 =	simm.s32 @p1 $0x1;
	p0 =	seq.s32 s7, s2  }
0x1e: {  	s7 =	smul.u32 @!p0 $0xF7A, s2;
	p2 =	seq.s32 @!p0 s5, $0x0  }
0x1f: {  	s9 =	smul.u32 $0xF7A, s1;
	s8 =	simm.s32 @!p0 $0x1BF5;
	p2 =	por !p2, p0  }
0x20: {  	[sflag:s8] =	ssyncset.s32 @!p0 $0xFFFFF086;
	s6 =	sadd.s32 @!p0 s3, s7;
	s7 =	simm.s32 @!p0 $0x108  }
0x21: {  	s3 =	sadd.s32 s3, s9;
	s6 =	sadd.s32 @!p0 $0x88, s6;
	s7 =	simm.s32 @p2 $0x1082  }
0x22: {  	[simem:s7], [sflag:s8] =	dma.local @!p0 [hbm:s6], $0xF7A  }
0x23: {  	s9 =	sor.u32 $0xD0000000, s2;
	s6 =	simm.s32 $0x108;
	_ =	swait.ge @!p0 [sflag:s8], $0x0  }
0x24: {  	s3 =	sadd.s32 $0x88, s3;
	s6 =	simm.s32 @!p1 $0x1082;
	[sflag:s4] =	ssyncset.s32 $0xFFFFF086  }
0x25: {  	[simem:s6], [sflag:s4] =	dma.local [hbm:s3], $0xF7A  }
0x26: {  	[smem:$0x3F8F] =	sst s1;
	(tag) =	ssettag s2;
	_ =	strace s9  }
0x27: {  	s1 =	sld [smem:$0x3F9F]  }
0x28: {  	s2 =	sld [smem:$0x3FA0]  }
0x29: {  	s4 =	sld [smem:$0x3FA2]  }
0x2a: {  	p0 =	seq.s32 s5, $0x0;
	s5 =	sld [smem:$0x3FA3]  }
0x2b: {  	s6 =	sld [smem:$0x3FA4]  }
0x2c: {  	s7 =	sld [smem:$0x3FA5]  }
0x2d: {  	s3 =	simm.s32 $0x108;
	s8 =	sld [smem:$0x3FA6]  }
0x2e: {  	s3 =	simm.s32 @!p0 $0x1082;
	s9 =	sld [smem:$0x3FA7]  }
0x2f: {  	lr =	sadd.s32 s0, s3;
	s0 =	sld [smem:$0x3F9E]  }
0x30: {  	s3 =	sld [smem:$0x3FA1]  }
0x31: {  	[smem:$0x3FAA] =	sst s10  }
0x32: {  	s10 =	sld [smem:$0x3FA8];
	_ =	sdelay $0x3  }
0x33: {  	p0 =	seq.s32 s10, $0x1;
	s10 =	sld [smem:$0x3FAA];
	_ =	sdelay $0x3  }
0x34: {  	[smem:$0x3FAA] =	sst s10  }
0x35: {  	s10 =	sld [smem:$0x3FA9];
	_ =	sdelay $0x3  }
0x36: {  	p1 =	seq.s32 s10, $0x1;
	s10 =	sld [smem:$0x3FAA];
	_ =	sdelay $0x3  }
0x37: {  	[smem:$0x3FAA] =	sst s10  }
0x38: {  	s10 =	sld [smem:$0x3FAB]  }
0x39: {  	_ = 	snop;
	(pc) =	sbr.ind lr, $3  }
0x3a: {  	_ = 	snop  }
0x3b: {  	_ = 	snop  }
0x3c: {  	p2 =	seq.s32 s10, $0x1;
	s10 =	sld [smem:$0x3FAA]  }
0x3d: {  	_ =	shalt  }
0x3e: {  	_ =	shalt  }
0x3f: {  	_ =	shalt  }
0x40: {  	_ =	shalt  }
0x41: {  	_ =	shalt  }
0x42: {  	_ =	shalt  }
0x43: {  	_ =	shalt  }
0x44: {  	_ =	shalt  }
0x45: {  	_ =	shalt  }
0x46: {  	_ =	shalt  }
0x47: {  	_ =	shalt  }
0x48: {  	_ =	shalt  }
0x49: {  	_ =	shalt  }
0x4a: {  	_ =	shalt  }
0x4b: {  	_ =	shalt  }
0x4c: {  	_ =	shalt  }
0x4d: {  	_ =	shalt  }
0x4e: {  	_ =	shalt  }
0x4f: {  	_ =	shalt  }
0x50: {  	_ =	shalt  }
0x51: {  	_ =	shalt  }
0x52: {  	_ =	shalt  }
0x53: {  	_ =	shalt  }
0x54: {  	_ =	shalt  }
0x55: {  	_ =	shalt  }
0x56: {  	_ =	shalt  }
0x57: {  	_ =	shalt  }
0x58: {  	_ =	shalt  }
0x59: {  	_ =	shalt  }
0x5a: {  	_ =	shalt  }
0x5b: {  	_ =	shalt  }
0x5c: {  	_ =	shalt  }
0x5d: {  	_ =	shalt  }
0x5e: {  	_ =	shalt  }
0x5f: {  	_ =	shalt  }
0x60: {  	_ =	shalt  }
0x61: {  	_ =	shalt  }
0x62: {  	_ =	shalt  }
0x63: {  	_ =	shalt  }
0x64: {  	_ =	shalt  }
0x65: {  	_ =	shalt  }
0x66: {  	_ =	shalt  }
0x67: {  	_ =	shalt  }
0x68: {  	_ =	shalt  }
0x69: {  	_ =	shalt  }
0x6a: {  	_ =	shalt  }
0x6b: {  	_ =	shalt  }
0x6c: {  	_ =	shalt  }
0x6d: {  	_ =	shalt  }
0x6e: {  	_ =	shalt  }
0x6f: {  	_ =	shalt  }
0x70: {  	_ =	shalt  }
0x71: {  	_ =	shalt  }
0x72: {  	_ =	shalt  }
0x73: {  	_ =	shalt  }
0x74: {  	_ =	shalt  }
0x75: {  	_ =	shalt  }
0x76: {  	_ =	shalt  }
0x77: {  	_ =	shalt  }
0x78: {  	_ =	shalt  }
0x79: {  	_ =	shalt  }
0x7a: {  	_ =	shalt  }
0x7b: {  	_ =	shalt  }
0x7c: {  	_ =	shalt  }
0x7d: {  	_ =	shalt  }
0x7e: {  	_ =	shalt  }
0x7f: {  	_ =	shalt  }
0x80: {  	_ =	shalt  }
0x81: {  	_ =	shalt  }
0x82: {  	_ =	shalt  }
0x83: {  	_ =	shalt  }
0x84: {  	_ =	shalt  }
0x85: {  	_ =	shalt  }
0x86: {  	_ =	shalt  }
0x87: {  	_ =	shalt  }
.Lfunc_end0:
.L_simem_size_0:
called_computation.1_lowered:
.L_overlay_start_0:
0x88: {  	s2 =	sld [smem:$0x3FD9]  }
0x89: {  	s3 =	sld [smem:$0x3FFE];
	_ =	sdelay $0x1  }
0x8a: {  	s1 =	srdreg.scid  }
0x8b: {  	s0 =	sand.u32 $0x1, s1  }
0x8c: {  	s17 =	sshll.u32 s0, $0xA;
	s2 =	sadd.s32 s3, s2  }
0x8d: {  	s2 =	sadd.s32 s2, s17  }
0x8e: {  	[smem:$0x3FB6] =	sst s2  }
0x8f: {  	_ = 	snop  }
0x90: {  	s2 =	sld [smem:$0x3FD0];
	(tm) =	ssettm $0x1  }
0x91: {  	s18 =	sld [smem:$0x3FFB];
	_ =	sdelay $0x3  }
0x92: {  	_ =	strace s18  }
0x93: {  	s3 =	sld [smem:$0x3FFC];
	_ =	sdelay $0x3  }
0x94: {  	_ =	strace s3  }
0x95: {  	s3 =	sld [smem:$0x3FFD];
	_ =	sdelay $0x3  }
0x96: {  	_ =	strace s3  }
0x97: {  	_ =	strace $0x8FFFFFFF  }
0x98: {  	s19 =	sld [smem:$0x3FDB];
	_ =	sdelay $0x1  }
0x99: {  	s4 =	simm.s32 $_scs_section_size  }
0x9a: {  	s5 =	simm.s32 $_size__tile_overlayer_lowered;
	s6 =	simm.s32 $_tile_overlayer_lowered  }
0x9b: {  	s22 =	simm.s32 $0x1BFF;
	s21 =	sshll.u32 s6, $0x1;
	s3 =	sadd.s32 s4, s19  }
0x9c: {  	s7 =	simm.s32 $0x0;
	s20 =	sshll.u32 s5, $0x1;
	s5 =	sadd.s32 s21, s3  }
0x9d: {  	[timem:s7], [sflag:s22] =	dma.local [hbm:s5], s20  }
0x9e: {  	_ =	swait.ge [sflag:s22], s20  }
0x9f: {  	s4 =	ssub.s32 $0x0, s20;
	[sflag:s22] =	ssyncset.done $0x0  }
0xa0: {  	[sflag:s22] =	ssyncadd.s32 s4;
	_ =	sdelay $0x1  }
0xa1: {  	s23 =	simm.s32 $0x1B8B  }
0xa2: {  	_ =	swait.ge [sflag:s23], $0x1  }
0xa3: {  	[sflag:s23] =	ssyncset.done $0x0  }
0xa4: {  	s25 =	simm.s32 $0x1B8E;
	s24 =	sld [smem:$0x3FFE];
	[sflag:s23] =	ssyncadd.s32 $0xFFFFFFFF  }
0xa5: {  	s26 =	simm.s32 $execute0_lowered;
	[smem:$0x3FD2] =	sst s25  }
0xa6: {  	s5 =	sshll.u32 s26, $0x1;
	_ =	strace $0x80000046;
	[dreg:$0x1] =	wrdreg $0xFFFFFFFF  }
0xa7: {  	s28 =	simm.s32 $_size_execute0_lowered;
	s3 =	sadd.s32 s3, s5;
	[dreg:$0x0] =	wrdreg $0x0  }
0xa8: {  	s5 =	sshll.u32 s28, $0x1;
	[dreg:$0x2] =	wrdreg s3  }
0xa9: {  	[dreg:$0x3] =	wrdreg s5  }
0xaa: {  	[dreg:$0x4] =	wrdreg $0xC0  }
0xab: {  	_ =	task [dreg:s7], $0x5FFFF  }
0xac: {  	[dreg:$0x1] =	wrdreg $0xFFFFFFFF  }
0xad: {  	[dreg:$0x0] =	wrdreg $0x60  }
0xae: {  	[dreg:$0x2] =	wrdreg s24  }
0xaf: {  	[dreg:$0x3] =	wrdreg s2  }
0xb0: {  	[dreg:$0x4] =	wrdreg $0x41800  }
0xb1: {  	[dreg:$0x5] =	wrdreg $0xA  }
0xb2: {  	_ =	task.clear_ibuf [dreg:s7], $0x6FFFF;
	_ =	strace $0x90000046  }
0xb3: {  	s29 =	simm.s32 $0xA;
	_ =	strace $0x80000048  }
0xb4: {  	_ =	swait.ge [sflag:s29], $0x1  }
0xb5: {  	[sflag:s29] =	ssyncadd.s32 $0xFFFFFFFF  }
0xb6: {  	_ =	strace $0x90000048  }
0xb7: {  	_ =	sfence  }
0xb8: {  	s30 =	sld [smem:$0x0];
	_ =	sdelay $0x2  }
0xb9: {  	s31 =	sshll.u32 s1, $0xD;
	s1 =	sshrl.u32 s1, $0x2  }
0xba: {  	s3 =	sand.u32 $0x4000, s31;
	s1 =	sadd.s32 s1, s30  }
0xbb: {  	s0 =	sor.u32 s3, s0;
	s1 =	sshll.u32 s1, $0x11  }
0xbc: {  	s0 =	sor.u32 s1, s0  }
0xbd: {  	s0 =	sadd.s32 $0x8F2B, s0  }
0xbe: {  	[sflag:s0] =	ssyncadd.remote.s32 $0x1  }
0xbf: {  	_ =	sfence.sel $0xFFFF  }
0xc0: {  	[dreg:$0x0] =	wrdreg $0xFFFFFFFF;
	(pc) =	sbr.abs _section_cstart, $3  }
0xc1: {  	[dreg:$0x1] =	wrdreg $0xFFFFFFFF  }
0xc2: {  	_ =	task.clear_ibuf [dreg:s7], $0x2FFFF;
	_ =	strace $0x9FFFFFFF  }
0xc3: {  	(tm) =	ssettm $0x7FFFFFFF  }
tec
execute0_lowered:
.L_overlay_start_1:
0x0: {  	(tag) =	ssettag $0x1  }
0x1: {  	s6 =	rddreg [dreg:$0x0]  }
0x2: {  	s1 =	rddreg [dreg:$0x1]  }
0x3: {  	s2 =	rddreg [dreg:$0x2]  }
0x4: {  	s4 =	srdreg.scid;
	s3 =	simm.s32 $0x0;
	s21 =	simm.s32 $0x180  }
0x5: {  	s22 =	simm.s32 $0x2;
	s23 =	simm.s32 $0x100;
	s24 =	simm.s32 $0x80  }
0x6: {  	s25 =	simm.s32 $0x1;
	s26 =	simm.s32 $0x0;
	s7 =	sand.u32 $0x1, s4  }
0x7: {  	[smem:$0x7FF] =	sst s3;
	s5 =	sadd.s32 $0x18C00, s6;
	s4 =	smul.u32 $0x4F00, s7  }
0x8: {  	s13 =	sadd.s32 $0x18600, s6;
	_ =	strace $0x80000047;
	s8 =	smul.u32 $0x28000, s7  }
0x9: {  	s7 =	ssub.s32 $0x2, s7;
	s18 =	sadd.s32 s4, s6;
	s4 =	stileid.u32  }
0xa: {  	s29 =	sshrl.u32 s7, $0x1;
	s8 =	sadd.s32 s8, s6;
	s12 =	smul.u32 $0x280, s4  }
0xb: {  	s9 =	ssub.s32 s7, s29;
	s6 =	sadd.s32 $0x90C00, s8;
	s7 =	sadd.s32 $0x40C00, s8  }
0xc: {  	s9 =	smax.u32 s9, $0x1;
	s20 =	smul.u32 $0x4F0, s4;
	s10 =	sshrl.u32 s12, $0x3  }
0xd: {  	s15 =	sadd.s32 $0x80, s12;
	s16 =	sadd.s32 $0x100, s12;
	s17 =	sadd.s32 $0x180, s12  }
0xe: {  	s19 =	sadd.s32 $0x200, s12;
	s20 =	sadd.s32 s20, s18;
	s8 =	sadd.s32 s13, s10  }
0xf: {  	s30 =	sshrl.u32 s15, $0x3;
	s11 =	sshrl.u32 s16, $0x3;
	s14 =	sshrl.u32 s17, $0x3  }
0x10: {  	s31 =	sshrl.u32 s19, $0x3;
	s15 =	sshll.u32 s15, $0x4;
	s16 =	sshll.u32 s16, $0x4  }
0x11: {  	s17 =	sshll.u32 s17, $0x4;
	s18 =	sshll.u32 s19, $0x4;
	s19 =	sadd.s32 $0xE800, s20  }
0x12: {  	s20 =	sadd.s32 $0x4A00, s20;
	s10 =	sadd.s32 s13, s30;
	s11 =	sadd.s32 s13, s11  }
0x13: {  	s12 =	sadd.s32 s13, s14;
	s13 =	sadd.s32 s13, s31;
	s14 =	smul.u32 $0x2800, s4  }
.LBB2_1:
0x14: {  	[tilespmem:s21], [sflag:$0x2] =	stream.linear.gather [hbm4b:s1+s3], $0x4000, $0x38;
	[tilespmem:$0x18180] =	vst v63  }
0x15: {  	_ =	swait.ge [sflag:s22], $0x4000  }
0x16: {  	[sflag:s22] =	ssyncset.done $0x0  }
0x17: {  	[sflag:s22] =	ssyncadd.s32 $0xFFFFC000  }
0x18: {  	[tilespmem:s23], [sflag:$0x2] =	stream.linear.gather [hbm4b:s8+s3], $0x80, $0x38;
	[tilespmem:$0x18180] =	vst v63  }
0x19: {  	_ =	swait.ge [sflag:s22], $0x80  }
0x1a: {  	[sflag:s22] =	ssyncset.done $0x0  }
0x1b: {  	[sflag:s22] =	ssyncadd.s32 $0xFFFFFF80  }
0x1c: {  	[spmem:s2] =	stream.indirect.scatter [tilespmem:s21], [sflag:$0x1], $0x80, s23, s24, $0xb8;
	[tilespmem:$0x18180] =	vst v63  }
0x1d: {  	_ =	swait.ge [sflag:s25], $0x4000  }
0x1e: {  	[sflag:s25] =	ssyncset.done $0x0  }
0x1f: {  	[sflag:s25] =	ssyncadd.s32 $0xFFFFC000  }
0x20: {  	[tilespmem:s23], [sflag:$0x2] =	stream.linear.gather [hbm4b:s10+s3], $0x80, $0x38;
	[tilespmem:$0x18180] =	vst v63  }
0x21: {  	_ =	swait.ge [sflag:s22], $0x80  }
0x22: {  	[sflag:s22] =	ssyncset.done $0x0  }
0x23: {  	[sflag:s22] =	ssyncadd.s32 $0xFFFFFF80  }
0x24: {  	[spmem:s2] =	stream.indirect.scatter [tilespmem:s21], [sflag:$0x1], $0x80, s23, s24, $0xb8;
	[tilespmem:$0x18180] =	vst v63  }
0x25: {  	_ =	swait.ge [sflag:s25], $0x4000  }
0x26: {  	[sflag:s25] =	ssyncset.done $0x0  }
0x27: {  	[sflag:s25] =	ssyncadd.s32 $0xFFFFC000  }
0x28: {  	[tilespmem:s23], [sflag:$0x2] =	stream.linear.gather [hbm4b:s11+s3], $0x80, $0x38;
	[tilespmem:$0x18180] =	vst v63  }
0x29: {  	_ =	swait.ge [sflag:s22], $0x80  }
0x2a: {  	[sflag:s22] =	ssyncset.done $0x0  }
0x2b: {  	[sflag:s22] =	ssyncadd.s32 $0xFFFFFF80  }
0x2c: {  	[spmem:s2] =	stream.indirect.scatter [tilespmem:s21], [sflag:$0x1], $0x80, s23, s24, $0xb8;
	[tilespmem:$0x18180] =	vst v63  }
0x2d: {  	_ =	swait.ge [sflag:s25], $0x4000  }
0x2e: {  	[sflag:s25] =	ssyncset.done $0x0  }
0x2f: {  	[sflag:s25] =	ssyncadd.s32 $0xFFFFC000  }
0x30: {  	[tilespmem:s23], [sflag:$0x2] =	stream.linear.gather [hbm4b:s12+s3], $0x80, $0x38;
	[tilespmem:$0x18180] =	vst v63  }
0x31: {  	_ =	swait.ge [sflag:s22], $0x80  }
0x32: {  	[sflag:s22] =	ssyncset.done $0x0  }
0x33: {  	[sflag:s22] =	ssyncadd.s32 $0xFFFFFF80  }
0x34: {  	[spmem:s2] =	stream.indirect.scatter [tilespmem:s21], [sflag:$0x1], $0x80, s23, s24, $0xb8;
	[tilespmem:$0x18180] =	vst v63  }
0x35: {  	_ =	swait.ge [sflag:s25], $0x4000  }
0x36: {  	[sflag:s25] =	ssyncset.done $0x0  }
0x37: {  	[sflag:s25] =	ssyncadd.s32 $0xFFFFC000  }
0x38: {  	[tilespmem:s23], [sflag:$0x2] =	stream.linear.gather [hbm4b:s13+s3], $0x80, $0x38;
	[tilespmem:$0x18180] =	vst v63  }
0x39: {  	_ =	swait.ge [sflag:s22], $0x80  }
0x3a: {  	[sflag:s22] =	ssyncset.done $0x0  }
0x3b: {  	[sflag:s22] =	ssyncadd.s32 $0xFFFFFF80  }
0x3c: {  	[spmem:s2] =	stream.indirect.scatter [tilespmem:s21], [sflag:$0x1], $0x80, s23, s24, $0xb8;
	[tilespmem:$0x18180] =	vst v63  }
0x3d: {  	_ =	swait.ge [sflag:s25], $0x4000  }
0x3e: {  	[sflag:s25] =	ssyncset.done $0x0  }
0x3f: {  	[sflag:s25] =	ssyncadd.s32 $0xFFFFC000  }
0x40: {  	[tilespmem:s23], [sflag:$0x2] =	stream.linear.gather [hbm4b:s8+s3], $0x80, $0x38;
	[tilespmem:$0x18180] =	vst v63  }
0x41: {  	_ =	swait.ge [sflag:s22], $0x80  }
0x42: {  	[sflag:s22] =	ssyncset.done $0x0  }
0x43: {  	[sflag:s22] =	ssyncadd.s32 $0xFFFFFF80  }
0x44: {  	[tilespmem:s21], [sflag:$0x1] =	stream.indirect.gather [spmem:s2], $0x80, s23, s24, $0xb8;
	[tilespmem:$0x18180] =	vst v63  }
0x45: {  	_ =	swait.ge [sflag:s25], $0x4000  }
0x46: {  	[sflag:s25] =	ssyncset.done $0x0  }
0x47: {  	s28 =	sadd.s32 s14, s6;
	[sflag:s25] =	ssyncadd.s32 $0xFFFFC000  }
0x48: {  	[hbm4b:s28+s3] =	stream.linear.scatter [tilespmem:s21], [sflag:$0x2], $0x4000, $0x38;
	[tilespmem:$0x18180] =	vst v63  }
0x49: {  	_ =	swait.ge [sflag:s22], $0x4000  }
0x4a: {  	[sflag:s22] =	ssyncset.done $0x0  }
0x4b: {  	[sflag:s22] =	ssyncadd.s32 $0xFFFFC000  }
0x4c: {  	[tilespmem:s23], [sflag:$0x2] =	stream.linear.gather [hbm4b:s10+s3], $0x80, $0x38;
	[tilespmem:$0x18180] =	vst v63  }
0x4d: {  	_ =	swait.ge [sflag:s22], $0x80  }
0x4e: {  	[sflag:s22] =	ssyncset.done $0x0  }
0x4f: {  	[sflag:s22] =	ssyncadd.s32 $0xFFFFFF80  }
0x50: {  	[tilespmem:s21], [sflag:$0x1] =	stream.indirect.gather [spmem:s2], $0x80, s23, s24, $0xb8;
	[tilespmem:$0x18180] =	vst v63  }
0x51: {  	_ =	swait.ge [sflag:s25], $0x4000  }
0x52: {  	[sflag:s25] =	ssyncset.done $0x0  }
0x53: {  	s28 =	sadd.s32 s15, s6;
	[sflag:s25] =	ssyncadd.s32 $0xFFFFC000  }
0x54: {  	[hbm4b:s28+s3] =	stream.linear.scatter [tilespmem:s21], [sflag:$0x2], $0x4000, $0x38;
	[tilespmem:$0x18180] =	vst v63  }
0x55: {  	_ =	swait.ge [sflag:s22], $0x4000  }
0x56: {  	[sflag:s22] =	ssyncset.done $0x0  }
0x57: {  	[sflag:s22] =	ssyncadd.s32 $0xFFFFC000  }
0x58: {  	[tilespmem:s23], [sflag:$0x2] =	stream.linear.gather [hbm4b:s11+s3], $0x80, $0x38;
	[tilespmem:$0x18180] =	vst v63  }
0x59: {  	_ =	swait.ge [sflag:s22], $0x80  }
0x5a: {  	[sflag:s22] =	ssyncset.done $0x0  }
0x5b: {  	[sflag:s22] =	ssyncadd.s32 $0xFFFFFF80  }
0x5c: {  	[tilespmem:s21], [sflag:$0x1] =	stream.indirect.gather [spmem:s2], $0x80, s23, s24, $0xb8;
	[tilespmem:$0x18180] =	vst v63  }
0x5d: {  	_ =	swait.ge [sflag:s25], $0x4000  }
0x5e: {  	[sflag:s25] =	ssyncset.done $0x0  }
0x5f: {  	s28 =	sadd.s32 s16, s6;
	[sflag:s25] =	ssyncadd.s32 $0xFFFFC000  }
0x60: {  	[hbm4b:s28+s3] =	stream.linear.scatter [tilespmem:s21], [sflag:$0x2], $0x4000, $0x38;
	[tilespmem:$0x18180] =	vst v63  }
0x61: {  	_ =	swait.ge [sflag:s22], $0x4000  }
0x62: {  	[sflag:s22] =	ssyncset.done $0x0  }
0x63: {  	[sflag:s22] =	ssyncadd.s32 $0xFFFFC000  }
0x64: {  	[tilespmem:s23], [sflag:$0x2] =	stream.linear.gather [hbm4b:s12+s3], $0x80, $0x38;
	[tilespmem:$0x18180] =	vst v63  }
0x65: {  	_ =	swait.ge [sflag:s22], $0x80  }
0x66: {  	[sflag:s22] =	ssyncset.done $0x0  }
0x67: {  	[sflag:s22] =	ssyncadd.s32 $0xFFFFFF80  }
0x68: {  	[tilespmem:s21], [sflag:$0x1] =	stream.indirect.gather [spmem:s2], $0x80, s23, s24, $0xb8;
	[tilespmem:$0x18180] =	vst v63  }
0x69: {  	_ =	swait.ge [sflag:s25], $0x4000  }
0x6a: {  	[sflag:s25] =	ssyncset.done $0x0  }
0x6b: {  	s28 =	sadd.s32 s17, s6;
	[sflag:s25] =	ssyncadd.s32 $0xFFFFC000  }
0x6c: {  	[hbm4b:s28+s3] =	stream.linear.scatter [tilespmem:s21], [sflag:$0x2], $0x4000, $0x38;
	[tilespmem:$0x18180] =	vst v63  }
0x6d: {  	_ =	swait.ge [sflag:s22], $0x4000  }
0x6e: {  	[sflag:s22] =	ssyncset.done $0x0  }
0x6f: {  	[sflag:s22] =	ssyncadd.s32 $0xFFFFC000  }
0x70: {  	[tilespmem:s23], [sflag:$0x2] =	stream.linear.gather [hbm4b:s13+s3], $0x80, $0x38;
	[tilespmem:$0x18180] =	vst v63  }
0x71: {  	_ =	swait.ge [sflag:s22], $0x80  }
0x72: {  	[sflag:s22] =	ssyncset.done $0x0  }
0x73: {  	[sflag:s22] =	ssyncadd.s32 $0xFFFFFF80  }
0x74: {  	[tilespmem:s21], [sflag:$0x1] =	stream.indirect.gather [spmem:s2], $0x80, s23, s24, $0xb8;
	[tilespmem:$0x18180] =	vst v63  }
0x75: {  	_ =	swait.ge [sflag:s25], $0x4000  }
0x76: {  	[sflag:s25] =	ssyncset.done $0x0  }
0x77: {  	s28 =	sadd.s32 s18, s6;
	[sflag:s25] =	ssyncadd.s32 $0xFFFFC000  }
0x78: {  	[hbm4b:s28+s3] =	stream.linear.scatter [tilespmem:s21], [sflag:$0x2], $0x4000, $0x38;
	[tilespmem:$0x18180] =	vst v63  }
0x79: {  	_ =	swait.ge [sflag:s22], $0x4000  }
0x7a: {  	[sflag:s22] =	ssyncset.done $0x0  }
0x7b: {  	[sflag:s22] =	ssyncadd.s32 $0xFFFFC000  }
0x7c: {  	s28 =	sadd.s32 $0x0, s20;
	[bflag:$0x0] =	sbarrier.arrive $0xFFFF  }
0x7d: {  	[tilespmem:s3], [sflag:$0x2] =	stream.linear.gather [hbm4b:s28+s3], $0x80, $0x38;
	[tilespmem:$0x18180] =	vst v63  }
0x7e: {  	_ =	swait.ge [sflag:s22], $0x80  }
0x7f: {  	[sflag:s22] =	ssyncset.done $0x0  }
0x80: {  	s28 =	sadd.s32 $0x0, s19;
	[sflag:s22] =	ssyncadd.s32 $0xFFFFFF80  }
0x81: {  	[tilespmem:s24], [sflag:$0x2] =	stream.linear.gather [hbm4b:s28+s3], $0x80, $0x38;
	[tilespmem:$0x18180] =	vst v63  }
0x82: {  	_ =	swait.ge [sflag:s22], $0x80  }
0x83: {  	[sflag:s22] =	ssyncset.done $0x0  }
0x84: {  	[sflag:s22] =	ssyncadd.s32 $0xFFFFFF80  }
0x85: {  	[tilespmem:s21], [sflag:$0x1] =	stream.indirect.gather [hbm4b:s5+s24], $0x80, s3, s24, $0xb8;
	[tilespmem:$0x18180] =	vst v63  }
0x86: {  	_ =	swait.ge [sflag:s25], $0x4000  }
0x87: {  	[sflag:s25] =	ssyncset.done $0x0  }
0x88: {  	[sflag:s25] =	ssyncadd.s32 $0xFFFFC000  }
0x89: {  	[spmem:s2] =	stream.indirect.scatter.add.f32 [tilespmem:s21], [sflag:$0x1], $0x80, s24, s24, $0xb8;
	[tilespmem:$0x18180] =	vst v63  }
0x8a: {  	_ =	swait.ge [sflag:s25], $0x4000  }
0x8b: {  	s29 =	simm.s32 $0x20;
	s28 =	simm.s32 $0x10;
	[sflag:s25] =	ssyncset.done $0x0  }
.LBB2_2:
0x8c: {  	s30 =	sadd.s32 s28, s20  }
0x8d: {  	[sflag:s25] =	ssyncadd.s32 $0xFFFFC000;
	s31 =	smov.u32 s29;
	s0 =	sadd.s32 $0x10, s29  }
0x8e: {  	[tilespmem:s3], [sflag:$0x2] =	stream.linear.gather [hbm4b:s30+s3], $0x80, $0x38;
	[tilespmem:$0x18180] =	vst v63  }
0x8f: {  	p0 =	sne.s32 s29, $0x4E0;
	_ =	swait.ge [sflag:s22], $0x80  }
0x90: {  	[sflag:s22] =	ssyncset.done $0x0  }
0x91: {  	s29 =	sadd.s32 s28, s19;
	s28 =	smov.u32 s31;
	[sflag:s22] =	ssyncadd.s32 $0xFFFFFF80  }
0x92: {  	[tilespmem:s24], [sflag:$0x2] =	stream.linear.gather [hbm4b:s29+s3], $0x80, $0x38;
	[tilespmem:$0x18180] =	vst v63  }
0x93: {  	_ =	swait.ge [sflag:s22], $0x80  }
0x94: {  	[sflag:s22] =	ssyncset.done $0x0  }
0x95: {  	[sflag:s22] =	ssyncadd.s32 $0xFFFFFF80  }
0x96: {  	[tilespmem:s21], [sflag:$0x1] =	stream.indirect.gather [hbm4b:s5+s24], $0x80, s3, s24, $0xb8;
	[tilespmem:$0x18180] =	vst v63  }
0x97: {  	_ =	swait.ge [sflag:s25], $0x4000  }
.Ltmp0:
0x98: {  	[sflag:s25] =	ssyncset.done $0x0;
	(pc) =	sbr.rel @p0 .LBB2_2-.Ltmp0, $4  }
0x99: {  	[sflag:s25] =	ssyncadd.s32 $0xFFFFC000  }
0x9a: {  	[spmem:s2] =	stream.indirect.scatter.add.f32 [tilespmem:s21], [sflag:$0x1], $0x80, s24, s24, $0xb8;
	[tilespmem:$0x18180] =	vst v63  }
0x9b: {  	_ =	swait.ge [sflag:s25], $0x4000  }
0x9c: {  	s29 =	smov.u32 s0;
	[sflag:s25] =	ssyncset.done $0x0  }
0x9d: {  	s0 =	sadd.s32 s28, s20;
	[sflag:s25] =	ssyncadd.s32 $0xFFFFC000  }
0x9e: {  	[tilespmem:s3], [sflag:$0x2] =	stream.linear.gather [hbm4b:s0+s3], $0x80, $0x38;
	[tilespmem:$0x18180] =	vst v63  }
0x9f: {  	_ =	swait.ge [sflag:s22], $0x80  }
0xa0: {  	[sflag:s22] =	ssyncset.done $0x0  }
0xa1: {  	s30 =	sadd.s32 s28, s19;
	[sflag:s22] =	ssyncadd.s32 $0xFFFFFF80  }
0xa2: {  	[tilespmem:s24], [sflag:$0x2] =	stream.linear.gather [hbm4b:s30+s3], $0x80, $0x38;
	[tilespmem:$0x18180] =	vst v63  }
0xa3: {  	_ =	swait.ge [sflag:s22], $0x80  }
0xa4: {  	[sflag:s22] =	ssyncset.done $0x0  }
0xa5: {  	[sflag:s22] =	ssyncadd.s32 $0xFFFFFF80  }
0xa6: {  	[tilespmem:s21], [sflag:$0x1] =	stream.indirect.gather [hbm4b:s5+s24], $0x80, s3, s24, $0xb8;
	[tilespmem:$0x18180] =	vst v63  }
0xa7: {  	_ =	swait.ge [sflag:s25], $0x4000  }
0xa8: {  	[sflag:s25] =	ssyncset.done $0x0  }
0xa9: {  	[sflag:s25] =	ssyncadd.s32 $0xFFFFC000  }
0xaa: {  	[spmem:s2] =	stream.indirect.scatter.add.f32 [tilespmem:s21], [sflag:$0x1], $0x80, s24, s24, $0xb8;
	[tilespmem:$0x18180] =	vst v63  }
0xab: {  	_ =	swait.ge [sflag:s25], $0x4000  }
0xac: {  	[sflag:s25] =	ssyncset.done $0x0  }
0xad: {  	[sflag:s25] =	ssyncadd.s32 $0xFFFFC000  }
0xae: {  	[bflag:$0x0] =	sbarrier.arrive $0xFFFF  }
0xaf: {  	[tilespmem:s23], [sflag:$0x2] =	stream.linear.gather [hbm4b:s8+s3], $0x80, $0x38;
	[tilespmem:$0x18180] =	vst v63  }
0xb0: {  	_ =	swait.ge [sflag:s22], $0x80  }
0xb1: {  	[sflag:s22] =	ssyncset.done $0x0  }
0xb2: {  	[sflag:s22] =	ssyncadd.s32 $0xFFFFFF80  }
0xb3: {  	[tilespmem:s21], [sflag:$0x1] =	stream.indirect.gather [spmem:s2], $0x80, s23, s24, $0xb8;
	[tilespmem:$0x18180] =	vst v63  }
0xb4: {  	_ =	swait.ge [sflag:s25], $0x4000  }
0xb5: {  	[sflag:s25] =	ssyncset.done $0x0  }
0xb6: {  	s31 =	sadd.s32 s14, s7;
	[sflag:s25] =	ssyncadd.s32 $0xFFFFC000  }
0xb7: {  	[hbm4b:s31+s3] =	stream.linear.scatter [tilespmem:s21], [sflag:$0x2], $0x4000, $0x38;
	[tilespmem:$0x18180] =	vst v63  }
0xb8: {  	_ =	swait.ge [sflag:s22], $0x4000  }
0xb9: {  	[sflag:s22] =	ssyncset.done $0x0  }
0xba: {  	[sflag:s22] =	ssyncadd.s32 $0xFFFFC000  }
0xbb: {  	[tilespmem:s23], [sflag:$0x2] =	stream.linear.gather [hbm4b:s10+s3], $0x80, $0x38;
	[tilespmem:$0x18180] =	vst v63  }
0xbc: {  	_ =	swait.ge [sflag:s22], $0x80  }
0xbd: {  	[sflag:s22] =	ssyncset.done $0x0  }
0xbe: {  	[sflag:s22] =	ssyncadd.s32 $0xFFFFFF80  }
0xbf: {  	[tilespmem:s21], [sflag:$0x1] =	stream.indirect.gather [spmem:s2], $0x80, s23, s24, $0xb8;
	[tilespmem:$0x18180] =	vst v63  }
0xc0: {  	_ =	swait.ge [sflag:s25], $0x4000  }
0xc1: {  	[sflag:s25] =	ssyncset.done $0x0  }
0xc2: {  	s28 =	sadd.s32 s15, s7;
	[sflag:s25] =	ssyncadd.s32 $0xFFFFC000  }
0xc3: {  	[hbm4b:s28+s3] =	stream.linear.scatter [tilespmem:s21], [sflag:$0x2], $0x4000, $0x38;
	[tilespmem:$0x18180] =	vst v63  }
0xc4: {  	_ =	swait.ge [sflag:s22], $0x4000  }
0xc5: {  	[sflag:s22] =	ssyncset.done $0x0  }
0xc6: {  	[sflag:s22] =	ssyncadd.s32 $0xFFFFC000  }
0xc7: {  	[tilespmem:s23], [sflag:$0x2] =	stream.linear.gather [hbm4b:s11+s3], $0x80, $0x38;
	[tilespmem:$0x18180] =	vst v63  }
0xc8: {  	_ =	swait.ge [sflag:s22], $0x80  }
0xc9: {  	[sflag:s22] =	ssyncset.done $0x0  }
0xca: {  	[sflag:s22] =	ssyncadd.s32 $0xFFFFFF80  }
0xcb: {  	[tilespmem:s21], [sflag:$0x1] =	stream.indirect.gather [spmem:s2], $0x80, s23, s24, $0xb8;
	[tilespmem:$0x18180] =	vst v63  }
0xcc: {  	_ =	swait.ge [sflag:s25], $0x4000  }
0xcd: {  	[sflag:s25] =	ssyncset.done $0x0  }
0xce: {  	s29 =	sadd.s32 s16, s7;
	[sflag:s25] =	ssyncadd.s32 $0xFFFFC000  }
0xcf: {  	[hbm4b:s29+s3] =	stream.linear.scatter [tilespmem:s21], [sflag:$0x2], $0x4000, $0x38;
	[tilespmem:$0x18180] =	vst v63  }
0xd0: {  	_ =	swait.ge [sflag:s22], $0x4000  }
0xd1: {  	[sflag:s22] =	ssyncset.done $0x0  }
0xd2: {  	[sflag:s22] =	ssyncadd.s32 $0xFFFFC000  }
0xd3: {  	[tilespmem:s23], [sflag:$0x2] =	stream.linear.gather [hbm4b:s12+s3], $0x80, $0x38;
	[tilespmem:$0x18180] =	vst v63  }
0xd4: {  	_ =	swait.ge [sflag:s22], $0x80  }
0xd5: {  	[sflag:s22] =	ssyncset.done $0x0  }
0xd6: {  	[sflag:s22] =	ssyncadd.s32 $0xFFFFFF80  }
0xd7: {  	[tilespmem:s21], [sflag:$0x1] =	stream.indirect.gather [spmem:s2], $0x80, s23, s24, $0xb8;
	[tilespmem:$0x18180] =	vst v63  }
0xd8: {  	_ =	swait.ge [sflag:s25], $0x4000  }
0xd9: {  	[sflag:s25] =	ssyncset.done $0x0  }
0xda: {  	s30 =	sadd.s32 s17, s7;
	[sflag:s25] =	ssyncadd.s32 $0xFFFFC000  }
0xdb: {  	[hbm4b:s30+s3] =	stream.linear.scatter [tilespmem:s21], [sflag:$0x2], $0x4000, $0x38;
	[tilespmem:$0x18180] =	vst v63  }
0xdc: {  	_ =	swait.ge [sflag:s22], $0x4000  }
0xdd: {  	[sflag:s22] =	ssyncset.done $0x0  }
0xde: {  	[sflag:s22] =	ssyncadd.s32 $0xFFFFC000  }
0xdf: {  	[tilespmem:s23], [sflag:$0x2] =	stream.linear.gather [hbm4b:s13+s3], $0x80, $0x38;
	[tilespmem:$0x18180] =	vst v63  }
0xe0: {  	_ =	swait.ge [sflag:s22], $0x80  }
0xe1: {  	[sflag:s22] =	ssyncset.done $0x0  }
0xe2: {  	[sflag:s22] =	ssyncadd.s32 $0xFFFFFF80  }
0xe3: {  	[tilespmem:s21], [sflag:$0x1] =	stream.indirect.gather [spmem:s2], $0x80, s23, s24, $0xb8;
	[tilespmem:$0x18180] =	vst v63  }
0xe4: {  	s26 =	sadd.s32 $0x1, s26;
	_ =	swait.ge [sflag:s25], $0x4000  }
0xe5: {  	p0 =	sne.s32 s26, s9;
	[sflag:s25] =	ssyncset.done $0x0  }
.Ltmp1:
0xe6: {  	s31 =	sadd.s32 s18, s7;
	[sflag:s25] =	ssyncadd.s32 $0xFFFFC000;
	(pc) =	sbr.rel @p0 .LBB2_1-.Ltmp1, $4  }
0xe7: {  	[hbm4b:s31+s3] =	stream.linear.scatter [tilespmem:s21], [sflag:$0x2], $0x4000, $0x38;
	[tilespmem:$0x18180] =	vst v63  }
0xe8: {  	_ =	swait.ge [sflag:s22], $0x4000  }
0xe9: {  	[sflag:s22] =	ssyncset.done $0x0  }
0xea: {  	[sflag:s22] =	ssyncadd.s32 $0xFFFFC000  }
0xeb: {  	_ =	sfence.sel $0x180000  }
0xec: {  	[bflag:$0x0] =	sbarrier.arrive $0xFFFF  }
0xed: {  	_ =	strace $0x90000047  }
0xee: {  	[bflag:$0x2] =	sbarrier.arrive $0xFFFF  }
0xef: {  	p0 =	sne.s32 s4, $0x0;
	s0 =	rddreg [dreg:$0x3]  }
0xf0: {  	s0 =	sadd.s32 @!p0 $0x100000, s0  }
0xf1: {  	[sflag:s0] =	ssyncadd.tile.s32 @!p0 $0x1;
	_ =	shalt  }
.Lfunc_end2:
_tile_overlayer_lowered:
.L_overlay_start_2:
0xf2: {  	(tag) =	ssettag $0x2  }
0xf3: {  	s0 =	rddreg [dreg:$0x0];
	s2 =	stileid.u32  }
0xf4: {  	s1 =	rddreg [dreg:$0x1];
	p0 =	sne.s32 s2, $0x0  }
0xf5: {  	s3 =	rddreg [dreg:$0x2];
	[bflag:$0x3] =	sbarrier.arrive $0xFFFF;
	s2 =	simm.s32 @!p0 $0x1C02  }
0xf6: {  	[timem:s3], [sflag:s2] =	dma.local @!p0 [hbm:s0], s1  }
0xf7: {  	s0 =	simm.s32 @!p0 $0x2  }
0xf8: {  	_ =	swait.ge @!p0 [sflag:s0], s1  }
0xf9: {  	s1 =	ssub.s32 @!p0 $0x0, s1;
	[sflag:s0] =	ssyncset.done @!p0 $0x0  }
0xfa: {  	[sflag:s0] =	ssyncadd.s32 @!p0 s1  }
0xfb: {  	[bflag:$0x3] =	sbarrier.arrive $0xFFFF  }
0xfc: {  	_ =	shalt  }

// kernel: kernel.13.cloned.1.call-start
scs
__scs_entry_jumppad:
0x0: {  	(pc) =	sbr.rel $0x88, $3  }
0x1: {  	(tag) =	ssettag $0x0;
	lr =	simm.s32 $0x1  }
0x2: {  	[smem:$0x3F8F] =	sst lr;
	_ =	strace $0xD0000000  }
0x3: {  	_ = 	snop  }
0x4: {  	_ = 	snop  }
0x5: {  	_ = 	snop  }
0x6: {  	_ = 	snop  }
0x7: {  	_ = 	snop  }
__scs_overlays_trampoline_lowered:
0x8: {  	[smem:$0x3F9E] =	sst s0  }
0x9: {  	[smem:$0x3F9F] =	sst s1  }
0xa: {  	[smem:$0x3FA0] =	sst s2  }
0xb: {  	[smem:$0x3FA1] =	sst s3  }
0xc: {  	[smem:$0x3FA2] =	sst s4  }
0xd: {  	[smem:$0x3FA3] =	sst s5  }
0xe: {  	[smem:$0x3FA4] =	sst s6  }
0xf: {  	[smem:$0x3FA5] =	sst s7  }
0x10: {  	[smem:$0x3FA6] =	sst s8  }
0x11: {  	[smem:$0x3FA7] =	sst s9;
	s0 =	simm.s32 @!p0 $0x0  }
0x12: {  	s1 =	sld [smem:$0x3F8D];
	s0 =	simm.s32 @p0 $0x1  }
0x13: {  	[smem:$0x3FA8] =	sst s0;
	s0 =	simm.s32 @!p1 $0x0  }
0x14: {  	s2 =	sld [smem:$0x3F8C];
	s0 =	simm.s32 @p1 $0x1  }
0x15: {  	[smem:$0x3FA9] =	sst s0;
	s0 =	simm.s32 @!p2 $0x0  }
0x16: {  	s3 =	sld [smem:$0x3FDB];
	s0 =	simm.s32 @p2 $0x1  }
0x17: {  	s4 =	simm.s32 $0x1BF5;
	[smem:$0x3FAB] =	sst s0  }
0x18: {  	s0 =	sld [smem:$0x3F8E];
	_ =	swait.ge [sflag:s4], $0x0  }
0x19: {  	s7 =	sld [smem:$0x3F8F]  }
0x1a: {  	s8 =	sadd.s32 $0xFFFFE003, lr  }
0x1b: {  	s9 =	sadd.s32 $0xFFFFFEF7, lr;
	s5 =	simm.s32 $0xFFFFFFFF;
	p2 =	slt.u32 s8, $0xFFFFF086  }
0x1c: {  	p1 =	slt.u32 s9, $0xF7A;
	s5 =	simm.s32 @!p2 $0x0  }
0x1d: {  	s5 =	simm.s32 @p1 $0x1;
	p0 =	seq.s32 s7, s2  }
0x1e: {  	s7 =	smul.u32 @!p0 $0xF7A, s2;
	p2 =	seq.s32 @!p0 s5, $0x0  }
0x1f: {  	s9 =	smul.u32 $0xF7A, s1;
	s8 =	simm.s32 @!p0 $0x1BF5;
	p2 =	por !p2, p0  }
0x20: {  	[sflag:s8] =	ssyncset.s32 @!p0 $0xFFFFF086;
	s6 =	sadd.s32 @!p0 s3, s7;
	s7 =	simm.s32 @!p0 $0x108  }
0x21: {  	s3 =	sadd.s32 s3, s9;
	s6 =	sadd.s32 @!p0 $0x88, s6;
	s7 =	simm.s32 @p2 $0x1082  }
0x22: {  	[simem:s7], [sflag:s8] =	dma.local @!p0 [hbm:s6], $0xF7A  }
0x23: {  	s9 =	sor.u32 $0xD0000000, s2;
	s6 =	simm.s32 $0x108;
	_ =	swait.ge @!p0 [sflag:s8], $0x0  }
0x24: {  	s3 =	sadd.s32 $0x88, s3;
	s6 =	simm.s32 @!p1 $0x1082;
	[sflag:s4] =	ssyncset.s32 $0xFFFFF086  }
0x25: {  	[simem:s6], [sflag:s4] =	dma.local [hbm:s3], $0xF7A  }
0x26: {  	[smem:$0x3F8F] =	sst s1;
	(tag) =	ssettag s2;
	_ =	strace s9  }
0x27: {  	s1 =	sld [smem:$0x3F9F]  }
0x28: {  	s2 =	sld [smem:$0x3FA0]  }
0x29: {  	s4 =	sld [smem:$0x3FA2]  }
0x2a: {  	p0 =	seq.s32 s5, $0x0;
	s5 =	sld [smem:$0x3FA3]  }
0x2b: {  	s6 =	sld [smem:$0x3FA4]  }
0x2c: {  	s7 =	sld [smem:$0x3FA5]  }
0x2d: {  	s3 =	simm.s32 $0x108;
	s8 =	sld [smem:$0x3FA6]  }
0x2e: {  	s3 =	simm.s32 @!p0 $0x1082;
	s9 =	sld [smem:$0x3FA7]  }
0x2f: {  	lr =	sadd.s32 s0, s3;
	s0 =	sld [smem:$0x3F9E]  }
0x30: {  	s3 =	sld [smem:$0x3FA1]  }
0x31: {  	[smem:$0x3FAA] =	sst s10  }
0x32: {  	s10 =	sld [smem:$0x3FA8];
	_ =	sdelay $0x3  }
0x33: {  	p0 =	seq.s32 s10, $0x1;
	s10 =	sld [smem:$0x3FAA];
	_ =	sdelay $0x3  }
0x34: {  	[smem:$0x3FAA] =	sst s10  }
0x35: {  	s10 =	sld [smem:$0x3FA9];
	_ =	sdelay $0x3  }
0x36: {  	p1 =	seq.s32 s10, $0x1;
	s10 =	sld [smem:$0x3FAA];
	_ =	sdelay $0x3  }
0x37: {  	[smem:$0x3FAA] =	sst s10  }
0x38: {  	s10 =	sld [smem:$0x3FAB]  }
0x39: {  	_ = 	snop;
	(pc) =	sbr.ind lr, $3  }
0x3a: {  	_ = 	snop  }
0x3b: {  	_ = 	snop  }
0x3c: {  	p2 =	seq.s32 s10, $0x1;
	s10 =	sld [smem:$0x3FAA]  }
0x3d: {  	_ =	shalt  }
0x3e: {  	_ =	shalt  }
0x3f: {  	_ =	shalt  }
0x40: {  	_ =	shalt  }
0x41: {  	_ =	shalt  }
0x42: {  	_ =	shalt  }
0x43: {  	_ =	shalt  }
0x44: {  	_ =	shalt  }
0x45: {  	_ =	shalt  }
0x46: {  	_ =	shalt  }
0x47: {  	_ =	shalt  }
0x48: {  	_ =	shalt  }
0x49: {  	_ =	shalt  }
0x4a: {  	_ =	shalt  }
0x4b: {  	_ =	shalt  }
0x4c: {  	_ =	shalt  }
0x4d: {  	_ =	shalt  }
0x4e: {  	_ =	shalt  }
0x4f: {  	_ =	shalt  }
0x50: {  	_ =	shalt  }
0x51: {  	_ =	shalt  }
0x52: {  	_ =	shalt  }
0x53: {  	_ =	shalt  }
0x54: {  	_ =	shalt  }
0x55: {  	_ =	shalt  }
0x56: {  	_ =	shalt  }
0x57: {  	_ =	shalt  }
0x58: {  	_ =	shalt  }
0x59: {  	_ =	shalt  }
0x5a: {  	_ =	shalt  }
0x5b: {  	_ =	shalt  }
0x5c: {  	_ =	shalt  }
0x5d: {  	_ =	shalt  }
0x5e: {  	_ =	shalt  }
0x5f: {  	_ =	shalt  }
0x60: {  	_ =	shalt  }
0x61: {  	_ =	shalt  }
0x62: {  	_ =	shalt  }
0x63: {  	_ =	shalt  }
0x64: {  	_ =	shalt  }
0x65: {  	_ =	shalt  }
0x66: {  	_ =	shalt  }
0x67: {  	_ =	shalt  }
0x68: {  	_ =	shalt  }
0x69: {  	_ =	shalt  }
0x6a: {  	_ =	shalt  }
0x6b: {  	_ =	shalt  }
0x6c: {  	_ =	shalt  }
0x6d: {  	_ =	shalt  }
0x6e: {  	_ =	shalt  }
0x6f: {  	_ =	shalt  }
0x70: {  	_ =	shalt  }
0x71: {  	_ =	shalt  }
0x72: {  	_ =	shalt  }
0x73: {  	_ =	shalt  }
0x74: {  	_ =	shalt  }
0x75: {  	_ =	shalt  }
0x76: {  	_ =	shalt  }
0x77: {  	_ =	shalt  }
0x78: {  	_ =	shalt  }
0x79: {  	_ =	shalt  }
0x7a: {  	_ =	shalt  }
0x7b: {  	_ =	shalt  }
0x7c: {  	_ =	shalt  }
0x7d: {  	_ =	shalt  }
0x7e: {  	_ =	shalt  }
0x7f: {  	_ =	shalt  }
0x80: {  	_ =	shalt  }
0x81: {  	_ =	shalt  }
0x82: {  	_ =	shalt  }
0x83: {  	_ =	shalt  }
0x84: {  	_ =	shalt  }
0x85: {  	_ =	shalt  }
0x86: {  	_ =	shalt  }
0x87: {  	_ =	shalt  }
.Lfunc_end0:
.L_simem_size_0:
called_computation.2_lowered:
.L_overlay_start_0:
0x88: {  	s2 =	sld [smem:$0x3FD9]  }
0x89: {  	s3 =	sld [smem:$0x3FFE];
	_ =	sdelay $0x1  }
0x8a: {  	s1 =	srdreg.scid  }
0x8b: {  	s0 =	sand.u32 $0x1, s1  }
0x8c: {  	s17 =	sshll.u32 s0, $0xA;
	s2 =	sadd.s32 s3, s2  }
0x8d: {  	s2 =	sadd.s32 s2, s17  }
0x8e: {  	[smem:$0x3FB6] =	sst s2  }
0x8f: {  	_ = 	snop  }
0x90: {  	s2 =	sld [smem:$0x3FD0];
	(tm) =	ssettm $0x1  }
0x91: {  	s18 =	sld [smem:$0x3FFB];
	_ =	sdelay $0x3  }
0x92: {  	_ =	strace s18  }
0x93: {  	s3 =	sld [smem:$0x3FFC];
	_ =	sdelay $0x3  }
0x94: {  	_ =	strace s3  }
0x95: {  	s3 =	sld [smem:$0x3FFD];
	_ =	sdelay $0x3  }
0x96: {  	_ =	strace s3  }
0x97: {  	_ =	strace $0x8FFFFFFF  }
0x98: {  	s19 =	sld [smem:$0x3FDB];
	_ =	sdelay $0x1  }
0x99: {  	s4 =	simm.s32 $_scs_section_size  }
0x9a: {  	s5 =	simm.s32 $_size__tile_overlayer_lowered;
	s6 =	simm.s32 $_tile_overlayer_lowered  }
0x9b: {  	s22 =	simm.s32 $0x1BFF;
	s21 =	sshll.u32 s6, $0x1;
	s3 =	sadd.s32 s4, s19  }
0x9c: {  	s7 =	simm.s32 $0x0;
	s20 =	sshll.u32 s5, $0x1;
	s5 =	sadd.s32 s21, s3  }
0x9d: {  	[timem:s7], [sflag:s22] =	dma.local [hbm:s5], s20  }
0x9e: {  	_ =	swait.ge [sflag:s22], s20  }
0x9f: {  	s4 =	ssub.s32 $0x0, s20;
	[sflag:s22] =	ssyncset.done $0x0  }
0xa0: {  	[sflag:s22] =	ssyncadd.s32 s4;
	_ =	sdelay $0x1  }
0xa1: {  	s23 =	simm.s32 $0x1B8B  }
0xa2: {  	_ =	swait.ge [sflag:s23], $0x1  }
0xa3: {  	[sflag:s23] =	ssyncset.done $0x0  }
0xa4: {  	s25 =	simm.s32 $0x1B8E;
	s24 =	sld [smem:$0x3FFE];
	[sflag:s23] =	ssyncadd.s32 $0xFFFFFFFF  }
0xa5: {  	s26 =	simm.s32 $execute0_lowered;
	[smem:$0x3FD2] =	sst s25  }
0xa6: {  	s5 =	sshll.u32 s26, $0x1;
	_ =	strace $0x8000004C;
	[dreg:$0x1] =	wrdreg $0xFFFFFFFF  }
0xa7: {  	s28 =	simm.s32 $_size_execute0_lowered;
	s3 =	sadd.s32 s3, s5;
	[dreg:$0x0] =	wrdreg $0x0  }
0xa8: {  	s5 =	sshll.u32 s28, $0x1;
	[dreg:$0x2] =	wrdreg s3  }
0xa9: {  	[dreg:$0x3] =	wrdreg s5  }
0xaa: {  	[dreg:$0x4] =	wrdreg $0xC0  }
0xab: {  	_ =	task [dreg:s7], $0x5FFFF  }
0xac: {  	[dreg:$0x1] =	wrdreg $0xFFFFFFFF  }
0xad: {  	[dreg:$0x0] =	wrdreg $0x60  }
0xae: {  	[dreg:$0x2] =	wrdreg s24  }
0xaf: {  	[dreg:$0x3] =	wrdreg s2  }
0xb0: {  	[dreg:$0x4] =	wrdreg $0x41800  }
0xb1: {  	[dreg:$0x5] =	wrdreg $0x9  }
0xb2: {  	_ =	task.clear_ibuf [dreg:s7], $0x6FFFF;
	_ =	strace $0x9000004C  }
0xb3: {  	s29 =	simm.s32 $0x9;
	_ =	strace $0x8000004E  }
0xb4: {  	_ =	swait.ge [sflag:s29], $0x1  }
0xb5: {  	[sflag:s29] =	ssyncadd.s32 $0xFFFFFFFF  }
0xb6: {  	_ =	strace $0x9000004E  }
0xb7: {  	_ =	sfence  }
0xb8: {  	s30 =	sld [smem:$0x0];
	_ =	sdelay $0x2  }
0xb9: {  	s31 =	sshll.u32 s1, $0xD;
	s1 =	sshrl.u32 s1, $0x2  }
0xba: {  	s3 =	sand.u32 $0x4000, s31;
	s1 =	sadd.s32 s1, s30  }
0xbb: {  	s0 =	sor.u32 s3, s0;
	s1 =	sshll.u32 s1, $0x11  }
0xbc: {  	s0 =	sor.u32 s1, s0  }
0xbd: {  	s0 =	sadd.s32 $0x8F2B, s0  }
0xbe: {  	[sflag:s0] =	ssyncadd.remote.s32 $0x1  }
0xbf: {  	_ =	sfence.sel $0xFFFF  }
0xc0: {  	[dreg:$0x0] =	wrdreg $0xFFFFFFFF;
	(pc) =	sbr.abs _section_cstart, $3  }
0xc1: {  	[dreg:$0x1] =	wrdreg $0xFFFFFFFF  }
0xc2: {  	_ =	task.clear_ibuf [dreg:s7], $0x2FFFF;
	_ =	strace $0x9FFFFFFF  }
0xc3: {  	(tm) =	ssettm $0x7FFFFFFF  }
tec
execute0_lowered:
.L_overlay_start_1:
0x0: {  	(tag) =	ssettag $0x1  }
0x1: {  	s6 =	rddreg [dreg:$0x0]  }
0x2: {  	s1 =	rddreg [dreg:$0x1]  }
0x3: {  	s2 =	rddreg [dreg:$0x2]  }
0x4: {  	s4 =	srdreg.scid;
	s3 =	simm.s32 $0x0;
	s21 =	simm.s32 $0x180  }
0x5: {  	s22 =	simm.s32 $0x2;
	s23 =	simm.s32 $0x100;
	s24 =	simm.s32 $0x80  }
0x6: {  	s25 =	simm.s32 $0x1;
	s26 =	simm.s32 $0x0;
	s7 =	sand.u32 $0x1, s4  }
0x7: {  	[smem:$0x7FF] =	sst s3;
	s5 =	sadd.s32 $0x18C00, s6;
	s4 =	smul.u32 $0x4F00, s7  }
0x8: {  	s13 =	sadd.s32 $0x18600, s6;
	_ =	strace $0x8000004D;
	s8 =	smul.u32 $0x28000, s7  }
0x9: {  	s7 =	ssub.s32 $0x2, s7;
	s18 =	sadd.s32 s4, s6;
	s4 =	stileid.u32  }
0xa: {  	s29 =	sshrl.u32 s7, $0x1;
	s8 =	sadd.s32 s8, s6;
	s12 =	smul.u32 $0x280, s4  }
0xb: {  	s9 =	ssub.s32 s7, s29;
	s6 =	sadd.s32 $0x130C00, s8;
	s7 =	sadd.s32 $0xE0C00, s8  }
0xc: {  	s9 =	smax.u32 s9, $0x1;
	s20 =	smul.u32 $0x4F0, s4;
	s10 =	sshrl.u32 s12, $0x3  }
0xd: {  	s15 =	sadd.s32 $0x80, s12;
	s16 =	sadd.s32 $0x100, s12;
	s17 =	sadd.s32 $0x180, s12  }
0xe: {  	s19 =	sadd.s32 $0x200, s12;
	s20 =	sadd.s32 s20, s18;
	s8 =	sadd.s32 s13, s10  }
0xf: {  	s30 =	sshrl.u32 s15, $0x3;
	s11 =	sshrl.u32 s16, $0x3;
	s14 =	sshrl.u32 s17, $0x3  }
0x10: {  	s31 =	sshrl.u32 s19, $0x3;
	s15 =	sshll.u32 s15, $0x4;
	s16 =	sshll.u32 s16, $0x4  }
0x11: {  	s17 =	sshll.u32 s17, $0x4;
	s18 =	sshll.u32 s19, $0x4;
	s19 =	sadd.s32 $0xE800, s20  }
0x12: {  	s20 =	sadd.s32 $0x4A00, s20;
	s10 =	sadd.s32 s13, s30;
	s11 =	sadd.s32 s13, s11  }
0x13: {  	s12 =	sadd.s32 s13, s14;
	s13 =	sadd.s32 s13, s31;
	s14 =	smul.u32 $0x2800, s4  }
.LBB2_1:
0x14: {  	[tilespmem:s21], [sflag:$0x2] =	stream.linear.gather [hbm4b:s1+s3], $0x4000, $0x38;
	[tilespmem:$0x18180] =	vst v63  }
0x15: {  	_ =	swait.ge [sflag:s22], $0x4000  }
0x16: {  	[sflag:s22] =	ssyncset.done $0x0  }
0x17: {  	[sflag:s22] =	ssyncadd.s32 $0xFFFFC000  }
0x18: {  	[tilespmem:s23], [sflag:$0x2] =	stream.linear.gather [hbm4b:s8+s3], $0x80, $0x38;
	[tilespmem:$0x18180] =	vst v63  }
0x19: {  	_ =	swait.ge [sflag:s22], $0x80  }
0x1a: {  	[sflag:s22] =	ssyncset.done $0x0  }
0x1b: {  	[sflag:s22] =	ssyncadd.s32 $0xFFFFFF80  }
0x1c: {  	[spmem:s2] =	stream.indirect.scatter [tilespmem:s21], [sflag:$0x1], $0x80, s23, s24, $0xb8;
	[tilespmem:$0x18180] =	vst v63  }
0x1d: {  	_ =	swait.ge [sflag:s25], $0x4000  }
0x1e: {  	[sflag:s25] =	ssyncset.done $0x0  }
0x1f: {  	[sflag:s25] =	ssyncadd.s32 $0xFFFFC000  }
0x20: {  	[tilespmem:s23], [sflag:$0x2] =	stream.linear.gather [hbm4b:s10+s3], $0x80, $0x38;
	[tilespmem:$0x18180] =	vst v63  }
0x21: {  	_ =	swait.ge [sflag:s22], $0x80  }
0x22: {  	[sflag:s22] =	ssyncset.done $0x0  }
0x23: {  	[sflag:s22] =	ssyncadd.s32 $0xFFFFFF80  }
0x24: {  	[spmem:s2] =	stream.indirect.scatter [tilespmem:s21], [sflag:$0x1], $0x80, s23, s24, $0xb8;
	[tilespmem:$0x18180] =	vst v63  }
0x25: {  	_ =	swait.ge [sflag:s25], $0x4000  }
0x26: {  	[sflag:s25] =	ssyncset.done $0x0  }
0x27: {  	[sflag:s25] =	ssyncadd.s32 $0xFFFFC000  }
0x28: {  	[tilespmem:s23], [sflag:$0x2] =	stream.linear.gather [hbm4b:s11+s3], $0x80, $0x38;
	[tilespmem:$0x18180] =	vst v63  }
0x29: {  	_ =	swait.ge [sflag:s22], $0x80  }
0x2a: {  	[sflag:s22] =	ssyncset.done $0x0  }
0x2b: {  	[sflag:s22] =	ssyncadd.s32 $0xFFFFFF80  }
0x2c: {  	[spmem:s2] =	stream.indirect.scatter [tilespmem:s21], [sflag:$0x1], $0x80, s23, s24, $0xb8;
	[tilespmem:$0x18180] =	vst v63  }
0x2d: {  	_ =	swait.ge [sflag:s25], $0x4000  }
0x2e: {  	[sflag:s25] =	ssyncset.done $0x0  }
0x2f: {  	[sflag:s25] =	ssyncadd.s32 $0xFFFFC000  }
0x30: {  	[tilespmem:s23], [sflag:$0x2] =	stream.linear.gather [hbm4b:s12+s3], $0x80, $0x38;
	[tilespmem:$0x18180] =	vst v63  }
0x31: {  	_ =	swait.ge [sflag:s22], $0x80  }
0x32: {  	[sflag:s22] =	ssyncset.done $0x0  }
0x33: {  	[sflag:s22] =	ssyncadd.s32 $0xFFFFFF80  }
0x34: {  	[spmem:s2] =	stream.indirect.scatter [tilespmem:s21], [sflag:$0x1], $0x80, s23, s24, $0xb8;
	[tilespmem:$0x18180] =	vst v63  }
0x35: {  	_ =	swait.ge [sflag:s25], $0x4000  }
0x36: {  	[sflag:s25] =	ssyncset.done $0x0  }
0x37: {  	[sflag:s25] =	ssyncadd.s32 $0xFFFFC000  }
0x38: {  	[tilespmem:s23], [sflag:$0x2] =	stream.linear.gather [hbm4b:s13+s3], $0x80, $0x38;
	[tilespmem:$0x18180] =	vst v63  }
0x39: {  	_ =	swait.ge [sflag:s22], $0x80  }
0x3a: {  	[sflag:s22] =	ssyncset.done $0x0  }
0x3b: {  	[sflag:s22] =	ssyncadd.s32 $0xFFFFFF80  }
0x3c: {  	[spmem:s2] =	stream.indirect.scatter [tilespmem:s21], [sflag:$0x1], $0x80, s23, s24, $0xb8;
	[tilespmem:$0x18180] =	vst v63  }
0x3d: {  	_ =	swait.ge [sflag:s25], $0x4000  }
0x3e: {  	[sflag:s25] =	ssyncset.done $0x0  }
0x3f: {  	[sflag:s25] =	ssyncadd.s32 $0xFFFFC000  }
0x40: {  	[tilespmem:s23], [sflag:$0x2] =	stream.linear.gather [hbm4b:s8+s3], $0x80, $0x38;
	[tilespmem:$0x18180] =	vst v63  }
0x41: {  	_ =	swait.ge [sflag:s22], $0x80  }
0x42: {  	[sflag:s22] =	ssyncset.done $0x0  }
0x43: {  	[sflag:s22] =	ssyncadd.s32 $0xFFFFFF80  }
0x44: {  	[tilespmem:s21], [sflag:$0x1] =	stream.indirect.gather [spmem:s2], $0x80, s23, s24, $0xb8;
	[tilespmem:$0x18180] =	vst v63  }
0x45: {  	_ =	swait.ge [sflag:s25], $0x4000  }
0x46: {  	[sflag:s25] =	ssyncset.done $0x0  }
0x47: {  	s28 =	sadd.s32 s14, s6;
	[sflag:s25] =	ssyncadd.s32 $0xFFFFC000  }
0x48: {  	[hbm4b:s28+s3] =	stream.linear.scatter [tilespmem:s21], [sflag:$0x2], $0x4000, $0x38;
	[tilespmem:$0x18180] =	vst v63  }
0x49: {  	_ =	swait.ge [sflag:s22], $0x4000  }
0x4a: {  	[sflag:s22] =	ssyncset.done $0x0  }
0x4b: {  	[sflag:s22] =	ssyncadd.s32 $0xFFFFC000  }
0x4c: {  	[tilespmem:s23], [sflag:$0x2] =	stream.linear.gather [hbm4b:s10+s3], $0x80, $0x38;
	[tilespmem:$0x18180] =	vst v63  }
0x4d: {  	_ =	swait.ge [sflag:s22], $0x80  }
0x4e: {  	[sflag:s22] =	ssyncset.done $0x0  }
0x4f: {  	[sflag:s22] =	ssyncadd.s32 $0xFFFFFF80  }
0x50: {  	[tilespmem:s21], [sflag:$0x1] =	stream.indirect.gather [spmem:s2], $0x80, s23, s24, $0xb8;
	[tilespmem:$0x18180] =	vst v63  }
0x51: {  	_ =	swait.ge [sflag:s25], $0x4000  }
0x52: {  	[sflag:s25] =	ssyncset.done $0x0  }
0x53: {  	s28 =	sadd.s32 s15, s6;
	[sflag:s25] =	ssyncadd.s32 $0xFFFFC000  }
0x54: {  	[hbm4b:s28+s3] =	stream.linear.scatter [tilespmem:s21], [sflag:$0x2], $0x4000, $0x38;
	[tilespmem:$0x18180] =	vst v63  }
0x55: {  	_ =	swait.ge [sflag:s22], $0x4000  }
0x56: {  	[sflag:s22] =	ssyncset.done $0x0  }
0x57: {  	[sflag:s22] =	ssyncadd.s32 $0xFFFFC000  }
0x58: {  	[tilespmem:s23], [sflag:$0x2] =	stream.linear.gather [hbm4b:s11+s3], $0x80, $0x38;
	[tilespmem:$0x18180] =	vst v63  }
0x59: {  	_ =	swait.ge [sflag:s22], $0x80  }
0x5a: {  	[sflag:s22] =	ssyncset.done $0x0  }
0x5b: {  	[sflag:s22] =	ssyncadd.s32 $0xFFFFFF80  }
0x5c: {  	[tilespmem:s21], [sflag:$0x1] =	stream.indirect.gather [spmem:s2], $0x80, s23, s24, $0xb8;
	[tilespmem:$0x18180] =	vst v63  }
0x5d: {  	_ =	swait.ge [sflag:s25], $0x4000  }
0x5e: {  	[sflag:s25] =	ssyncset.done $0x0  }
0x5f: {  	s28 =	sadd.s32 s16, s6;
	[sflag:s25] =	ssyncadd.s32 $0xFFFFC000  }
0x60: {  	[hbm4b:s28+s3] =	stream.linear.scatter [tilespmem:s21], [sflag:$0x2], $0x4000, $0x38;
	[tilespmem:$0x18180] =	vst v63  }
0x61: {  	_ =	swait.ge [sflag:s22], $0x4000  }
0x62: {  	[sflag:s22] =	ssyncset.done $0x0  }
0x63: {  	[sflag:s22] =	ssyncadd.s32 $0xFFFFC000  }
0x64: {  	[tilespmem:s23], [sflag:$0x2] =	stream.linear.gather [hbm4b:s12+s3], $0x80, $0x38;
	[tilespmem:$0x18180] =	vst v63  }
0x65: {  	_ =	swait.ge [sflag:s22], $0x80  }
0x66: {  	[sflag:s22] =	ssyncset.done $0x0  }
0x67: {  	[sflag:s22] =	ssyncadd.s32 $0xFFFFFF80  }
0x68: {  	[tilespmem:s21], [sflag:$0x1] =	stream.indirect.gather [spmem:s2], $0x80, s23, s24, $0xb8;
	[tilespmem:$0x18180] =	vst v63  }
0x69: {  	_ =	swait.ge [sflag:s25], $0x4000  }
0x6a: {  	[sflag:s25] =	ssyncset.done $0x0  }
0x6b: {  	s28 =	sadd.s32 s17, s6;
	[sflag:s25] =	ssyncadd.s32 $0xFFFFC000  }
0x6c: {  	[hbm4b:s28+s3] =	stream.linear.scatter [tilespmem:s21], [sflag:$0x2], $0x4000, $0x38;
	[tilespmem:$0x18180] =	vst v63  }
0x6d: {  	_ =	swait.ge [sflag:s22], $0x4000  }
0x6e: {  	[sflag:s22] =	ssyncset.done $0x0  }
0x6f: {  	[sflag:s22] =	ssyncadd.s32 $0xFFFFC000  }
0x70: {  	[tilespmem:s23], [sflag:$0x2] =	stream.linear.gather [hbm4b:s13+s3], $0x80, $0x38;
	[tilespmem:$0x18180] =	vst v63  }
0x71: {  	_ =	swait.ge [sflag:s22], $0x80  }
0x72: {  	[sflag:s22] =	ssyncset.done $0x0  }
0x73: {  	[sflag:s22] =	ssyncadd.s32 $0xFFFFFF80  }
0x74: {  	[tilespmem:s21], [sflag:$0x1] =	stream.indirect.gather [spmem:s2], $0x80, s23, s24, $0xb8;
	[tilespmem:$0x18180] =	vst v63  }
0x75: {  	_ =	swait.ge [sflag:s25], $0x4000  }
0x76: {  	[sflag:s25] =	ssyncset.done $0x0  }
0x77: {  	s28 =	sadd.s32 s18, s6;
	[sflag:s25] =	ssyncadd.s32 $0xFFFFC000  }
0x78: {  	[hbm4b:s28+s3] =	stream.linear.scatter [tilespmem:s21], [sflag:$0x2], $0x4000, $0x38;
	[tilespmem:$0x18180] =	vst v63  }
0x79: {  	_ =	swait.ge [sflag:s22], $0x4000  }
0x7a: {  	[sflag:s22] =	ssyncset.done $0x0  }
0x7b: {  	[sflag:s22] =	ssyncadd.s32 $0xFFFFC000  }
0x7c: {  	s28 =	sadd.s32 $0x0, s20;
	[bflag:$0x0] =	sbarrier.arrive $0xFFFF  }
0x7d: {  	[tilespmem:s3], [sflag:$0x2] =	stream.linear.gather [hbm4b:s28+s3], $0x80, $0x38;
	[tilespmem:$0x18180] =	vst v63  }
0x7e: {  	_ =	swait.ge [sflag:s22], $0x80  }
0x7f: {  	[sflag:s22] =	ssyncset.done $0x0  }
0x80: {  	s28 =	sadd.s32 $0x0, s19;
	[sflag:s22] =	ssyncadd.s32 $0xFFFFFF80  }
0x81: {  	[tilespmem:s24], [sflag:$0x2] =	stream.linear.gather [hbm4b:s28+s3], $0x80, $0x38;
	[tilespmem:$0x18180] =	vst v63  }
0x82: {  	_ =	swait.ge [sflag:s22], $0x80  }
0x83: {  	[sflag:s22] =	ssyncset.done $0x0  }
0x84: {  	[sflag:s22] =	ssyncadd.s32 $0xFFFFFF80  }
0x85: {  	[tilespmem:s21], [sflag:$0x1] =	stream.indirect.gather [hbm4b:s5+s24], $0x80, s3, s24, $0xb8;
	[tilespmem:$0x18180] =	vst v63  }
0x86: {  	_ =	swait.ge [sflag:s25], $0x4000  }
0x87: {  	[sflag:s25] =	ssyncset.done $0x0  }
0x88: {  	[sflag:s25] =	ssyncadd.s32 $0xFFFFC000  }
0x89: {  	[spmem:s2] =	stream.indirect.scatter.add.f32 [tilespmem:s21], [sflag:$0x1], $0x80, s24, s24, $0xb8;
	[tilespmem:$0x18180] =	vst v63  }
0x8a: {  	_ =	swait.ge [sflag:s25], $0x4000  }
0x8b: {  	s29 =	simm.s32 $0x20;
	s28 =	simm.s32 $0x10;
	[sflag:s25] =	ssyncset.done $0x0  }
.LBB2_2:
0x8c: {  	s30 =	sadd.s32 s28, s20  }
0x8d: {  	[sflag:s25] =	ssyncadd.s32 $0xFFFFC000;
	s31 =	smov.u32 s29;
	s0 =	sadd.s32 $0x10, s29  }
0x8e: {  	[tilespmem:s3], [sflag:$0x2] =	stream.linear.gather [hbm4b:s30+s3], $0x80, $0x38;
	[tilespmem:$0x18180] =	vst v63  }
0x8f: {  	p0 =	sne.s32 s29, $0x4E0;
	_ =	swait.ge [sflag:s22], $0x80  }
0x90: {  	[sflag:s22] =	ssyncset.done $0x0  }
0x91: {  	s29 =	sadd.s32 s28, s19;
	s28 =	smov.u32 s31;
	[sflag:s22] =	ssyncadd.s32 $0xFFFFFF80  }
0x92: {  	[tilespmem:s24], [sflag:$0x2] =	stream.linear.gather [hbm4b:s29+s3], $0x80, $0x38;
	[tilespmem:$0x18180] =	vst v63  }
0x93: {  	_ =	swait.ge [sflag:s22], $0x80  }
0x94: {  	[sflag:s22] =	ssyncset.done $0x0  }
0x95: {  	[sflag:s22] =	ssyncadd.s32 $0xFFFFFF80  }
0x96: {  	[tilespmem:s21], [sflag:$0x1] =	stream.indirect.gather [hbm4b:s5+s24], $0x80, s3, s24, $0xb8;
	[tilespmem:$0x18180] =	vst v63  }
0x97: {  	_ =	swait.ge [sflag:s25], $0x4000  }
.Ltmp0:
0x98: {  	[sflag:s25] =	ssyncset.done $0x0;
	(pc) =	sbr.rel @p0 .LBB2_2-.Ltmp0, $4  }
0x99: {  	[sflag:s25] =	ssyncadd.s32 $0xFFFFC000  }
0x9a: {  	[spmem:s2] =	stream.indirect.scatter.add.f32 [tilespmem:s21], [sflag:$0x1], $0x80, s24, s24, $0xb8;
	[tilespmem:$0x18180] =	vst v63  }
0x9b: {  	_ =	swait.ge [sflag:s25], $0x4000  }
0x9c: {  	s29 =	smov.u32 s0;
	[sflag:s25] =	ssyncset.done $0x0  }
0x9d: {  	s0 =	sadd.s32 s28, s20;
	[sflag:s25] =	ssyncadd.s32 $0xFFFFC000  }
0x9e: {  	[tilespmem:s3], [sflag:$0x2] =	stream.linear.gather [hbm4b:s0+s3], $0x80, $0x38;
	[tilespmem:$0x18180] =	vst v63  }
0x9f: {  	_ =	swait.ge [sflag:s22], $0x80  }
0xa0: {  	[sflag:s22] =	ssyncset.done $0x0  }
0xa1: {  	s30 =	sadd.s32 s28, s19;
	[sflag:s22] =	ssyncadd.s32 $0xFFFFFF80  }
0xa2: {  	[tilespmem:s24], [sflag:$0x2] =	stream.linear.gather [hbm4b:s30+s3], $0x80, $0x38;
	[tilespmem:$0x18180] =	vst v63  }
0xa3: {  	_ =	swait.ge [sflag:s22], $0x80  }
0xa4: {  	[sflag:s22] =	ssyncset.done $0x0  }
0xa5: {  	[sflag:s22] =	ssyncadd.s32 $0xFFFFFF80  }
0xa6: {  	[tilespmem:s21], [sflag:$0x1] =	stream.indirect.gather [hbm4b:s5+s24], $0x80, s3, s24, $0xb8;
	[tilespmem:$0x18180] =	vst v63  }
0xa7: {  	_ =	swait.ge [sflag:s25], $0x4000  }
0xa8: {  	[sflag:s25] =	ssyncset.done $0x0  }
0xa9: {  	[sflag:s25] =	ssyncadd.s32 $0xFFFFC000  }
0xaa: {  	[spmem:s2] =	stream.indirect.scatter.add.f32 [tilespmem:s21], [sflag:$0x1], $0x80, s24, s24, $0xb8;
	[tilespmem:$0x18180] =	vst v63  }
0xab: {  	_ =	swait.ge [sflag:s25], $0x4000  }
0xac: {  	[sflag:s25] =	ssyncset.done $0x0  }
0xad: {  	[sflag:s25] =	ssyncadd.s32 $0xFFFFC000  }
0xae: {  	[bflag:$0x0] =	sbarrier.arrive $0xFFFF  }
0xaf: {  	[tilespmem:s23], [sflag:$0x2] =	stream.linear.gather [hbm4b:s8+s3], $0x80, $0x38;
	[tilespmem:$0x18180] =	vst v63  }
0xb0: {  	_ =	swait.ge [sflag:s22], $0x80  }
0xb1: {  	[sflag:s22] =	ssyncset.done $0x0  }
0xb2: {  	[sflag:s22] =	ssyncadd.s32 $0xFFFFFF80  }
0xb3: {  	[tilespmem:s21], [sflag:$0x1] =	stream.indirect.gather [spmem:s2], $0x80, s23, s24, $0xb8;
	[tilespmem:$0x18180] =	vst v63  }
0xb4: {  	_ =	swait.ge [sflag:s25], $0x4000  }
0xb5: {  	[sflag:s25] =	ssyncset.done $0x0  }
0xb6: {  	s31 =	sadd.s32 s14, s7;
	[sflag:s25] =	ssyncadd.s32 $0xFFFFC000  }
0xb7: {  	[hbm4b:s31+s3] =	stream.linear.scatter [tilespmem:s21], [sflag:$0x2], $0x4000, $0x38;
	[tilespmem:$0x18180] =	vst v63  }
0xb8: {  	_ =	swait.ge [sflag:s22], $0x4000  }
0xb9: {  	[sflag:s22] =	ssyncset.done $0x0  }
0xba: {  	[sflag:s22] =	ssyncadd.s32 $0xFFFFC000  }
0xbb: {  	[tilespmem:s23], [sflag:$0x2] =	stream.linear.gather [hbm4b:s10+s3], $0x80, $0x38;
	[tilespmem:$0x18180] =	vst v63  }
0xbc: {  	_ =	swait.ge [sflag:s22], $0x80  }
0xbd: {  	[sflag:s22] =	ssyncset.done $0x0  }
0xbe: {  	[sflag:s22] =	ssyncadd.s32 $0xFFFFFF80  }
0xbf: {  	[tilespmem:s21], [sflag:$0x1] =	stream.indirect.gather [spmem:s2], $0x80, s23, s24, $0xb8;
	[tilespmem:$0x18180] =	vst v63  }
0xc0: {  	_ =	swait.ge [sflag:s25], $0x4000  }
0xc1: {  	[sflag:s25] =	ssyncset.done $0x0  }
0xc2: {  	s28 =	sadd.s32 s15, s7;
	[sflag:s25] =	ssyncadd.s32 $0xFFFFC000  }
0xc3: {  	[hbm4b:s28+s3] =	stream.linear.scatter [tilespmem:s21], [sflag:$0x2], $0x4000, $0x38;
	[tilespmem:$0x18180] =	vst v63  }
0xc4: {  	_ =	swait.ge [sflag:s22], $0x4000  }
0xc5: {  	[sflag:s22] =	ssyncset.done $0x0  }
0xc6: {  	[sflag:s22] =	ssyncadd.s32 $0xFFFFC000  }
0xc7: {  	[tilespmem:s23], [sflag:$0x2] =	stream.linear.gather [hbm4b:s11+s3], $0x80, $0x38;
	[tilespmem:$0x18180] =	vst v63  }
0xc8: {  	_ =	swait.ge [sflag:s22], $0x80  }
0xc9: {  	[sflag:s22] =	ssyncset.done $0x0  }
0xca: {  	[sflag:s22] =	ssyncadd.s32 $0xFFFFFF80  }
0xcb: {  	[tilespmem:s21], [sflag:$0x1] =	stream.indirect.gather [spmem:s2], $0x80, s23, s24, $0xb8;
	[tilespmem:$0x18180] =	vst v63  }
0xcc: {  	_ =	swait.ge [sflag:s25], $0x4000  }
0xcd: {  	[sflag:s25] =	ssyncset.done $0x0  }
0xce: {  	s29 =	sadd.s32 s16, s7;
	[sflag:s25] =	ssyncadd.s32 $0xFFFFC000  }
0xcf: {  	[hbm4b:s29+s3] =	stream.linear.scatter [tilespmem:s21], [sflag:$0x2], $0x4000, $0x38;
	[tilespmem:$0x18180] =	vst v63  }
0xd0: {  	_ =	swait.ge [sflag:s22], $0x4000  }
0xd1: {  	[sflag:s22] =	ssyncset.done $0x0  }
0xd2: {  	[sflag:s22] =	ssyncadd.s32 $0xFFFFC000  }
0xd3: {  	[tilespmem:s23], [sflag:$0x2] =	stream.linear.gather [hbm4b:s12+s3], $0x80, $0x38;
	[tilespmem:$0x18180] =	vst v63  }
0xd4: {  	_ =	swait.ge [sflag:s22], $0x80  }
0xd5: {  	[sflag:s22] =	ssyncset.done $0x0  }
0xd6: {  	[sflag:s22] =	ssyncadd.s32 $0xFFFFFF80  }
0xd7: {  	[tilespmem:s21], [sflag:$0x1] =	stream.indirect.gather [spmem:s2], $0x80, s23, s24, $0xb8;
	[tilespmem:$0x18180] =	vst v63  }
0xd8: {  	_ =	swait.ge [sflag:s25], $0x4000  }
0xd9: {  	[sflag:s25] =	ssyncset.done $0x0  }
0xda: {  	s30 =	sadd.s32 s17, s7;
	[sflag:s25] =	ssyncadd.s32 $0xFFFFC000  }
0xdb: {  	[hbm4b:s30+s3] =	stream.linear.scatter [tilespmem:s21], [sflag:$0x2], $0x4000, $0x38;
	[tilespmem:$0x18180] =	vst v63  }
0xdc: {  	_ =	swait.ge [sflag:s22], $0x4000  }
0xdd: {  	[sflag:s22] =	ssyncset.done $0x0  }
0xde: {  	[sflag:s22] =	ssyncadd.s32 $0xFFFFC000  }
0xdf: {  	[tilespmem:s23], [sflag:$0x2] =	stream.linear.gather [hbm4b:s13+s3], $0x80, $0x38;
	[tilespmem:$0x18180] =	vst v63  }
0xe0: {  	_ =	swait.ge [sflag:s22], $0x80  }
0xe1: {  	[sflag:s22] =	ssyncset.done $0x0  }
0xe2: {  	[sflag:s22] =	ssyncadd.s32 $0xFFFFFF80  }
0xe3: {  	[tilespmem:s21], [sflag:$0x1] =	stream.indirect.gather [spmem:s2], $0x80, s23, s24, $0xb8;
	[tilespmem:$0x18180] =	vst v63  }
0xe4: {  	s26 =	sadd.s32 $0x1, s26;
	_ =	swait.ge [sflag:s25], $0x4000  }
0xe5: {  	p0 =	sne.s32 s26, s9;
	[sflag:s25] =	ssyncset.done $0x0  }
.Ltmp1:
0xe6: {  	s31 =	sadd.s32 s18, s7;
	[sflag:s25] =	ssyncadd.s32 $0xFFFFC000;
	(pc) =	sbr.rel @p0 .LBB2_1-.Ltmp1, $4  }
0xe7: {  	[hbm4b:s31+s3] =	stream.linear.scatter [tilespmem:s21], [sflag:$0x2], $0x4000, $0x38;
	[tilespmem:$0x18180] =	vst v63  }
0xe8: {  	_ =	swait.ge [sflag:s22], $0x4000  }
0xe9: {  	[sflag:s22] =	ssyncset.done $0x0  }
0xea: {  	[sflag:s22] =	ssyncadd.s32 $0xFFFFC000  }
0xeb: {  	_ =	sfence.sel $0x180000  }
0xec: {  	[bflag:$0x0] =	sbarrier.arrive $0xFFFF  }
0xed: {  	_ =	strace $0x9000004D  }
0xee: {  	[bflag:$0x2] =	sbarrier.arrive $0xFFFF  }
0xef: {  	p0 =	sne.s32 s4, $0x0;
	s0 =	rddreg [dreg:$0x3]  }
0xf0: {  	s0 =	sadd.s32 @!p0 $0x100000, s0  }
0xf1: {  	[sflag:s0] =	ssyncadd.tile.s32 @!p0 $0x1;
	_ =	shalt  }
.Lfunc_end2:
_tile_overlayer_lowered:
.L_overlay_start_2:
0xf2: {  	(tag) =	ssettag $0x2  }
0xf3: {  	s0 =	rddreg [dreg:$0x0];
	s2 =	stileid.u32  }
0xf4: {  	s1 =	rddreg [dreg:$0x1];
	p0 =	sne.s32 s2, $0x0  }
0xf5: {  	s3 =	rddreg [dreg:$0x2];
	[bflag:$0x3] =	sbarrier.arrive $0xFFFF;
	s2 =	simm.s32 @!p0 $0x1C02  }
0xf6: {  	[timem:s3], [sflag:s2] =	dma.local @!p0 [hbm:s0], s1  }
0xf7: {  	s0 =	simm.s32 @!p0 $0x2  }
0xf8: {  	_ =	swait.ge @!p0 [sflag:s0], s1  }
0xf9: {  	s1 =	ssub.s32 @!p0 $0x0, s1;
	[sflag:s0] =	ssyncset.done @!p0 $0x0  }
0xfa: {  	[sflag:s0] =	ssyncadd.s32 @!p0 s1  }
0xfb: {  	[bflag:$0x3] =	sbarrier.arrive $0xFFFF  }
0xfc: {  	_ =	shalt  }

// kernel: kernel.7.cloned.1.call-start
scs
__scs_entry_jumppad:
0x0: {  	(pc) =	sbr.rel $0x88, $3  }
0x1: {  	(tag) =	ssettag $0x0;
	lr =	simm.s32 $0x1  }
0x2: {  	[smem:$0x3F8F] =	sst lr;
	_ =	strace $0xD0000000  }
0x3: {  	_ = 	snop  }
0x4: {  	_ = 	snop  }
0x5: {  	_ = 	snop  }
0x6: {  	_ = 	snop  }
0x7: {  	_ = 	snop  }
__scs_overlays_trampoline_lowered:
0x8: {  	[smem:$0x3F9E] =	sst s0  }
0x9: {  	[smem:$0x3F9F] =	sst s1  }
0xa: {  	[smem:$0x3FA0] =	sst s2  }
0xb: {  	[smem:$0x3FA1] =	sst s3  }
0xc: {  	[smem:$0x3FA2] =	sst s4  }
0xd: {  	[smem:$0x3FA3] =	sst s5  }
0xe: {  	[smem:$0x3FA4] =	sst s6  }
0xf: {  	[smem:$0x3FA5] =	sst s7  }
0x10: {  	[smem:$0x3FA6] =	sst s8  }
0x11: {  	[smem:$0x3FA7] =	sst s9;
	s0 =	simm.s32 @!p0 $0x0  }
0x12: {  	s1 =	sld [smem:$0x3F8D];
	s0 =	simm.s32 @p0 $0x1  }
0x13: {  	[smem:$0x3FA8] =	sst s0;
	s0 =	simm.s32 @!p1 $0x0  }
0x14: {  	s2 =	sld [smem:$0x3F8C];
	s0 =	simm.s32 @p1 $0x1  }
0x15: {  	[smem:$0x3FA9] =	sst s0;
	s0 =	simm.s32 @!p2 $0x0  }
0x16: {  	s3 =	sld [smem:$0x3FDB];
	s0 =	simm.s32 @p2 $0x1  }
0x17: {  	s4 =	simm.s32 $0x1BF5;
	[smem:$0x3FAB] =	sst s0  }
0x18: {  	s0 =	sld [smem:$0x3F8E];
	_ =	swait.ge [sflag:s4], $0x0  }
0x19: {  	s7 =	sld [smem:$0x3F8F]  }
0x1a: {  	s8 =	sadd.s32 $0xFFFFE003, lr  }
0x1b: {  	s9 =	sadd.s32 $0xFFFFFEF7, lr;
	s5 =	simm.s32 $0xFFFFFFFF;
	p2 =	slt.u32 s8, $0xFFFFF086  }
0x1c: {  	p1 =	slt.u32 s9, $0xF7A;
	s5 =	simm.s32 @!p2 $0x0  }
0x1d: {  	s5 =	simm.s32 @p1 $0x1;
	p0 =	seq.s32 s7, s2  }
0x1e: {  	s7 =	smul.u32 @!p0 $0xF7A, s2;
	p2 =	seq.s32 @!p0 s5, $0x0  }
0x1f: {  	s9 =	smul.u32 $0xF7A, s1;
	s8 =	simm.s32 @!p0 $0x1BF5;
	p2 =	por !p2, p0  }
0x20: {  	[sflag:s8] =	ssyncset.s32 @!p0 $0xFFFFF086;
	s6 =	sadd.s32 @!p0 s3, s7;
	s7 =	simm.s32 @!p0 $0x108  }
0x21: {  	s3 =	sadd.s32 s3, s9;
	s6 =	sadd.s32 @!p0 $0x88, s6;
	s7 =	simm.s32 @p2 $0x1082  }
0x22: {  	[simem:s7], [sflag:s8] =	dma.local @!p0 [hbm:s6], $0xF7A  }
0x23: {  	s9 =	sor.u32 $0xD0000000, s2;
	s6 =	simm.s32 $0x108;
	_ =	swait.ge @!p0 [sflag:s8], $0x0  }
0x24: {  	s3 =	sadd.s32 $0x88, s3;
	s6 =	simm.s32 @!p1 $0x1082;
	[sflag:s4] =	ssyncset.s32 $0xFFFFF086  }
0x25: {  	[simem:s6], [sflag:s4] =	dma.local [hbm:s3], $0xF7A  }
0x26: {  	[smem:$0x3F8F] =	sst s1;
	(tag) =	ssettag s2;
	_ =	strace s9  }
0x27: {  	s1 =	sld [smem:$0x3F9F]  }
0x28: {  	s2 =	sld [smem:$0x3FA0]  }
0x29: {  	s4 =	sld [smem:$0x3FA2]  }
0x2a: {  	p0 =	seq.s32 s5, $0x0;
	s5 =	sld [smem:$0x3FA3]  }
0x2b: {  	s6 =	sld [smem:$0x3FA4]  }
0x2c: {  	s7 =	sld [smem:$0x3FA5]  }
0x2d: {  	s3 =	simm.s32 $0x108;
	s8 =	sld [smem:$0x3FA6]  }
0x2e: {  	s3 =	simm.s32 @!p0 $0x1082;
	s9 =	sld [smem:$0x3FA7]  }
0x2f: {  	lr =	sadd.s32 s0, s3;
	s0 =	sld [smem:$0x3F9E]  }
0x30: {  	s3 =	sld [smem:$0x3FA1]  }
0x31: {  	[smem:$0x3FAA] =	sst s10  }
0x32: {  	s10 =	sld [smem:$0x3FA8];
	_ =	sdelay $0x3  }
0x33: {  	p0 =	seq.s32 s10, $0x1;
	s10 =	sld [smem:$0x3FAA];
	_ =	sdelay $0x3  }
0x34: {  	[smem:$0x3FAA] =	sst s10  }
0x35: {  	s10 =	sld [smem:$0x3FA9];
	_ =	sdelay $0x3  }
0x36: {  	p1 =	seq.s32 s10, $0x1;
	s10 =	sld [smem:$0x3FAA];
	_ =	sdelay $0x3  }
0x37: {  	[smem:$0x3FAA] =	sst s10  }
0x38: {  	s10 =	sld [smem:$0x3FAB]  }
0x39: {  	_ = 	snop;
	(pc) =	sbr.ind lr, $3  }
0x3a: {  	_ = 	snop  }
0x3b: {  	_ = 	snop  }
0x3c: {  	p2 =	seq.s32 s10, $0x1;
	s10 =	sld [smem:$0x3FAA]  }
0x3d: {  	_ =	shalt  }
0x3e: {  	_ =	shalt  }
0x3f: {  	_ =	shalt  }
0x40: {  	_ =	shalt  }
0x41: {  	_ =	shalt  }
0x42: {  	_ =	shalt  }
0x43: {  	_ =	shalt  }
0x44: {  	_ =	shalt  }
0x45: {  	_ =	shalt  }
0x46: {  	_ =	shalt  }
0x47: {  	_ =	shalt  }
0x48: {  	_ =	shalt  }
0x49: {  	_ =	shalt  }
0x4a: {  	_ =	shalt  }
0x4b: {  	_ =	shalt  }
0x4c: {  	_ =	shalt  }
0x4d: {  	_ =	shalt  }
0x4e: {  	_ =	shalt  }
0x4f: {  	_ =	shalt  }
0x50: {  	_ =	shalt  }
0x51: {  	_ =	shalt  }
0x52: {  	_ =	shalt  }
0x53: {  	_ =	shalt  }
0x54: {  	_ =	shalt  }
0x55: {  	_ =	shalt  }
0x56: {  	_ =	shalt  }
0x57: {  	_ =	shalt  }
0x58: {  	_ =	shalt  }
0x59: {  	_ =	shalt  }
0x5a: {  	_ =	shalt  }
0x5b: {  	_ =	shalt  }
0x5c: {  	_ =	shalt  }
0x5d: {  	_ =	shalt  }
0x5e: {  	_ =	shalt  }
0x5f: {  	_ =	shalt  }
0x60: {  	_ =	shalt  }
0x61: {  	_ =	shalt  }
0x62: {  	_ =	shalt  }
0x63: {  	_ =	shalt  }
0x64: {  	_ =	shalt  }
0x65: {  	_ =	shalt  }
0x66: {  	_ =	shalt  }
0x67: {  	_ =	shalt  }
0x68: {  	_ =	shalt  }
0x69: {  	_ =	shalt  }
0x6a: {  	_ =	shalt  }
0x6b: {  	_ =	shalt  }
0x6c: {  	_ =	shalt  }
0x6d: {  	_ =	shalt  }
0x6e: {  	_ =	shalt  }
0x6f: {  	_ =	shalt  }
0x70: {  	_ =	shalt  }
0x71: {  	_ =	shalt  }
0x72: {  	_ =	shalt  }
0x73: {  	_ =	shalt  }
0x74: {  	_ =	shalt  }
0x75: {  	_ =	shalt  }
0x76: {  	_ =	shalt  }
0x77: {  	_ =	shalt  }
0x78: {  	_ =	shalt  }
0x79: {  	_ =	shalt  }
0x7a: {  	_ =	shalt  }
0x7b: {  	_ =	shalt  }
0x7c: {  	_ =	shalt  }
0x7d: {  	_ =	shalt  }
0x7e: {  	_ =	shalt  }
0x7f: {  	_ =	shalt  }
0x80: {  	_ =	shalt  }
0x81: {  	_ =	shalt  }
0x82: {  	_ =	shalt  }
0x83: {  	_ =	shalt  }
0x84: {  	_ =	shalt  }
0x85: {  	_ =	shalt  }
0x86: {  	_ =	shalt  }
0x87: {  	_ =	shalt  }
.Lfunc_end0:
.L_simem_size_0:
called_computation_lowered:
.L_overlay_start_0:
0x88: {  	s2 =	sld [smem:$0x3FD9]  }
0x89: {  	s3 =	sld [smem:$0x3FFE];
	_ =	sdelay $0x1  }
0x8a: {  	s1 =	srdreg.scid  }
0x8b: {  	s0 =	sand.u32 $0x1, s1  }
0x8c: {  	s17 =	sshll.u32 s0, $0xA;
	s2 =	sadd.s32 s3, s2  }
0x8d: {  	s2 =	sadd.s32 s2, s17  }
0x8e: {  	[smem:$0x3FB6] =	sst s2  }
0x8f: {  	_ = 	snop  }
0x90: {  	s18 =	sld [smem:$0x3FD0];
	(tm) =	ssettm $0x1  }
0x91: {  	s19 =	sld [smem:$0x3FFB];
	_ =	sdelay $0x3  }
0x92: {  	_ =	strace s19  }
0x93: {  	s2 =	sld [smem:$0x3FFC];
	_ =	sdelay $0x3  }
0x94: {  	_ =	strace s2  }
0x95: {  	s2 =	sld [smem:$0x3FFD];
	_ =	sdelay $0x3  }
0x96: {  	_ =	strace s2  }
0x97: {  	_ =	strace $0x8FFFFFFF  }
0x98: {  	s20 =	sld [smem:$0x3FDB];
	_ =	sdelay $0x1  }
0x99: {  	s4 =	simm.s32 $_scs_section_size  }
0x9a: {  	s5 =	simm.s32 $_size__tile_overlayer_lowered;
	s6 =	simm.s32 $_tile_overlayer_lowered  }
0x9b: {  	s7 =	simm.s32 $0x1BFF;
	s21 =	sshll.u32 s6, $0x1;
	s4 =	sadd.s32 s4, s20  }
0x9c: {  	s22 =	simm.s32 $0x0;
	s5 =	sshll.u32 s5, $0x1;
	s6 =	sadd.s32 s21, s4  }
0x9d: {  	[timem:s22], [sflag:s7] =	dma.local [hbm:s6], s5  }
0x9e: {  	_ =	swait.ge [sflag:s7], s5  }
0x9f: {  	s5 =	ssub.s32 $0x0, s5;
	[sflag:s7] =	ssyncset.done $0x0  }
0xa0: {  	[sflag:s7] =	ssyncadd.s32 s5;
	_ =	sdelay $0x1  }
0xa1: {  	s23 =	simm.s32 $0x1B8B  }
0xa2: {  	_ =	swait.ge [sflag:s23], $0x1  }
0xa3: {  	[sflag:s23] =	ssyncset.done $0x0  }
0xa4: {  	[sflag:s23] =	ssyncadd.s32 $0xFFFFFFFF  }
0xa5: {  	s5 =	sld [smem:$0x0]  }
0xa6: {  	s6 =	sand.u32 $0xFFFFFFFE, s1  }
0xa7: {  	p0 =	sne.s32 s1, s6  }
0xa8: {  	s6 =	sshll.u32 @p0 s6, $0xE  }
0xa9: {  	s6 =	sadd.s32 @p0 $0x11B8D, s6;
	s7 =	sshll.u32 @p0 s5, $0x11  }
0xaa: {  	s6 =	sor.u32 @p0 s7, s6  }
0xab: {  	[sflag:s6] =	ssyncadd.remote.s32 @p0 $0x1;
	_ =	sdelay $0x1  }
0xac: {  	s6 =	simm.s32 @p0 $0x1B8D  }
0xad: {  	_ =	swait.eq @p0 [sflag:s6], $0x1  }
0xae: {  	[sflag:s6] =	ssyncadd.s32 @p0 $0xFFFFFFFF  }
0xaf: {  	s7 =	sshll.u32 @!p0 s1, $0xE  }
0xb0: {  	s7 =	sor.u32 @!p0 $0x4000, s7;
	s6 =	simm.s32 @!p0 $0x1B8D  }
0xb1: {  	s5 =	sshll.u32 @!p0 s5, $0x11;
	s7 =	sadd.s32 @!p0 $0x11B8D, s7;
	_ =	swait.eq @!p0 [sflag:s6], $0x1  }
0xb2: {  	s5 =	sor.u32 @!p0 s5, s7;
	[sflag:s6] =	ssyncadd.s32 @!p0 $0xFFFFFFFF  }
0xb3: {  	s25 =	simm.s32 $0x1B8E;
	s24 =	sld [smem:$0x3FFE];
	[sflag:s5] =	ssyncadd.remote.s32 @!p0 $0x1  }
0xb4: {  	s26 =	simm.s32 $execute0_lowered;
	[smem:$0x3FD2] =	sst s25  }
0xb5: {  	s6 =	sshll.u32 s26, $0x1;
	_ =	strace $0x80000049;
	[dreg:$0x1] =	wrdreg $0xFFFFFFFF  }
0xb6: {  	s28 =	simm.s32 $_size_execute0_lowered;
	s4 =	sadd.s32 s4, s6;
	[dreg:$0x0] =	wrdreg $0x0  }
0xb7: {  	s6 =	sshll.u32 s28, $0x1;
	[dreg:$0x2] =	wrdreg s4  }
0xb8: {  	[dreg:$0x3] =	wrdreg s6  }
0xb9: {  	[dreg:$0x4] =	wrdreg $0xC0  }
0xba: {  	_ =	task [dreg:s22], $0x5FFFF  }
0xbb: {  	[dreg:$0x1] =	wrdreg $0xFFFFFFFF  }
0xbc: {  	[dreg:$0x0] =	wrdreg $0x60  }
0xbd: {  	[dreg:$0x2] =	wrdreg s24  }
0xbe: {  	[dreg:$0x3] =	wrdreg s18  }
0xbf: {  	[dreg:$0x4] =	wrdreg $0x41800  }
0xc0: {  	[dreg:$0x5] =	wrdreg $0x9  }
0xc1: {  	_ =	task.clear_ibuf [dreg:s22], $0x6FFFF;
	_ =	strace $0x90000049  }
0xc2: {  	s29 =	simm.s32 $0x9;
	_ =	strace $0x8000004B  }
0xc3: {  	_ =	swait.ge [sflag:s29], $0x1  }
0xc4: {  	[sflag:s29] =	ssyncadd.s32 $0xFFFFFFFF  }
0xc5: {  	_ =	strace $0x9000004B  }
0xc6: {  	_ =	sfence  }
0xc7: {  	s30 =	sld [smem:$0x0];
	_ =	sdelay $0x2  }
0xc8: {  	s31 =	sshll.u32 s1, $0xD;
	s1 =	sshrl.u32 s1, $0x2  }
0xc9: {  	s4 =	sand.u32 $0x4000, s31;
	s1 =	sadd.s32 s1, s30  }
0xca: {  	s0 =	sor.u32 s4, s0;
	s1 =	sshll.u32 s1, $0x11  }
0xcb: {  	s0 =	sor.u32 s1, s0  }
0xcc: {  	s0 =	sadd.s32 $0x8F2B, s0  }
0xcd: {  	[sflag:s0] =	ssyncadd.remote.s32 $0x1  }
0xce: {  	_ =	sfence.sel $0xFFFF  }
0xcf: {  	[dreg:$0x0] =	wrdreg $0xFFFFFFFF;
	(pc) =	sbr.abs _section_cstart, $3  }
0xd0: {  	[dreg:$0x1] =	wrdreg $0xFFFFFFFF  }
0xd1: {  	_ =	task.clear_ibuf [dreg:s22], $0x2FFFF;
	_ =	strace $0x9FFFFFFF  }
0xd2: {  	(tm) =	ssettm $0x7FFFFFFF  }
0xd3: {  	_ =	shalt  }
tec
execute0_lowered:
.L_overlay_start_1:
0x0: {  	(tag) =	ssettag $0x1  }
0x1: {  	s6 =	rddreg [dreg:$0x0]  }
0x2: {  	s1 =	rddreg [dreg:$0x1]  }
0x3: {  	s2 =	rddreg [dreg:$0x2]  }
0x4: {  	s4 =	srdreg.scid;
	s3 =	simm.s32 $0x0;
	s21 =	simm.s32 $0x180  }
0x5: {  	s22 =	simm.s32 $0x2;
	s23 =	simm.s32 $0x100;
	s24 =	simm.s32 $0x80  }
0x6: {  	s25 =	simm.s32 $0x1;
	s26 =	simm.s32 $0x0;
	s7 =	sand.u32 $0x1, s4  }
0x7: {  	[smem:$0x7FF] =	sst s3;
	s5 =	sadd.s32 $0xE0C00, s6;
	s4 =	smul.u32 $0x4F00, s7  }
0x8: {  	s13 =	sadd.s32 $0x18600, s6;
	_ =	strace $0x8000004A;
	s8 =	smul.u32 $0x28000, s7  }
0x9: {  	s7 =	ssub.s32 $0x2, s7;
	s18 =	sadd.s32 s4, s6;
	s4 =	stileid.u32  }
0xa: {  	s29 =	sshrl.u32 s7, $0x1;
	s8 =	sadd.s32 s8, s6;
	s12 =	smul.u32 $0x280, s4  }
0xb: {  	s9 =	ssub.s32 s7, s29;
	s6 =	sadd.s32 $0x158C00, s8;
	s7 =	sadd.s32 $0x108C00, s8  }
0xc: {  	s9 =	smax.u32 s9, $0x1;
	s20 =	smul.u32 $0x4F0, s4;
	s10 =	sshrl.u32 s12, $0x3  }
0xd: {  	s15 =	sadd.s32 $0x80, s12;
	s16 =	sadd.s32 $0x100, s12;
	s17 =	sadd.s32 $0x180, s12  }
0xe: {  	s19 =	sadd.s32 $0x200, s12;
	s20 =	sadd.s32 s20, s18;
	s8 =	sadd.s32 s13, s10  }
0xf: {  	s30 =	sshrl.u32 s15, $0x3;
	s11 =	sshrl.u32 s16, $0x3;
	s14 =	sshrl.u32 s17, $0x3  }
0x10: {  	s31 =	sshrl.u32 s19, $0x3;
	s15 =	sshll.u32 s15, $0x4;
	s16 =	sshll.u32 s16, $0x4  }
0x11: {  	s17 =	sshll.u32 s17, $0x4;
	s18 =	sshll.u32 s19, $0x4;
	s19 =	sadd.s32 $0xE800, s20  }
0x12: {  	s20 =	sadd.s32 $0x4A00, s20;
	s10 =	sadd.s32 s13, s30;
	s11 =	sadd.s32 s13, s11  }
0x13: {  	s12 =	sadd.s32 s13, s14;
	s13 =	sadd.s32 s13, s31;
	s14 =	smul.u32 $0x2800, s4  }
.LBB2_1:
0x14: {  	[tilespmem:s21], [sflag:$0x2] =	stream.linear.gather [hbm4b:s1+s3], $0x4000, $0x38;
	[tilespmem:$0x18180] =	vst v63  }
0x15: {  	_ =	swait.ge [sflag:s22], $0x4000  }
0x16: {  	[sflag:s22] =	ssyncset.done $0x0  }
0x17: {  	[sflag:s22] =	ssyncadd.s32 $0xFFFFC000  }
0x18: {  	[tilespmem:s23], [sflag:$0x2] =	stream.linear.gather [hbm4b:s8+s3], $0x80, $0x38;
	[tilespmem:$0x18180] =	vst v63  }
0x19: {  	_ =	swait.ge [sflag:s22], $0x80  }
0x1a: {  	[sflag:s22] =	ssyncset.done $0x0  }
0x1b: {  	[sflag:s22] =	ssyncadd.s32 $0xFFFFFF80  }
0x1c: {  	[spmem:s2] =	stream.indirect.scatter [tilespmem:s21], [sflag:$0x1], $0x80, s23, s24, $0xb8;
	[tilespmem:$0x18180] =	vst v63  }
0x1d: {  	_ =	swait.ge [sflag:s25], $0x4000  }
0x1e: {  	[sflag:s25] =	ssyncset.done $0x0  }
0x1f: {  	[sflag:s25] =	ssyncadd.s32 $0xFFFFC000  }
0x20: {  	[tilespmem:s23], [sflag:$0x2] =	stream.linear.gather [hbm4b:s10+s3], $0x80, $0x38;
	[tilespmem:$0x18180] =	vst v63  }
0x21: {  	_ =	swait.ge [sflag:s22], $0x80  }
0x22: {  	[sflag:s22] =	ssyncset.done $0x0  }
0x23: {  	[sflag:s22] =	ssyncadd.s32 $0xFFFFFF80  }
0x24: {  	[spmem:s2] =	stream.indirect.scatter [tilespmem:s21], [sflag:$0x1], $0x80, s23, s24, $0xb8;
	[tilespmem:$0x18180] =	vst v63  }
0x25: {  	_ =	swait.ge [sflag:s25], $0x4000  }
0x26: {  	[sflag:s25] =	ssyncset.done $0x0  }
0x27: {  	[sflag:s25] =	ssyncadd.s32 $0xFFFFC000  }
0x28: {  	[tilespmem:s23], [sflag:$0x2] =	stream.linear.gather [hbm4b:s11+s3], $0x80, $0x38;
	[tilespmem:$0x18180] =	vst v63  }
0x29: {  	_ =	swait.ge [sflag:s22], $0x80  }
0x2a: {  	[sflag:s22] =	ssyncset.done $0x0  }
0x2b: {  	[sflag:s22] =	ssyncadd.s32 $0xFFFFFF80  }
0x2c: {  	[spmem:s2] =	stream.indirect.scatter [tilespmem:s21], [sflag:$0x1], $0x80, s23, s24, $0xb8;
	[tilespmem:$0x18180] =	vst v63  }
0x2d: {  	_ =	swait.ge [sflag:s25], $0x4000  }
0x2e: {  	[sflag:s25] =	ssyncset.done $0x0  }
0x2f: {  	[sflag:s25] =	ssyncadd.s32 $0xFFFFC000  }
0x30: {  	[tilespmem:s23], [sflag:$0x2] =	stream.linear.gather [hbm4b:s12+s3], $0x80, $0x38;
	[tilespmem:$0x18180] =	vst v63  }
0x31: {  	_ =	swait.ge [sflag:s22], $0x80  }
0x32: {  	[sflag:s22] =	ssyncset.done $0x0  }
0x33: {  	[sflag:s22] =	ssyncadd.s32 $0xFFFFFF80  }
0x34: {  	[spmem:s2] =	stream.indirect.scatter [tilespmem:s21], [sflag:$0x1], $0x80, s23, s24, $0xb8;
	[tilespmem:$0x18180] =	vst v63  }
0x35: {  	_ =	swait.ge [sflag:s25], $0x4000  }
0x36: {  	[sflag:s25] =	ssyncset.done $0x0  }
0x37: {  	[sflag:s25] =	ssyncadd.s32 $0xFFFFC000  }
0x38: {  	[tilespmem:s23], [sflag:$0x2] =	stream.linear.gather [hbm4b:s13+s3], $0x80, $0x38;
	[tilespmem:$0x18180] =	vst v63  }
0x39: {  	_ =	swait.ge [sflag:s22], $0x80  }
0x3a: {  	[sflag:s22] =	ssyncset.done $0x0  }
0x3b: {  	[sflag:s22] =	ssyncadd.s32 $0xFFFFFF80  }
0x3c: {  	[spmem:s2] =	stream.indirect.scatter [tilespmem:s21], [sflag:$0x1], $0x80, s23, s24, $0xb8;
	[tilespmem:$0x18180] =	vst v63  }
0x3d: {  	_ =	swait.ge [sflag:s25], $0x4000  }
0x3e: {  	[sflag:s25] =	ssyncset.done $0x0  }
0x3f: {  	[sflag:s25] =	ssyncadd.s32 $0xFFFFC000  }
0x40: {  	[tilespmem:s23], [sflag:$0x2] =	stream.linear.gather [hbm4b:s8+s3], $0x80, $0x38;
	[tilespmem:$0x18180] =	vst v63  }
0x41: {  	_ =	swait.ge [sflag:s22], $0x80  }
0x42: {  	[sflag:s22] =	ssyncset.done $0x0  }
0x43: {  	[sflag:s22] =	ssyncadd.s32 $0xFFFFFF80  }
0x44: {  	[tilespmem:s21], [sflag:$0x1] =	stream.indirect.gather [spmem:s2], $0x80, s23, s24, $0xb8;
	[tilespmem:$0x18180] =	vst v63  }
0x45: {  	_ =	swait.ge [sflag:s25], $0x4000  }
0x46: {  	[sflag:s25] =	ssyncset.done $0x0  }
0x47: {  	s28 =	sadd.s32 s14, s6;
	[sflag:s25] =	ssyncadd.s32 $0xFFFFC000  }
0x48: {  	[hbm4b:s28+s3] =	stream.linear.scatter [tilespmem:s21], [sflag:$0x2], $0x4000, $0x38;
	[tilespmem:$0x18180] =	vst v63  }
0x49: {  	_ =	swait.ge [sflag:s22], $0x4000  }
0x4a: {  	[sflag:s22] =	ssyncset.done $0x0  }
0x4b: {  	[sflag:s22] =	ssyncadd.s32 $0xFFFFC000  }
0x4c: {  	[tilespmem:s23], [sflag:$0x2] =	stream.linear.gather [hbm4b:s10+s3], $0x80, $0x38;
	[tilespmem:$0x18180] =	vst v63  }
0x4d: {  	_ =	swait.ge [sflag:s22], $0x80  }
0x4e: {  	[sflag:s22] =	ssyncset.done $0x0  }
0x4f: {  	[sflag:s22] =	ssyncadd.s32 $0xFFFFFF80  }
0x50: {  	[tilespmem:s21], [sflag:$0x1] =	stream.indirect.gather [spmem:s2], $0x80, s23, s24, $0xb8;
	[tilespmem:$0x18180] =	vst v63  }
0x51: {  	_ =	swait.ge [sflag:s25], $0x4000  }
0x52: {  	[sflag:s25] =	ssyncset.done $0x0  }
0x53: {  	s28 =	sadd.s32 s15, s6;
	[sflag:s25] =	ssyncadd.s32 $0xFFFFC000  }
0x54: {  	[hbm4b:s28+s3] =	stream.linear.scatter [tilespmem:s21], [sflag:$0x2], $0x4000, $0x38;
	[tilespmem:$0x18180] =	vst v63  }
0x55: {  	_ =	swait.ge [sflag:s22], $0x4000  }
0x56: {  	[sflag:s22] =	ssyncset.done $0x0  }
0x57: {  	[sflag:s22] =	ssyncadd.s32 $0xFFFFC000  }
0x58: {  	[tilespmem:s23], [sflag:$0x2] =	stream.linear.gather [hbm4b:s11+s3], $0x80, $0x38;
	[tilespmem:$0x18180] =	vst v63  }
0x59: {  	_ =	swait.ge [sflag:s22], $0x80  }
0x5a: {  	[sflag:s22] =	ssyncset.done $0x0  }
0x5b: {  	[sflag:s22] =	ssyncadd.s32 $0xFFFFFF80  }
0x5c: {  	[tilespmem:s21], [sflag:$0x1] =	stream.indirect.gather [spmem:s2], $0x80, s23, s24, $0xb8;
	[tilespmem:$0x18180] =	vst v63  }
0x5d: {  	_ =	swait.ge [sflag:s25], $0x4000  }
0x5e: {  	[sflag:s25] =	ssyncset.done $0x0  }
0x5f: {  	s28 =	sadd.s32 s16, s6;
	[sflag:s25] =	ssyncadd.s32 $0xFFFFC000  }
0x60: {  	[hbm4b:s28+s3] =	stream.linear.scatter [tilespmem:s21], [sflag:$0x2], $0x4000, $0x38;
	[tilespmem:$0x18180] =	vst v63  }
0x61: {  	_ =	swait.ge [sflag:s22], $0x4000  }
0x62: {  	[sflag:s22] =	ssyncset.done $0x0  }
0x63: {  	[sflag:s22] =	ssyncadd.s32 $0xFFFFC000  }
0x64: {  	[tilespmem:s23], [sflag:$0x2] =	stream.linear.gather [hbm4b:s12+s3], $0x80, $0x38;
	[tilespmem:$0x18180] =	vst v63  }
0x65: {  	_ =	swait.ge [sflag:s22], $0x80  }
0x66: {  	[sflag:s22] =	ssyncset.done $0x0  }
0x67: {  	[sflag:s22] =	ssyncadd.s32 $0xFFFFFF80  }
0x68: {  	[tilespmem:s21], [sflag:$0x1] =	stream.indirect.gather [spmem:s2], $0x80, s23, s24, $0xb8;
	[tilespmem:$0x18180] =	vst v63  }
0x69: {  	_ =	swait.ge [sflag:s25], $0x4000  }
0x6a: {  	[sflag:s25] =	ssyncset.done $0x0  }
0x6b: {  	s28 =	sadd.s32 s17, s6;
	[sflag:s25] =	ssyncadd.s32 $0xFFFFC000  }
0x6c: {  	[hbm4b:s28+s3] =	stream.linear.scatter [tilespmem:s21], [sflag:$0x2], $0x4000, $0x38;
	[tilespmem:$0x18180] =	vst v63  }
0x6d: {  	_ =	swait.ge [sflag:s22], $0x4000  }
0x6e: {  	[sflag:s22] =	ssyncset.done $0x0  }
0x6f: {  	[sflag:s22] =	ssyncadd.s32 $0xFFFFC000  }
0x70: {  	[tilespmem:s23], [sflag:$0x2] =	stream.linear.gather [hbm4b:s13+s3], $0x80, $0x38;
	[tilespmem:$0x18180] =	vst v63  }
0x71: {  	_ =	swait.ge [sflag:s22], $0x80  }
0x72: {  	[sflag:s22] =	ssyncset.done $0x0  }
0x73: {  	[sflag:s22] =	ssyncadd.s32 $0xFFFFFF80  }
0x74: {  	[tilespmem:s21], [sflag:$0x1] =	stream.indirect.gather [spmem:s2], $0x80, s23, s24, $0xb8;
	[tilespmem:$0x18180] =	vst v63  }
0x75: {  	_ =	swait.ge [sflag:s25], $0x4000  }
0x76: {  	[sflag:s25] =	ssyncset.done $0x0  }
0x77: {  	s28 =	sadd.s32 s18, s6;
	[sflag:s25] =	ssyncadd.s32 $0xFFFFC000  }
0x78: {  	[hbm4b:s28+s3] =	stream.linear.scatter [tilespmem:s21], [sflag:$0x2], $0x4000, $0x38;
	[tilespmem:$0x18180] =	vst v63  }
0x79: {  	_ =	swait.ge [sflag:s22], $0x4000  }
0x7a: {  	[sflag:s22] =	ssyncset.done $0x0  }
0x7b: {  	[sflag:s22] =	ssyncadd.s32 $0xFFFFC000  }
0x7c: {  	s28 =	sadd.s32 $0x0, s20;
	[bflag:$0x0] =	sbarrier.arrive $0xFFFF  }
0x7d: {  	[tilespmem:s3], [sflag:$0x2] =	stream.linear.gather [hbm4b:s28+s3], $0x80, $0x38;
	[tilespmem:$0x18180] =	vst v63  }
0x7e: {  	_ =	swait.ge [sflag:s22], $0x80  }
0x7f: {  	[sflag:s22] =	ssyncset.done $0x0  }
0x80: {  	s28 =	sadd.s32 $0x0, s19;
	[sflag:s22] =	ssyncadd.s32 $0xFFFFFF80  }
0x81: {  	[tilespmem:s24], [sflag:$0x2] =	stream.linear.gather [hbm4b:s28+s3], $0x80, $0x38;
	[tilespmem:$0x18180] =	vst v63  }
0x82: {  	_ =	swait.ge [sflag:s22], $0x80  }
0x83: {  	[sflag:s22] =	ssyncset.done $0x0  }
0x84: {  	[sflag:s22] =	ssyncadd.s32 $0xFFFFFF80  }
0x85: {  	[tilespmem:s21], [sflag:$0x1] =	stream.indirect.gather [hbm4b:s5+s24], $0x80, s3, s24, $0xb8;
	[tilespmem:$0x18180] =	vst v63  }
0x86: {  	_ =	swait.ge [sflag:s25], $0x4000  }
0x87: {  	[sflag:s25] =	ssyncset.done $0x0  }
0x88: {  	[sflag:s25] =	ssyncadd.s32 $0xFFFFC000  }
0x89: {  	[spmem:s2] =	stream.indirect.scatter.add.f32 [tilespmem:s21], [sflag:$0x1], $0x80, s24, s24, $0xb8;
	[tilespmem:$0x18180] =	vst v63  }
0x8a: {  	_ =	swait.ge [sflag:s25], $0x4000  }
0x8b: {  	s29 =	simm.s32 $0x20;
	s28 =	simm.s32 $0x10;
	[sflag:s25] =	ssyncset.done $0x0  }
.LBB2_2:
0x8c: {  	s30 =	sadd.s32 s28, s20  }
0x8d: {  	[sflag:s25] =	ssyncadd.s32 $0xFFFFC000;
	s31 =	smov.u32 s29;
	s0 =	sadd.s32 $0x10, s29  }
0x8e: {  	[tilespmem:s3], [sflag:$0x2] =	stream.linear.gather [hbm4b:s30+s3], $0x80, $0x38;
	[tilespmem:$0x18180] =	vst v63  }
0x8f: {  	p0 =	sne.s32 s29, $0x4E0;
	_ =	swait.ge [sflag:s22], $0x80  }
0x90: {  	[sflag:s22] =	ssyncset.done $0x0  }
0x91: {  	s29 =	sadd.s32 s28, s19;
	s28 =	smov.u32 s31;
	[sflag:s22] =	ssyncadd.s32 $0xFFFFFF80  }
0x92: {  	[tilespmem:s24], [sflag:$0x2] =	stream.linear.gather [hbm4b:s29+s3], $0x80, $0x38;
	[tilespmem:$0x18180] =	vst v63  }
0x93: {  	_ =	swait.ge [sflag:s22], $0x80  }
0x94: {  	[sflag:s22] =	ssyncset.done $0x0  }
0x95: {  	[sflag:s22] =	ssyncadd.s32 $0xFFFFFF80  }
0x96: {  	[tilespmem:s21], [sflag:$0x1] =	stream.indirect.gather [hbm4b:s5+s24], $0x80, s3, s24, $0xb8;
	[tilespmem:$0x18180] =	vst v63  }
0x97: {  	_ =	swait.ge [sflag:s25], $0x4000  }
.Ltmp0:
0x98: {  	[sflag:s25] =	ssyncset.done $0x0;
	(pc) =	sbr.rel @p0 .LBB2_2-.Ltmp0, $4  }
0x99: {  	[sflag:s25] =	ssyncadd.s32 $0xFFFFC000  }
0x9a: {  	[spmem:s2] =	stream.indirect.scatter.add.f32 [tilespmem:s21], [sflag:$0x1], $0x80, s24, s24, $0xb8;
	[tilespmem:$0x18180] =	vst v63  }
0x9b: {  	_ =	swait.ge [sflag:s25], $0x4000  }
0x9c: {  	s29 =	smov.u32 s0;
	[sflag:s25] =	ssyncset.done $0x0  }
0x9d: {  	s0 =	sadd.s32 s28, s20;
	[sflag:s25] =	ssyncadd.s32 $0xFFFFC000  }
0x9e: {  	[tilespmem:s3], [sflag:$0x2] =	stream.linear.gather [hbm4b:s0+s3], $0x80, $0x38;
	[tilespmem:$0x18180] =	vst v63  }
0x9f: {  	_ =	swait.ge [sflag:s22], $0x80  }
0xa0: {  	[sflag:s22] =	ssyncset.done $0x0  }
0xa1: {  	s30 =	sadd.s32 s28, s19;
	[sflag:s22] =	ssyncadd.s32 $0xFFFFFF80  }
0xa2: {  	[tilespmem:s24], [sflag:$0x2] =	stream.linear.gather [hbm4b:s30+s3], $0x80, $0x38;
	[tilespmem:$0x18180] =	vst v63  }
0xa3: {  	_ =	swait.ge [sflag:s22], $0x80  }
0xa4: {  	[sflag:s22] =	ssyncset.done $0x0  }
0xa5: {  	[sflag:s22] =	ssyncadd.s32 $0xFFFFFF80  }
0xa6: {  	[tilespmem:s21], [sflag:$0x1] =	stream.indirect.gather [hbm4b:s5+s24], $0x80, s3, s24, $0xb8;
	[tilespmem:$0x18180] =	vst v63  }
0xa7: {  	_ =	swait.ge [sflag:s25], $0x4000  }
0xa8: {  	[sflag:s25] =	ssyncset.done $0x0  }
0xa9: {  	[sflag:s25] =	ssyncadd.s32 $0xFFFFC000  }
0xaa: {  	[spmem:s2] =	stream.indirect.scatter.add.f32 [tilespmem:s21], [sflag:$0x1], $0x80, s24, s24, $0xb8;
	[tilespmem:$0x18180] =	vst v63  }
0xab: {  	_ =	swait.ge [sflag:s25], $0x4000  }
0xac: {  	[sflag:s25] =	ssyncset.done $0x0  }
0xad: {  	[sflag:s25] =	ssyncadd.s32 $0xFFFFC000  }
0xae: {  	[bflag:$0x0] =	sbarrier.arrive $0xFFFF  }
0xaf: {  	[tilespmem:s23], [sflag:$0x2] =	stream.linear.gather [hbm4b:s8+s3], $0x80, $0x38;
	[tilespmem:$0x18180] =	vst v63  }
0xb0: {  	_ =	swait.ge [sflag:s22], $0x80  }
0xb1: {  	[sflag:s22] =	ssyncset.done $0x0  }
0xb2: {  	[sflag:s22] =	ssyncadd.s32 $0xFFFFFF80  }
0xb3: {  	[tilespmem:s21], [sflag:$0x1] =	stream.indirect.gather [spmem:s2], $0x80, s23, s24, $0xb8;
	[tilespmem:$0x18180] =	vst v63  }
0xb4: {  	_ =	swait.ge [sflag:s25], $0x4000  }
0xb5: {  	[sflag:s25] =	ssyncset.done $0x0  }
0xb6: {  	s31 =	sadd.s32 s14, s7;
	[sflag:s25] =	ssyncadd.s32 $0xFFFFC000  }
0xb7: {  	[hbm4b:s31+s3] =	stream.linear.scatter [tilespmem:s21], [sflag:$0x2], $0x4000, $0x38;
	[tilespmem:$0x18180] =	vst v63  }
0xb8: {  	_ =	swait.ge [sflag:s22], $0x4000  }
0xb9: {  	[sflag:s22] =	ssyncset.done $0x0  }
0xba: {  	[sflag:s22] =	ssyncadd.s32 $0xFFFFC000  }
0xbb: {  	[tilespmem:s23], [sflag:$0x2] =	stream.linear.gather [hbm4b:s10+s3], $0x80, $0x38;
	[tilespmem:$0x18180] =	vst v63  }
0xbc: {  	_ =	swait.ge [sflag:s22], $0x80  }
0xbd: {  	[sflag:s22] =	ssyncset.done $0x0  }
0xbe: {  	[sflag:s22] =	ssyncadd.s32 $0xFFFFFF80  }
0xbf: {  	[tilespmem:s21], [sflag:$0x1] =	stream.indirect.gather [spmem:s2], $0x80, s23, s24, $0xb8;
	[tilespmem:$0x18180] =	vst v63  }
0xc0: {  	_ =	swait.ge [sflag:s25], $0x4000  }
0xc1: {  	[sflag:s25] =	ssyncset.done $0x0  }
0xc2: {  	s28 =	sadd.s32 s15, s7;
	[sflag:s25] =	ssyncadd.s32 $0xFFFFC000  }
0xc3: {  	[hbm4b:s28+s3] =	stream.linear.scatter [tilespmem:s21], [sflag:$0x2], $0x4000, $0x38;
	[tilespmem:$0x18180] =	vst v63  }
0xc4: {  	_ =	swait.ge [sflag:s22], $0x4000  }
0xc5: {  	[sflag:s22] =	ssyncset.done $0x0  }
0xc6: {  	[sflag:s22] =	ssyncadd.s32 $0xFFFFC000  }
0xc7: {  	[tilespmem:s23], [sflag:$0x2] =	stream.linear.gather [hbm4b:s11+s3], $0x80, $0x38;
	[tilespmem:$0x18180] =	vst v63  }
0xc8: {  	_ =	swait.ge [sflag:s22], $0x80  }
0xc9: {  	[sflag:s22] =	ssyncset.done $0x0  }
0xca: {  	[sflag:s22] =	ssyncadd.s32 $0xFFFFFF80  }
0xcb: {  	[tilespmem:s21], [sflag:$0x1] =	stream.indirect.gather [spmem:s2], $0x80, s23, s24, $0xb8;
	[tilespmem:$0x18180] =	vst v63  }
0xcc: {  	_ =	swait.ge [sflag:s25], $0x4000  }
0xcd: {  	[sflag:s25] =	ssyncset.done $0x0  }
0xce: {  	s29 =	sadd.s32 s16, s7;
	[sflag:s25] =	ssyncadd.s32 $0xFFFFC000  }
0xcf: {  	[hbm4b:s29+s3] =	stream.linear.scatter [tilespmem:s21], [sflag:$0x2], $0x4000, $0x38;
	[tilespmem:$0x18180] =	vst v63  }
0xd0: {  	_ =	swait.ge [sflag:s22], $0x4000  }
0xd1: {  	[sflag:s22] =	ssyncset.done $0x0  }
0xd2: {  	[sflag:s22] =	ssyncadd.s32 $0xFFFFC000  }
0xd3: {  	[tilespmem:s23], [sflag:$0x2] =	stream.linear.gather [hbm4b:s12+s3], $0x80, $0x38;
	[tilespmem:$0x18180] =	vst v63  }
0xd4: {  	_ =	swait.ge [sflag:s22], $0x80  }
0xd5: {  	[sflag:s22] =	ssyncset.done $0x0  }
0xd6: {  	[sflag:s22] =	ssyncadd.s32 $0xFFFFFF80  }
0xd7: {  	[tilespmem:s21], [sflag:$0x1] =	stream.indirect.gather [spmem:s2], $0x80, s23, s24, $0xb8;
	[tilespmem:$0x18180] =	vst v63  }
0xd8: {  	_ =	swait.ge [sflag:s25], $0x4000  }
0xd9: {  	[sflag:s25] =	ssyncset.done $0x0  }
0xda: {  	s30 =	sadd.s32 s17, s7;
	[sflag:s25] =	ssyncadd.s32 $0xFFFFC000  }
0xdb: {  	[hbm4b:s30+s3] =	stream.linear.scatter [tilespmem:s21], [sflag:$0x2], $0x4000, $0x38;
	[tilespmem:$0x18180] =	vst v63  }
0xdc: {  	_ =	swait.ge [sflag:s22], $0x4000  }
0xdd: {  	[sflag:s22] =	ssyncset.done $0x0  }
0xde: {  	[sflag:s22] =	ssyncadd.s32 $0xFFFFC000  }
0xdf: {  	[tilespmem:s23], [sflag:$0x2] =	stream.linear.gather [hbm4b:s13+s3], $0x80, $0x38;
	[tilespmem:$0x18180] =	vst v63  }
0xe0: {  	_ =	swait.ge [sflag:s22], $0x80  }
0xe1: {  	[sflag:s22] =	ssyncset.done $0x0  }
0xe2: {  	[sflag:s22] =	ssyncadd.s32 $0xFFFFFF80  }
0xe3: {  	[tilespmem:s21], [sflag:$0x1] =	stream.indirect.gather [spmem:s2], $0x80, s23, s24, $0xb8;
	[tilespmem:$0x18180] =	vst v63  }
0xe4: {  	s26 =	sadd.s32 $0x1, s26;
	_ =	swait.ge [sflag:s25], $0x4000  }
0xe5: {  	p0 =	sne.s32 s26, s9;
	[sflag:s25] =	ssyncset.done $0x0  }
.Ltmp1:
0xe6: {  	s31 =	sadd.s32 s18, s7;
	[sflag:s25] =	ssyncadd.s32 $0xFFFFC000;
	(pc) =	sbr.rel @p0 .LBB2_1-.Ltmp1, $4  }
0xe7: {  	[hbm4b:s31+s3] =	stream.linear.scatter [tilespmem:s21], [sflag:$0x2], $0x4000, $0x38;
	[tilespmem:$0x18180] =	vst v63  }
0xe8: {  	_ =	swait.ge [sflag:s22], $0x4000  }
0xe9: {  	[sflag:s22] =	ssyncset.done $0x0  }
0xea: {  	[sflag:s22] =	ssyncadd.s32 $0xFFFFC000  }
0xeb: {  	_ =	sfence.sel $0x180000  }
0xec: {  	[bflag:$0x0] =	sbarrier.arrive $0xFFFF  }
0xed: {  	_ =	strace $0x9000004A  }
0xee: {  	[bflag:$0x2] =	sbarrier.arrive $0xFFFF  }
0xef: {  	p0 =	sne.s32 s4, $0x0;
	s0 =	rddreg [dreg:$0x3]  }
0xf0: {  	s0 =	sadd.s32 @!p0 $0x100000, s0  }
0xf1: {  	[sflag:s0] =	ssyncadd.tile.s32 @!p0 $0x1;
	_ =	shalt  }
.Lfunc_end2:
_tile_overlayer_lowered:
.L_overlay_start_2:
0xf2: {  	(tag) =	ssettag $0x2  }
0xf3: {  	s0 =	rddreg [dreg:$0x0];
	s2 =	stileid.u32  }
0xf4: {  	s1 =	rddreg [dreg:$0x1];
	p0 =	sne.s32 s2, $0x0  }
0xf5: {  	s3 =	rddreg [dreg:$0x2];
	[bflag:$0x3] =	sbarrier.arrive $0xFFFF;
	s2 =	simm.s32 @!p0 $0x1C02  }
0xf6: {  	[timem:s3], [sflag:s2] =	dma.local @!p0 [hbm:s0], s1  }
0xf7: {  	s0 =	simm.s32 @!p0 $0x2  }
0xf8: {  	_ =	swait.ge @!p0 [sflag:s0], s1  }
0xf9: {  	s1 =	ssub.s32 @!p0 $0x0, s1;
	[sflag:s0] =	ssyncset.done @!p0 $0x0  }
0xfa: {  	[sflag:s0] =	ssyncadd.s32 @!p0 s1  }
0xfb: {  	[bflag:$0x3] =	sbarrier.arrive $0xFFFF  }
0xfc: {  	_ =	shalt  }

</sc_bundles>
